<compile_context>
chip_gen: v7x
topology: tpu7x:2x2x1
jax: 0.10.2.dev20260603
libtpu: 0.0.44.dev20260713+nightly
codegen_flags: <defaults>
</compile_context>

<pallas_src>
import functools

import jax
import jax.numpy as jnp
from jax import lax
from jax.experimental import pallas as pl
from jax.experimental.pallas import tpu as pltpu
from jax.experimental.pallas import tpu_sc as plsc

N_NODES = 10000
DIM = 128
HID = 16
N_CLASSES = 40
NEG_SLOPE = 0.2

NC, NS, LANES = 2, 16, 16
NWORKERS = NC * NS
NPAD = 10112
ROWS_PER_TILE = NPAD // NS
PAD_DST = N_NODES + 8

N_EDGES = 320000
E2 = N_EDGES + N_NODES
CHUNK = 128
NCH = (E2 + NWORKERS * CHUNK - 1) // (NWORKERS * CHUNK)
EPT = NCH * CHUNK
EPAD = EPT * NWORKERS

_SC_PARAMS = dict(
    compiler_params=pltpu.CompilerParams(needs_layout_passes=False,
                                         use_tc_tiling_on_sc=False))

_EDGE_SCRATCH = [
    pltpu.VMEM((NCH, CHUNK), jnp.int32),
    pltpu.VMEM((NCH, CHUNK), jnp.int32),
    pltpu.VMEM((2 * NPAD,), jnp.float32),
    pltpu.VMEM((EPT + LANES,), jnp.float32),
    pltpu.VMEM((2, CHUNK, HID), jnp.float32),
    pltpu.VMEM((3, CHUNK, HID), jnp.float32),
    pltpu.VMEM_SHARED((NPAD, HID), jnp.float32),
    pltpu.VMEM_SHARED((NPAD,), jnp.float32),
    pltpu.SemaphoreType.DMA,
    pltpu.SemaphoreType.DMA,
]


_MID_SCRATCH = [
    pltpu.VMEM((ROWS_PER_TILE, HID), jnp.float32),
    pltpu.VMEM((ROWS_PER_TILE, HID), jnp.float32),
    pltpu.VMEM((ROWS_PER_TILE,), jnp.float32),
    pltpu.VMEM((ROWS_PER_TILE,), jnp.float32),
    pltpu.VMEM((ROWS_PER_TILE, HID), jnp.float32),
    pltpu.VMEM((ROWS_PER_TILE * HID,), jnp.float32),
    pltpu.VMEM((2, LANES), jnp.float32),
    pltpu.VMEM((LANES,), jnp.float32),
    pltpu.VMEM_SHARED((2 * NPAD,), jnp.float32),
]


def _mesh():
  return plsc.VectorSubcoreMesh(
      core_axis_name="c", subcore_axis_name="s", num_cores=NC, num_subcores=NS)


def _edge_phase(sid, src_v, dst_v, aflat_v, w_v, rows_v, scaled_v, acc,
                den, h_hbm, zacc_hbm, zden_hbm, gsem, ssem):
  pltpu.sync_copy(zacc_hbm, acc.at[pl.ds(sid * ROWS_PER_TILE, ROWS_PER_TILE)])
  pltpu.sync_copy(zden_hbm, den.at[pl.ds(sid * ROWS_PER_TILE, ROWS_PER_TILE)])

  def w_body(g, carry):
    for j in range(CHUNK // LANES):
      sv = src_v[g, pl.ds(j * LANES, LANES)]
      dv = dst_v[g, pl.ds(j * LANES, LANES)]
      a = (plsc.load_gather(aflat_v, [sv + sv]) +
           plsc.load_gather(aflat_v, [dv + dv + 1]))
      a = jnp.where(a >= 0.0, a, a * NEG_SLOPE)
      w_v[pl.ds(g * CHUNK + j * LANES, LANES)] = jnp.exp(a)
    return carry
  lax.fori_loop(0, NCH, w_body, 0)

  plsc.subcore_barrier()

  pltpu.async_copy(h_hbm.at[src_v.at[0]], rows_v.at[0], gsem)

  def chunk_body(g, carry):
    @pl.when(g < NCH - 1)
    def _():
      pltpu.async_copy(h_hbm.at[src_v.at[g + 1]], rows_v.at[(g + 1) % 2], gsem)
    pltpu.make_async_copy(h_hbm.at[src_v.at[g]], rows_v.at[g % 2], gsem).wait()

    @pl.when(g >= 3)
    def _():
      pltpu.make_async_copy(scaled_v.at[g % 3], acc.at[dst_v.at[g]],
                            ssem).wait()
      pltpu.make_async_copy(w_v.at[pl.ds(g * CHUNK, CHUNK)],
                            den.at[dst_v.at[g]], ssem).wait()

    def row_body(c, carry2):
      wv = w_v[pl.ds(g * CHUNK + c, LANES)][0]
      scaled_v[g % 3, c, pl.ds(0, HID)] = rows_v[g % 2, c, pl.ds(0, HID)] * wv
      return carry2
    lax.fori_loop(0, CHUNK, row_body, 0)

    pltpu.async_copy(scaled_v.at[g % 3], acc.at[dst_v.at[g]], ssem, add=True)
    pltpu.async_copy(w_v.at[pl.ds(g * CHUNK, CHUNK)], den.at[dst_v.at[g]],
                     ssem, add=True)
    return carry
  lax.fori_loop(0, NCH, chunk_body, 0)

  for gg in (NCH - 3, NCH - 2, NCH - 1):
    pltpu.make_async_copy(scaled_v.at[gg % 3], acc.at[dst_v.at[gg]],
                          ssem).wait()
    pltpu.make_async_copy(w_v.at[pl.ds(gg * CHUNK, CHUNK)],
                          den.at[dst_v.at[gg]], ssem).wait()

  plsc.subcore_barrier()


def _make_fused_kernel():
  @functools.partial(
      pl.kernel,
      out_type=(jax.ShapeDtypeStruct((NC, NPAD, HID), jnp.float32),
                jax.ShapeDtypeStruct((NC * NPAD,), jnp.float32),
                jax.ShapeDtypeStruct((NC, NPAD, HID), jnp.float32),
                jax.ShapeDtypeStruct((NC * NPAD,), jnp.float32),
                jax.ShapeDtypeStruct((NPAD, HID), jnp.float32)),
      mesh=_mesh(),
      scratch_types=_EDGE_SCRATCH + _MID_SCRATCH + [
          pltpu.SemaphoreType.REGULAR,
      ],
      **_SC_PARAMS,
  )
  def fused_kernel(src_hbm, dst_hbm, aflat_hbm, h_hbm, b1_hbm,
                   att2f_hbm, zacc_hbm, zden_hbm, acc1_hbm, den1_hbm,
                   accg_hbm, deng_hbm, g_hbm, src_v, dst_v, aflat_v,
                   w_v, rows_v, scaled_v, acc, den, gsem, ssem, t0_v, t1_v,
                   d0_v, d1_v, g_v, gflat_v, att_v, b_v, a2_sp,
                   bsem):
    cid = lax.axis_index("c")
    sid = lax.axis_index("s")
    wid = sid * NC + cid
    sl = pl.ds(sid * ROWS_PER_TILE, ROWS_PER_TILE)

    pltpu.sync_copy(src_hbm.at[wid], src_v)
    pltpu.sync_copy(dst_hbm.at[wid], dst_v)
    pltpu.sync_copy(aflat_hbm, aflat_v)

    _edge_phase(sid, src_v, dst_v, aflat_v, w_v, rows_v, scaled_v, acc,
                den, h_hbm, zacc_hbm, zden_hbm, gsem, ssem)
    pltpu.sync_copy(acc.at[sl], acc1_hbm.at[cid, sl])
    pltpu.sync_copy(den.at[sl],
                    den1_hbm.at[pl.ds(cid * NPAD + sid * ROWS_PER_TILE,
                                      ROWS_PER_TILE)])
    plsc.subcore_barrier()
    pltpu.core_barrier(bsem, core_axis_name="c")

    pltpu.sync_copy(acc1_hbm.at[0, sl], t0_v)
    pltpu.sync_copy(acc1_hbm.at[1, sl], t1_v)
    pltpu.sync_copy(
        den1_hbm.at[pl.ds(sid * ROWS_PER_TILE, ROWS_PER_TILE)], d0_v)
    pltpu.sync_copy(
        den1_hbm.at[pl.ds(NPAD + sid * ROWS_PER_TILE, ROWS_PER_TILE)], d1_v)
    pltpu.sync_copy(b1_hbm, b_v)
    pltpu.sync_copy(att2f_hbm, att_v)

    bias = b_v[pl.ds(0, LANES)]
    att_s = att_v[0, pl.ds(0, LANES)]
    att_d = att_v[1, pl.ds(0, LANES)]
    lane = lax.iota(jnp.int32, LANES)
    n_groups = (ROWS_PER_TILE + LANES - 1) // LANES

    def mid_body(rb, carry):
      rbase = jnp.minimum(rb * LANES, ROWS_PER_TILE - LANES)
      dn = d0_v[pl.ds(rbase, LANES)] + d1_v[pl.ds(rbase, LANES)]
      dn = jnp.where(dn == 0.0, 1.0, dn)
      rcp = 1.0 / dn
      for r in range(LANES):
        row = rbase + r
        srow = t0_v[row, pl.ds(0, HID)] + t1_v[row, pl.ds(0, HID)]
        grow = jnp.maximum(srow * rcp[r] + bias, 0.0)
        g_v[row, pl.ds(0, HID)] = grow
        gflat_v[pl.ds(row * HID, HID)] = grow
      flat16 = (lane + rbase) * HID
      a2s = jnp.zeros((LANES,), jnp.float32)
      a2d = jnp.zeros((LANES,), jnp.float32)
      for j in range(HID):
        col = plsc.load_gather(gflat_v, [flat16 + j])
        a2s = a2s + col * att_s[j]
        a2d = a2d + col * att_d[j]
      base2 = (sid * ROWS_PER_TILE + rbase) * 2
      idx2 = lane + lane + base2
      plsc.store_scatter(aflat_v, [idx2], a2s)
      plsc.store_scatter(aflat_v, [idx2 + 1], a2d)
      return carry
    lax.fori_loop(0, n_groups, mid_body, 0)

    pltpu.sync_copy(g_v, g_hbm.at[sl])
    sl2 = pl.ds(2 * sid * ROWS_PER_TILE, 2 * ROWS_PER_TILE)
    pltpu.sync_copy(aflat_v.at[sl2], a2_sp.at[sl2])
    plsc.subcore_barrier()
    pltpu.sync_copy(a2_sp, aflat_v)

    _edge_phase(sid, src_v, dst_v, aflat_v, w_v, rows_v, scaled_v, acc,
                den, g_hbm, zacc_hbm, zden_hbm, gsem, ssem)
    pltpu.sync_copy(acc.at[sl], accg_hbm.at[cid, sl])
    pltpu.sync_copy(den.at[sl],
                    deng_hbm.at[pl.ds(cid * NPAD + sid * ROWS_PER_TILE,
                                      ROWS_PER_TILE)])

  return fused_kernel


@functools.lru_cache(maxsize=None)
def _sc_kernels():
  return _make_fused_kernel()


def _tc1(x_ref, w1_ref, att_ref, att2t_ref, w2_ref, h_ref, a_ref, att2f_ref):
  h = jnp.dot(x_ref[...], w1_ref[...], preferred_element_type=jnp.float32)
  h_ref[0:N_NODES] = h
  h_ref[N_NODES:NPAD] = jnp.zeros((NPAD - N_NODES, HID), jnp.float32)
  a = jnp.dot(h, att_ref[...], preferred_element_type=jnp.float32)
  a_ref[0:N_NODES] = a
  a_ref[N_NODES:NPAD] = jnp.zeros((NPAD - N_NODES, 2), jnp.float32)
  att2f_ref[...] = lax.dot_general(
      att2t_ref[...], w2_ref[...], (((1,), (1,)), ((), ())),
      preferred_element_type=jnp.float32)


def _tc3(acc_ref, den_ref, w2_ref, b_ref, o_ref):
  s = acc_ref[0] + acc_ref[1]
  den = den_ref[0] + den_ref[1]
  den = jnp.where(den == 0.0, 1.0, den)
  m = (s / den)[0:N_NODES]
  z = jnp.dot(m, w2_ref[...], preferred_element_type=jnp.float32) + b_ref[...]
  mx = jnp.max(z, axis=1, keepdims=True)
  lse = jnp.log(jnp.sum(jnp.exp(z - mx), axis=1, keepdims=True))
  o_ref[...] = z - mx - lse


def kernel(x, edge_index, W1, att_src1, att_dst1, b1, W2, att_src2, att_dst2,
           b2):
  loop = jnp.arange(N_NODES, dtype=jnp.int32)
  src = jnp.concatenate([edge_index[0].astype(jnp.int32), loop,
                         jnp.zeros((EPAD - E2,), jnp.int32)])
  dst = jnp.concatenate([edge_index[1].astype(jnp.int32), loop,
                         jnp.full((EPAD - E2,), PAD_DST, jnp.int32)])
  src = src.reshape(NWORKERS, NCH, CHUNK)
  dst = dst.reshape(NWORKERS, NCH, CHUNK)

  att1 = jnp.stack([att_src1, att_dst1], axis=1)
  att2t = jnp.stack([att_src2, att_dst2], axis=0)
  zacc = jnp.zeros((ROWS_PER_TILE, HID), jnp.float32)
  zden = jnp.zeros((ROWS_PER_TILE,), jnp.float32)
  edge_fused = _sc_kernels()

  h1, a1, att2f = pl.pallas_call(
      _tc1,
      out_shape=[jax.ShapeDtypeStruct((NPAD, HID), jnp.float32),
                 jax.ShapeDtypeStruct((NPAD, 2), jnp.float32),
                 jax.ShapeDtypeStruct((2, HID), jnp.float32)],
  )(x, W1, att1, att2t, W2)

  _, _, acc2, den2, _ = edge_fused(src, dst, a1.reshape(2 * NPAD), h1, b1,
                                   att2f, zacc, zden)

  out = pl.pallas_call(
      _tc3,
      out_shape=jax.ShapeDtypeStruct((N_NODES, N_CLASSES), jnp.float32),
  )(acc2, den2.reshape(NC, NPAD, 1), W2, b2.reshape(1, N_CLASSES))
  return out

# --- scband reference (transcript-rebuilt; emitter-appended) ---
"""Pipeline reference for scband-gat-15023795602157 (READ-ONLY COPY).

The authoritative reference and input builder live on the scoring server;
editing this copy changes nothing except your own understanding.
"""

import jax, jax.numpy as jnp
import numpy as np

N_NODES = 10000
N_EDGES = 320000
DIM = 128
HID = 16
N_CLASSES = 40
NEG_SLOPE = 0.2


def gat_conv(x, src, dst, W, att_src, att_dst, b, num_nodes):
    # PyG GATConv, heads=1, add_self_loops handled by caller
    h = x @ W                      # [N, C]
    a_src = h @ att_src            # [N]
    a_dst = h @ att_dst            # [N]
    alpha = a_src[src] + a_dst[dst]            # gather per edge
    alpha = jax.nn.leaky_relu(alpha, NEG_SLOPE)
    amax = jax.ops.segment_max(alpha, dst, num_segments=num_nodes)
    alpha = jnp.exp(alpha - amax[dst])
    denom = jax.ops.segment_sum(alpha, dst, num_segments=num_nodes)
    alpha = alpha / denom[dst]
    out = jax.ops.segment_sum(h[src] * alpha[:, None], dst, num_segments=num_nodes)
    return out + b


def setup_inputs(seed: int = 0) -> dict:
    key = jax.random.key(seed)
    k = jax.random.split(key, 10)
    x = jax.random.normal(k[0], (N_NODES, DIM), dtype=jnp.float32)
    edge_index = jax.random.randint(k[1], (2, N_EDGES), 0, N_NODES, dtype=jnp.int64)
    W1 = jax.random.normal(k[2], (DIM, HID), dtype=jnp.float32) * (1.0 / np.sqrt(DIM))
    att_src1 = jax.random.normal(k[3], (HID,), dtype=jnp.float32) * (1.0 / np.sqrt(HID))
    att_dst1 = jax.random.normal(k[4], (HID,), dtype=jnp.float32) * (1.0 / np.sqrt(HID))
    b1 = jnp.zeros((HID,), dtype=jnp.float32)
    W2 = jax.random.normal(k[5], (HID, N_CLASSES), dtype=jnp.float32) * (1.0 / np.sqrt(HID))
    att_src2 = jax.random.normal(k[6], (N_CLASSES,), dtype=jnp.float32) * (1.0 / np.sqrt(N_CLASSES))
    att_dst2 = jax.random.normal(k[7], (N_CLASSES,), dtype=jnp.float32) * (1.0 / np.sqrt(N_CLASSES))
    b2 = jnp.zeros((N_CLASSES,), dtype=jnp.float32)
    return {"x": x, "edge_index": edge_index, "W1": W1, "att_src1": att_src1,
            "att_dst1": att_dst1, "b1": b1, "W2": W2, "att_src2": att_src2,
            "att_dst2": att_dst2, "b2": b2}


def reference(x, edge_index, W1, att_src1, att_dst1, b1, W2, att_src2, att_dst2, b2):
    num_nodes = x.shape[0]
    # add self loops (PyG GATConv default add_self_loops=True)
    loop = jnp.arange(num_nodes, dtype=edge_index.dtype)
    src = jnp.concatenate([edge_index[0], loop])
    dst = jnp.concatenate([edge_index[1], loop])
    h = gat_conv(x, src, dst, W1, att_src1, att_dst1, b1, num_nodes)
    h = jax.nn.relu(h)
    # F.dropout treated as identity for deterministic reference
    h = gat_conv(h, src, dst, W2, att_src2, att_dst2, b2, num_nodes)
    return jax.nn.log_softmax(h, axis=1)

if __name__ == "__main__":
    import jax
    _d = setup_inputs()
    print(jax.jit(kernel)(*tuple(_d.values())))

</pallas_src>

<mosaic_0001>
#map = affine_map<(d0, d1) -> (0, 0, 0)>
#map1 = affine_map<(d0, d1) -> (0)>
#map2 = affine_map<(d0, d1) -> (0, 0)>
module attributes {stable_mosaic.version = 14 : i64} {
  func.func @fused_kernel(%arg0: i32, %arg1: i32, %arg2: memref<32x81x128xi32, #tpu.memory_space<hbm>>, %arg3: memref<32x81x128xi32, #tpu.memory_space<hbm>>, %arg4: memref<20224xf32, #tpu.memory_space<hbm>>, %arg5: memref<10112x16xf32, #tpu.memory_space<hbm>>, %arg6: memref<16xf32, #tpu.memory_space<hbm>>, %arg7: memref<2x16xf32, #tpu.memory_space<hbm>>, %arg8: memref<632x16xf32, #tpu.memory_space<hbm>>, %arg9: memref<632xf32, #tpu.memory_space<hbm>>, %arg10: memref<2x10112x16xf32, #tpu.memory_space<hbm>>, %arg11: memref<20224xf32, #tpu.memory_space<hbm>>, %arg12: memref<2x10112x16xf32, #tpu.memory_space<hbm>>, %arg13: memref<20224xf32, #tpu.memory_space<hbm>>, %arg14: memref<10112x16xf32, #tpu.memory_space<hbm>>, %arg15: memref<81x128xi32, #tpu.memory_space<vmem>>, %arg16: memref<81x128xi32, #tpu.memory_space<vmem>>, %arg17: memref<20224xf32, #tpu.memory_space<vmem>>, %arg18: memref<10384xf32, #tpu.memory_space<vmem>>, %arg19: memref<2x128x16xf32, #tpu.memory_space<vmem>>, %arg20: memref<3x128x16xf32, #tpu.memory_space<vmem>>, %arg21: memref<10112x16xf32, #tpu.memory_space<vmem_shared>>, %arg22: memref<10112xf32, #tpu.memory_space<vmem_shared>>, %arg23: memref<!tpu.dma_semaphore, #tpu.memory_space<semaphore_mem>>, %arg24: memref<!tpu.dma_semaphore, #tpu.memory_space<semaphore_mem>>, %arg25: memref<632x16xf32, #tpu.memory_space<vmem>>, %arg26: memref<632x16xf32, #tpu.memory_space<vmem>>, %arg27: memref<632xf32, #tpu.memory_space<vmem>>, %arg28: memref<632xf32, #tpu.memory_space<vmem>>, %arg29: memref<632x16xf32, #tpu.memory_space<vmem>>, %arg30: memref<10112xf32, #tpu.memory_space<vmem>>, %arg31: memref<2x16xf32, #tpu.memory_space<vmem>>, %arg32: memref<16xf32, #tpu.memory_space<vmem>>, %arg33: memref<20224xf32, #tpu.memory_space<vmem_shared>>, %arg34: memref<!tpu.semaphore, #tpu.memory_space<semaphore_mem>>) attributes {dimension_semantics = [#tpu.dimension_semantics<core_parallel>, #tpu.dimension_semantics<subcore_parallel>], iteration_bounds = array<i64: 2, 16>, scalar_prefetch = 0 : i64, scratch_operands = 20 : i64, tpu.core_type = #tpu.core_type<sc_vector_subcore>, window_params = [{transform_indices = #map}, {transform_indices = #map}, {transform_indices = #map1}, {transform_indices = #map2}, {transform_indices = #map1}, {transform_indices = #map2}, {transform_indices = #map2}, {transform_indices = #map1}, {transform_indices = #map}, {transform_indices = #map1}, {transform_indices = #map}, {transform_indices = #map1}, {transform_indices = #map2}]} {
    %mul3A = arith.constant 2 : i32
    %mul3A_0 = arith.muli %arg1, %mul3A : i32
    %add3A = arith.addi %mul3A_0, %arg0 : i32
    %mul3A_1 = arith.constant 632 : i32
    %mul3A_2 = arith.muli %arg1, %mul3A_1 : i32
    "tpu.region"() ({
      %run_scoped3A_225 = tpu.sem_alloc : memref<!tpu.dma_semaphore, #tpu.memory_space<semaphore_mem>>
      %dma_start3A_226 = arith.constant 0 : i32
      %dma_start3A_227 = arith.constant 0 : i32
      %dma_start3A_228 = tpu.memref_slice %arg2[%add3A, %dma_start3A_226, %dma_start3A_227] : memref<32x81x128xi32, #tpu.memory_space<hbm>> -> memref<1x81x128xi32, #tpu.memory_space<hbm>>
      %dma_start3A_229 = tpu.memref_squeeze %dma_start3A_228 : memref<1x81x128xi32, #tpu.memory_space<hbm>> -> memref<81x128xi32, #tpu.memory_space<hbm>>
      %dma_start3A_230 = arith.constant 0 : i32
      %dma_start3A_231 = arith.constant 0 : i32
      %dma_start3A_232 = tpu.memref_slice %arg2[%add3A, %dma_start3A_230, %dma_start3A_231] : memref<32x81x128xi32, #tpu.memory_space<hbm>> -> memref<1x81x128xi32, #tpu.memory_space<hbm>>
      %dma_start3A_233 = tpu.memref_squeeze %dma_start3A_232 : memref<1x81x128xi32, #tpu.memory_space<hbm>> -> memref<81x128xi32, #tpu.memory_space<hbm>>
      tpu.enqueue_dma source(%dma_start3A_233 : memref<81x128xi32, #tpu.memory_space<hbm>>) target(%arg15 : memref<81x128xi32, #tpu.memory_space<vmem>>) target_semaphore(%run_scoped3A_225 : memref<!tpu.dma_semaphore, #tpu.memory_space<semaphore_mem>>)
      %dma_wait3A_234 = arith.constant 0 : i32
      %dma_wait3A_235 = arith.constant 0 : i32
      %dma_wait3A_236 = tpu.memref_slice %arg2[%add3A, %dma_wait3A_234, %dma_wait3A_235] : memref<32x81x128xi32, #tpu.memory_space<hbm>> -> memref<1x81x128xi32, #tpu.memory_space<hbm>>
      %dma_wait3A_237 = tpu.memref_squeeze %dma_wait3A_236 : memref<1x81x128xi32, #tpu.memory_space<hbm>> -> memref<81x128xi32, #tpu.memory_space<hbm>>
      %dma_wait3A_238 = arith.constant 0 : i32
      %dma_wait3A_239 = arith.constant 0 : i32
      %dma_wait3A_240 = tpu.memref_slice %arg2[%add3A, %dma_wait3A_238, %dma_wait3A_239] : memref<32x81x128xi32, #tpu.memory_space<hbm>> -> memref<1x81x128xi32, #tpu.memory_space<hbm>>
      %dma_wait3A_241 = tpu.memref_squeeze %dma_wait3A_240 : memref<1x81x128xi32, #tpu.memory_space<hbm>> -> memref<81x128xi32, #tpu.memory_space<hbm>>
      tpu.wait_dma2 semaphore(%run_scoped3A_225 : memref<!tpu.dma_semaphore, #tpu.memory_space<semaphore_mem>>) src(%dma_wait3A_241 : memref<81x128xi32, #tpu.memory_space<hbm>>) dst(%arg15 : memref<81x128xi32, #tpu.memory_space<vmem>>)
      tpu.yield
    }) : () -> ()
    "tpu.region"() ({
      %run_scoped3A_225 = tpu.sem_alloc : memref<!tpu.dma_semaphore, #tpu.memory_space<semaphore_mem>>
      %dma_start3A_226 = arith.constant 0 : i32
      %dma_start3A_227 = arith.constant 0 : i32
      %dma_start3A_228 = tpu.memref_slice %arg3[%add3A, %dma_start3A_226, %dma_start3A_227] : memref<32x81x128xi32, #tpu.memory_space<hbm>> -> memref<1x81x128xi32, #tpu.memory_space<hbm>>
      %dma_start3A_229 = tpu.memref_squeeze %dma_start3A_228 : memref<1x81x128xi32, #tpu.memory_space<hbm>> -> memref<81x128xi32, #tpu.memory_space<hbm>>
      %dma_start3A_230 = arith.constant 0 : i32
      %dma_start3A_231 = arith.constant 0 : i32
      %dma_start3A_232 = tpu.memref_slice %arg3[%add3A, %dma_start3A_230, %dma_start3A_231] : memref<32x81x128xi32, #tpu.memory_space<hbm>> -> memref<1x81x128xi32, #tpu.memory_space<hbm>>
      %dma_start3A_233 = tpu.memref_squeeze %dma_start3A_232 : memref<1x81x128xi32, #tpu.memory_space<hbm>> -> memref<81x128xi32, #tpu.memory_space<hbm>>
      tpu.enqueue_dma source(%dma_start3A_233 : memref<81x128xi32, #tpu.memory_space<hbm>>) target(%arg16 : memref<81x128xi32, #tpu.memory_space<vmem>>) target_semaphore(%run_scoped3A_225 : memref<!tpu.dma_semaphore, #tpu.memory_space<semaphore_mem>>)
      %dma_wait3A_234 = arith.constant 0 : i32
      %dma_wait3A_235 = arith.constant 0 : i32
      %dma_wait3A_236 = tpu.memref_slice %arg3[%add3A, %dma_wait3A_234, %dma_wait3A_235] : memref<32x81x128xi32, #tpu.memory_space<hbm>> -> memref<1x81x128xi32, #tpu.memory_space<hbm>>
      %dma_wait3A_237 = tpu.memref_squeeze %dma_wait3A_236 : memref<1x81x128xi32, #tpu.memory_space<hbm>> -> memref<81x128xi32, #tpu.memory_space<hbm>>
      %dma_wait3A_238 = arith.constant 0 : i32
      %dma_wait3A_239 = arith.constant 0 : i32
      %dma_wait3A_240 = tpu.memref_slice %arg3[%add3A, %dma_wait3A_238, %dma_wait3A_239] : memref<32x81x128xi32, #tpu.memory_space<hbm>> -> memref<1x81x128xi32, #tpu.memory_space<hbm>>
      %dma_wait3A_241 = tpu.memref_squeeze %dma_wait3A_240 : memref<1x81x128xi32, #tpu.memory_space<hbm>> -> memref<81x128xi32, #tpu.memory_space<hbm>>
      tpu.wait_dma2 semaphore(%run_scoped3A_225 : memref<!tpu.dma_semaphore, #tpu.memory_space<semaphore_mem>>) src(%dma_wait3A_241 : memref<81x128xi32, #tpu.memory_space<hbm>>) dst(%arg16 : memref<81x128xi32, #tpu.memory_space<vmem>>)
      tpu.yield
    }) : () -> ()
    "tpu.region"() ({
      %run_scoped3A_225 = tpu.sem_alloc : memref<!tpu.dma_semaphore, #tpu.memory_space<semaphore_mem>>
      tpu.enqueue_dma source(%arg4 : memref<20224xf32, #tpu.memory_space<hbm>>) target(%arg17 : memref<20224xf32, #tpu.memory_space<vmem>>) target_semaphore(%run_scoped3A_225 : memref<!tpu.dma_semaphore, #tpu.memory_space<semaphore_mem>>)
      tpu.wait_dma2 semaphore(%run_scoped3A_225 : memref<!tpu.dma_semaphore, #tpu.memory_space<semaphore_mem>>) src(%arg4 : memref<20224xf32, #tpu.memory_space<hbm>>) dst(%arg17 : memref<20224xf32, #tpu.memory_space<vmem>>)
      tpu.yield
    }) : () -> ()
    %mul3A_3 = arith.constant 632 : i32
    %mul3A_4 = arith.muli %arg1, %mul3A_3 : i32
    "tpu.region"() ({
      %run_scoped3A_225 = tpu.sem_alloc : memref<!tpu.dma_semaphore, #tpu.memory_space<semaphore_mem>>
      %dma_start3A_226 = arith.constant 0 : i32
      %dma_start3A_227 = tpu.memref_slice %arg21[%mul3A_4, %dma_start3A_226] : memref<10112x16xf32, #tpu.memory_space<vmem_shared>> -> memref<632x16xf32, #tpu.memory_space<vmem_shared>>
      tpu.enqueue_dma source(%arg8 : memref<632x16xf32, #tpu.memory_space<hbm>>) target(%dma_start3A_227 : memref<632x16xf32, #tpu.memory_space<vmem_shared>>) target_semaphore(%run_scoped3A_225 : memref<!tpu.dma_semaphore, #tpu.memory_space<semaphore_mem>>)
      %dma_wait3A_228 = arith.constant 0 : i32
      %dma_wait3A_229 = tpu.memref_slice %arg21[%mul3A_4, %dma_wait3A_228] : memref<10112x16xf32, #tpu.memory_space<vmem_shared>> -> memref<632x16xf32, #tpu.memory_space<vmem_shared>>
      tpu.wait_dma2 semaphore(%run_scoped3A_225 : memref<!tpu.dma_semaphore, #tpu.memory_space<semaphore_mem>>) src(%arg8 : memref<632x16xf32, #tpu.memory_space<hbm>>) dst(%dma_wait3A_229 : memref<632x16xf32, #tpu.memory_space<vmem_shared>>)
      tpu.yield
    }) : () -> ()
    %mul3A_5 = arith.constant 632 : i32
    %mul3A_6 = arith.muli %arg1, %mul3A_5 : i32
    "tpu.region"() ({
      %run_scoped3A_225 = tpu.sem_alloc : memref<!tpu.dma_semaphore, #tpu.memory_space<semaphore_mem>>
      %dma_start3A_226 = tpu.memref_slice %arg22[%mul3A_6] : memref<10112xf32, #tpu.memory_space<vmem_shared>> -> memref<632xf32, #tpu.memory_space<vmem_shared>>
      tpu.enqueue_dma source(%arg9 : memref<632xf32, #tpu.memory_space<hbm>>) target(%dma_start3A_226 : memref<632xf32, #tpu.memory_space<vmem_shared>>) target_semaphore(%run_scoped3A_225 : memref<!tpu.dma_semaphore, #tpu.memory_space<semaphore_mem>>)
      %dma_wait3A_227 = tpu.memref_slice %arg22[%mul3A_6] : memref<10112xf32, #tpu.memory_space<vmem_shared>> -> memref<632xf32, #tpu.memory_space<vmem_shared>>
      tpu.wait_dma2 semaphore(%run_scoped3A_225 : memref<!tpu.dma_semaphore, #tpu.memory_space<semaphore_mem>>) src(%arg9 : memref<632xf32, #tpu.memory_space<hbm>>) dst(%dma_wait3A_227 : memref<632xf32, #tpu.memory_space<vmem_shared>>)
      tpu.yield
    }) : () -> ()
    %scan3A = arith.constant 0 : i32
    %scan3A_7 = arith.constant 0 : i32
    %scan3A_8 = arith.constant 81 : i32
    %scan3A_9 = arith.addi %scan3A_7, %scan3A_8 : i32
    %scan3A_10 = arith.constant 1 : i32
    scf.for %scan3A_225 = %scan3A_7 to %scan3A_9 step %scan3A_10  : i32 {
      %get3A_226 = arith.index_cast %scan3A_225 : i32 to index
      %get3A_227 = arith.constant 0 : index
      %get3A_228 = tpu.vector_load %arg15[%get3A_226, %get3A_227] {strides = array<i32>} : memref<81x128xi32, #tpu.memory_space<vmem>>, vector<16xi32>,
      %get3A_229 = arith.index_cast %scan3A_225 : i32 to index
      %get3A_230 = arith.constant 0 : index
      %get3A_231 = tpu.vector_load %arg16[%get3A_229, %get3A_230] {strides = array<i32>} : memref<81x128xi32, #tpu.memory_space<vmem>>, vector<16xi32>,
      %add3A_232 = arith.addi %get3A_228, %get3A_228 : vector<16xi32>
      %gather3A = tpu.vector_load_idx %arg17[%add3A_232] : memref<20224xf32, #tpu.memory_space<vmem>>[vector<16xi32>], vector<16xf32>,
      %add3A_233 = arith.addi %get3A_231, %get3A_231 : vector<16xi32>
      %add3A_234 = arith.constant 1 : i32
      %add3A_235 = vector.broadcast %add3A_234 : i32 to vector<16xi32>
      %add3A_236 = arith.addi %add3A_233, %add3A_235 : vector<16xi32>
      %gather3A_237 = tpu.vector_load_idx %arg17[%add3A_236] : memref<20224xf32, #tpu.memory_space<vmem>>[vector<16xi32>], vector<16xf32>,
      %add3A_238 = arith.addf %gather3A, %gather3A_237 : vector<16xf32>
      %ge3A = arith.constant 0.000000e+00 : f32
      %ge3A_239 = vector.broadcast %ge3A : f32 to vector<16xf32>
      %ge3A_240 = arith.cmpf oge, %add3A_238, %ge3A_239 : vector<16xf32>
      %mul3A_241 = arith.constant 2.000000e-01 : f32
      %mul3A_242 = vector.broadcast %mul3A_241 : f32 to vector<16xf32>
      %mul3A_243 = arith.mulf %add3A_238, %mul3A_242 : vector<16xf32>
      %select_n3A = arith.select %ge3A_240, %add3A_238, %mul3A_243 : vector<16xi1>, vector<16xf32>
      %exp3A = math.exp %select_n3A : vector<16xf32>
      %mul3A_244 = arith.constant 128 : i32
      %mul3A_245 = arith.muli %scan3A_225, %mul3A_244 : i32
      %add3A_246 = arith.constant 0 : i32
      %add3A_247 = arith.addi %mul3A_245, %add3A_246 : i32
      %swap3A = arith.index_cast %add3A_247 : i32 to index
      %swap3A_248 = tpu.vector_load %arg18[%swap3A] {strides = array<i32>} : memref<10384xf32, #tpu.memory_space<vmem>>, vector<16xf32>,
      tpu.vector_store %arg18[%swap3A], %exp3A {strides = array<i32>} : memref<10384xf32, #tpu.memory_space<vmem>>, vector<16xf32>,
      %get3A_249 = arith.index_cast %scan3A_225 : i32 to index
      %get3A_250 = arith.constant 16 : index
      %get3A_251 = tpu.vector_load %arg15[%get3A_249, %get3A_250] {strides = array<i32>} : memref<81x128xi32, #tpu.memory_space<vmem>>, vector<16xi32>,
      %get3A_252 = arith.index_cast %scan3A_225 : i32 to index
      %get3A_253 = arith.constant 16 : index
      %get3A_254 = tpu.vector_load %arg16[%get3A_252, %get3A_253] {strides = array<i32>} : memref<81x128xi32, #tpu.memory_space<vmem>>, vector<16xi32>,
      %add3A_255 = arith.addi %get3A_251, %get3A_251 : vector<16xi32>
      %gather3A_256 = tpu.vector_load_idx %arg17[%add3A_255] : memref<20224xf32, #tpu.memory_space<vmem>>[vector<16xi32>], vector<16xf32>,
      %add3A_257 = arith.addi %get3A_254, %get3A_254 : vector<16xi32>
      %add3A_258 = arith.constant 1 : i32
      %add3A_259 = vector.broadcast %add3A_258 : i32 to vector<16xi32>
      %add3A_260 = arith.addi %add3A_257, %add3A_259 : vector<16xi32>
      %gather3A_261 = tpu.vector_load_idx %arg17[%add3A_260] : memref<20224xf32, #tpu.memory_space<vmem>>[vector<16xi32>], vector<16xf32>,
      %add3A_262 = arith.addf %gather3A_256, %gather3A_261 : vector<16xf32>
      %ge3A_263 = arith.constant 0.000000e+00 : f32
      %ge3A_264 = vector.broadcast %ge3A_263 : f32 to vector<16xf32>
      %ge3A_265 = arith.cmpf oge, %add3A_262, %ge3A_264 : vector<16xf32>
      %mul3A_266 = arith.constant 2.000000e-01 : f32
      %mul3A_267 = vector.broadcast %mul3A_266 : f32 to vector<16xf32>
      %mul3A_268 = arith.mulf %add3A_262, %mul3A_267 : vector<16xf32>
      %select_n3A_269 = arith.select %ge3A_265, %add3A_262, %mul3A_268 : vector<16xi1>, vector<16xf32>
      %exp3A_270 = math.exp %select_n3A_269 : vector<16xf32>
      %mul3A_271 = arith.constant 128 : i32
      %mul3A_272 = arith.muli %scan3A_225, %mul3A_271 : i32
      %add3A_273 = arith.constant 16 : i32
      %add3A_274 = arith.addi %mul3A_272, %add3A_273 : i32
      %swap3A_275 = arith.index_cast %add3A_274 : i32 to index
      %swap3A_276 = tpu.vector_load %arg18[%swap3A_275] {strides = array<i32>} : memref<10384xf32, #tpu.memory_space<vmem>>, vector<16xf32>,
      tpu.vector_store %arg18[%swap3A_275], %exp3A_270 {strides = array<i32>} : memref<10384xf32, #tpu.memory_space<vmem>>, vector<16xf32>,
      %get3A_277 = arith.index_cast %scan3A_225 : i32 to index
      %get3A_278 = arith.constant 32 : index
      %get3A_279 = tpu.vector_load %arg15[%get3A_277, %get3A_278] {strides = array<i32>} : memref<81x128xi32, #tpu.memory_space<vmem>>, vector<16xi32>,
      %get3A_280 = arith.index_cast %scan3A_225 : i32 to index
      %get3A_281 = arith.constant 32 : index
      %get3A_282 = tpu.vector_load %arg16[%get3A_280, %get3A_281] {strides = array<i32>} : memref<81x128xi32, #tpu.memory_space<vmem>>, vector<16xi32>,
      %add3A_283 = arith.addi %get3A_279, %get3A_279 : vector<16xi32>
      %gather3A_284 = tpu.vector_load_idx %arg17[%add3A_283] : memref<20224xf32, #tpu.memory_space<vmem>>[vector<16xi32>], vector<16xf32>,
      %add3A_285 = arith.addi %get3A_282, %get3A_282 : vector<16xi32>
      %add3A_286 = arith.constant 1 : i32
      %add3A_287 = vector.broadcast %add3A_286 : i32 to vector<16xi32>
      %add3A_288 = arith.addi %add3A_285, %add3A_287 : vector<16xi32>
      %gather3A_289 = tpu.vector_load_idx %arg17[%add3A_288] : memref<20224xf32, #tpu.memory_space<vmem>>[vector<16xi32>], vector<16xf32>,
      %add3A_290 = arith.addf %gather3A_284, %gather3A_289 : vector<16xf32>
      %ge3A_291 = arith.constant 0.000000e+00 : f32
      %ge3A_292 = vector.broadcast %ge3A_291 : f32 to vector<16xf32>
      %ge3A_293 = arith.cmpf oge, %add3A_290, %ge3A_292 : vector<16xf32>
      %mul3A_294 = arith.constant 2.000000e-01 : f32
      %mul3A_295 = vector.broadcast %mul3A_294 : f32 to vector<16xf32>
      %mul3A_296 = arith.mulf %add3A_290, %mul3A_295 : vector<16xf32>
      %select_n3A_297 = arith.select %ge3A_293, %add3A_290, %mul3A_296 : vector<16xi1>, vector<16xf32>
      %exp3A_298 = math.exp %select_n3A_297 : vector<16xf32>
      %mul3A_299 = arith.constant 128 : i32
      %mul3A_300 = arith.muli %scan3A_225, %mul3A_299 : i32
      %add3A_301 = arith.constant 32 : i32
      %add3A_302 = arith.addi %mul3A_300, %add3A_301 : i32
      %swap3A_303 = arith.index_cast %add3A_302 : i32 to index
      %swap3A_304 = tpu.vector_load %arg18[%swap3A_303] {strides = array<i32>} : memref<10384xf32, #tpu.memory_space<vmem>>, vector<16xf32>,
      tpu.vector_store %arg18[%swap3A_303], %exp3A_298 {strides = array<i32>} : memref<10384xf32, #tpu.memory_space<vmem>>, vector<16xf32>,
      %get3A_305 = arith.index_cast %scan3A_225 : i32 to index
      %get3A_306 = arith.constant 48 : index
      %get3A_307 = tpu.vector_load %arg15[%get3A_305, %get3A_306] {strides = array<i32>} : memref<81x128xi32, #tpu.memory_space<vmem>>, vector<16xi32>,
      %get3A_308 = arith.index_cast %scan3A_225 : i32 to index
      %get3A_309 = arith.constant 48 : index
      %get3A_310 = tpu.vector_load %arg16[%get3A_308, %get3A_309] {strides = array<i32>} : memref<81x128xi32, #tpu.memory_space<vmem>>, vector<16xi32>,
      %add3A_311 = arith.addi %get3A_307, %get3A_307 : vector<16xi32>
      %gather3A_312 = tpu.vector_load_idx %arg17[%add3A_311] : memref<20224xf32, #tpu.memory_space<vmem>>[vector<16xi32>], vector<16xf32>,
      %add3A_313 = arith.addi %get3A_310, %get3A_310 : vector<16xi32>
      %add3A_314 = arith.constant 1 : i32
      %add3A_315 = vector.broadcast %add3A_314 : i32 to vector<16xi32>
      %add3A_316 = arith.addi %add3A_313, %add3A_315 : vector<16xi32>
      %gather3A_317 = tpu.vector_load_idx %arg17[%add3A_316] : memref<20224xf32, #tpu.memory_space<vmem>>[vector<16xi32>], vector<16xf32>,
      %add3A_318 = arith.addf %gather3A_312, %gather3A_317 : vector<16xf32>
      %ge3A_319 = arith.constant 0.000000e+00 : f32
      %ge3A_320 = vector.broadcast %ge3A_319 : f32 to vector<16xf32>
      %ge3A_321 = arith.cmpf oge, %add3A_318, %ge3A_320 : vector<16xf32>
      %mul3A_322 = arith.constant 2.000000e-01 : f32
      %mul3A_323 = vector.broadcast %mul3A_322 : f32 to vector<16xf32>
      %mul3A_324 = arith.mulf %add3A_318, %mul3A_323 : vector<16xf32>
      %select_n3A_325 = arith.select %ge3A_321, %add3A_318, %mul3A_324 : vector<16xi1>, vector<16xf32>
      %exp3A_326 = math.exp %select_n3A_325 : vector<16xf32>
      %mul3A_327 = arith.constant 128 : i32
      %mul3A_328 = arith.muli %scan3A_225, %mul3A_327 : i32
      %add3A_329 = arith.constant 48 : i32
      %add3A_330 = arith.addi %mul3A_328, %add3A_329 : i32
      %swap3A_331 = arith.index_cast %add3A_330 : i32 to index
      %swap3A_332 = tpu.vector_load %arg18[%swap3A_331] {strides = array<i32>} : memref<10384xf32, #tpu.memory_space<vmem>>, vector<16xf32>,
      tpu.vector_store %arg18[%swap3A_331], %exp3A_326 {strides = array<i32>} : memref<10384xf32, #tpu.memory_space<vmem>>, vector<16xf32>,
      %get3A_333 = arith.index_cast %scan3A_225 : i32 to index
      %get3A_334 = arith.constant 64 : index
      %get3A_335 = tpu.vector_load %arg15[%get3A_333, %get3A_334] {strides = array<i32>} : memref<81x128xi32, #tpu.memory_space<vmem>>, vector<16xi32>,
      %get3A_336 = arith.index_cast %scan3A_225 : i32 to index
      %get3A_337 = arith.constant 64 : index
      %get3A_338 = tpu.vector_load %arg16[%get3A_336, %get3A_337] {strides = array<i32>} : memref<81x128xi32, #tpu.memory_space<vmem>>, vector<16xi32>,
      %add3A_339 = arith.addi %get3A_335, %get3A_335 : vector<16xi32>
      %gather3A_340 = tpu.vector_load_idx %arg17[%add3A_339] : memref<20224xf32, #tpu.memory_space<vmem>>[vector<16xi32>], vector<16xf32>,
      %add3A_341 = arith.addi %get3A_338, %get3A_338 : vector<16xi32>
      %add3A_342 = arith.constant 1 : i32
      %add3A_343 = vector.broadcast %add3A_342 : i32 to vector<16xi32>
      %add3A_344 = arith.addi %add3A_341, %add3A_343 : vector<16xi32>
      %gather3A_345 = tpu.vector_load_idx %arg17[%add3A_344] : memref<20224xf32, #tpu.memory_space<vmem>>[vector<16xi32>], vector<16xf32>,
      %add3A_346 = arith.addf %gather3A_340, %gather3A_345 : vector<16xf32>
      %ge3A_347 = arith.constant 0.000000e+00 : f32
      %ge3A_348 = vector.broadcast %ge3A_347 : f32 to vector<16xf32>
      %ge3A_349 = arith.cmpf oge, %add3A_346, %ge3A_348 : vector<16xf32>
      %mul3A_350 = arith.constant 2.000000e-01 : f32
      %mul3A_351 = vector.broadcast %mul3A_350 : f32 to vector<16xf32>
      %mul3A_352 = arith.mulf %add3A_346, %mul3A_351 : vector<16xf32>
      %select_n3A_353 = arith.select %ge3A_349, %add3A_346, %mul3A_352 : vector<16xi1>, vector<16xf32>
      %exp3A_354 = math.exp %select_n3A_353 : vector<16xf32>
      %mul3A_355 = arith.constant 128 : i32
      %mul3A_356 = arith.muli %scan3A_225, %mul3A_355 : i32
      %add3A_357 = arith.constant 64 : i32
      %add3A_358 = arith.addi %mul3A_356, %add3A_357 : i32
      %swap3A_359 = arith.index_cast %add3A_358 : i32 to index
      %swap3A_360 = tpu.vector_load %arg18[%swap3A_359] {strides = array<i32>} : memref<10384xf32, #tpu.memory_space<vmem>>, vector<16xf32>,
      tpu.vector_store %arg18[%swap3A_359], %exp3A_354 {strides = array<i32>} : memref<10384xf32, #tpu.memory_space<vmem>>, vector<16xf32>,
      %get3A_361 = arith.index_cast %scan3A_225 : i32 to index
      %get3A_362 = arith.constant 80 : index
      %get3A_363 = tpu.vector_load %arg15[%get3A_361, %get3A_362] {strides = array<i32>} : memref<81x128xi32, #tpu.memory_space<vmem>>, vector<16xi32>,
      %get3A_364 = arith.index_cast %scan3A_225 : i32 to index
      %get3A_365 = arith.constant 80 : index
      %get3A_366 = tpu.vector_load %arg16[%get3A_364, %get3A_365] {strides = array<i32>} : memref<81x128xi32, #tpu.memory_space<vmem>>, vector<16xi32>,
      %add3A_367 = arith.addi %get3A_363, %get3A_363 : vector<16xi32>
      %gather3A_368 = tpu.vector_load_idx %arg17[%add3A_367] : memref<20224xf32, #tpu.memory_space<vmem>>[vector<16xi32>], vector<16xf32>,
      %add3A_369 = arith.addi %get3A_366, %get3A_366 : vector<16xi32>
      %add3A_370 = arith.constant 1 : i32
      %add3A_371 = vector.broadcast %add3A_370 : i32 to vector<16xi32>
      %add3A_372 = arith.addi %add3A_369, %add3A_371 : vector<16xi32>
      %gather3A_373 = tpu.vector_load_idx %arg17[%add3A_372] : memref<20224xf32, #tpu.memory_space<vmem>>[vector<16xi32>], vector<16xf32>,
      %add3A_374 = arith.addf %gather3A_368, %gather3A_373 : vector<16xf32>
      %ge3A_375 = arith.constant 0.000000e+00 : f32
      %ge3A_376 = vector.broadcast %ge3A_375 : f32 to vector<16xf32>
      %ge3A_377 = arith.cmpf oge, %add3A_374, %ge3A_376 : vector<16xf32>
      %mul3A_378 = arith.constant 2.000000e-01 : f32
      %mul3A_379 = vector.broadcast %mul3A_378 : f32 to vector<16xf32>
      %mul3A_380 = arith.mulf %add3A_374, %mul3A_379 : vector<16xf32>
      %select_n3A_381 = arith.select %ge3A_377, %add3A_374, %mul3A_380 : vector<16xi1>, vector<16xf32>
      %exp3A_382 = math.exp %select_n3A_381 : vector<16xf32>
      %mul3A_383 = arith.constant 128 : i32
      %mul3A_384 = arith.muli %scan3A_225, %mul3A_383 : i32
      %add3A_385 = arith.constant 80 : i32
      %add3A_386 = arith.addi %mul3A_384, %add3A_385 : i32
      %swap3A_387 = arith.index_cast %add3A_386 : i32 to index
      %swap3A_388 = tpu.vector_load %arg18[%swap3A_387] {strides = array<i32>} : memref<10384xf32, #tpu.memory_space<vmem>>, vector<16xf32>,
      tpu.vector_store %arg18[%swap3A_387], %exp3A_382 {strides = array<i32>} : memref<10384xf32, #tpu.memory_space<vmem>>, vector<16xf32>,
      %get3A_389 = arith.index_cast %scan3A_225 : i32 to index
      %get3A_390 = arith.constant 96 : index
      %get3A_391 = tpu.vector_load %arg15[%get3A_389, %get3A_390] {strides = array<i32>} : memref<81x128xi32, #tpu.memory_space<vmem>>, vector<16xi32>,
      %get3A_392 = arith.index_cast %scan3A_225 : i32 to index
      %get3A_393 = arith.constant 96 : index
      %get3A_394 = tpu.vector_load %arg16[%get3A_392, %get3A_393] {strides = array<i32>} : memref<81x128xi32, #tpu.memory_space<vmem>>, vector<16xi32>,
      %add3A_395 = arith.addi %get3A_391, %get3A_391 : vector<16xi32>
      %gather3A_396 = tpu.vector_load_idx %arg17[%add3A_395] : memref<20224xf32, #tpu.memory_space<vmem>>[vector<16xi32>], vector<16xf32>,
      %add3A_397 = arith.addi %get3A_394, %get3A_394 : vector<16xi32>
      %add3A_398 = arith.constant 1 : i32
      %add3A_399 = vector.broadcast %add3A_398 : i32 to vector<16xi32>
      %add3A_400 = arith.addi %add3A_397, %add3A_399 : vector<16xi32>
      %gather3A_401 = tpu.vector_load_idx %arg17[%add3A_400] : memref<20224xf32, #tpu.memory_space<vmem>>[vector<16xi32>], vector<16xf32>,
      %add3A_402 = arith.addf %gather3A_396, %gather3A_401 : vector<16xf32>
      %ge3A_403 = arith.constant 0.000000e+00 : f32
      %ge3A_404 = vector.broadcast %ge3A_403 : f32 to vector<16xf32>
      %ge3A_405 = arith.cmpf oge, %add3A_402, %ge3A_404 : vector<16xf32>
      %mul3A_406 = arith.constant 2.000000e-01 : f32
      %mul3A_407 = vector.broadcast %mul3A_406 : f32 to vector<16xf32>
      %mul3A_408 = arith.mulf %add3A_402, %mul3A_407 : vector<16xf32>
      %select_n3A_409 = arith.select %ge3A_405, %add3A_402, %mul3A_408 : vector<16xi1>, vector<16xf32>
      %exp3A_410 = math.exp %select_n3A_409 : vector<16xf32>
      %mul3A_411 = arith.constant 128 : i32
      %mul3A_412 = arith.muli %scan3A_225, %mul3A_411 : i32
      %add3A_413 = arith.constant 96 : i32
      %add3A_414 = arith.addi %mul3A_412, %add3A_413 : i32
      %swap3A_415 = arith.index_cast %add3A_414 : i32 to index
      %swap3A_416 = tpu.vector_load %arg18[%swap3A_415] {strides = array<i32>} : memref<10384xf32, #tpu.memory_space<vmem>>, vector<16xf32>,
      tpu.vector_store %arg18[%swap3A_415], %exp3A_410 {strides = array<i32>} : memref<10384xf32, #tpu.memory_space<vmem>>, vector<16xf32>,
      %get3A_417 = arith.index_cast %scan3A_225 : i32 to index
      %get3A_418 = arith.constant 112 : index
      %get3A_419 = tpu.vector_load %arg15[%get3A_417, %get3A_418] {strides = array<i32>} : memref<81x128xi32, #tpu.memory_space<vmem>>, vector<16xi32>,
      %get3A_420 = arith.index_cast %scan3A_225 : i32 to index
      %get3A_421 = arith.constant 112 : index
      %get3A_422 = tpu.vector_load %arg16[%get3A_420, %get3A_421] {strides = array<i32>} : memref<81x128xi32, #tpu.memory_space<vmem>>, vector<16xi32>,
      %add3A_423 = arith.addi %get3A_419, %get3A_419 : vector<16xi32>
      %gather3A_424 = tpu.vector_load_idx %arg17[%add3A_423] : memref<20224xf32, #tpu.memory_space<vmem>>[vector<16xi32>], vector<16xf32>,
      %add3A_425 = arith.addi %get3A_422, %get3A_422 : vector<16xi32>
      %add3A_426 = arith.constant 1 : i32
      %add3A_427 = vector.broadcast %add3A_426 : i32 to vector<16xi32>
      %add3A_428 = arith.addi %add3A_425, %add3A_427 : vector<16xi32>
      %gather3A_429 = tpu.vector_load_idx %arg17[%add3A_428] : memref<20224xf32, #tpu.memory_space<vmem>>[vector<16xi32>], vector<16xf32>,
      %add3A_430 = arith.addf %gather3A_424, %gather3A_429 : vector<16xf32>
      %ge3A_431 = arith.constant 0.000000e+00 : f32
      %ge3A_432 = vector.broadcast %ge3A_431 : f32 to vector<16xf32>
      %ge3A_433 = arith.cmpf oge, %add3A_430, %ge3A_432 : vector<16xf32>
      %mul3A_434 = arith.constant 2.000000e-01 : f32
      %mul3A_435 = vector.broadcast %mul3A_434 : f32 to vector<16xf32>
      %mul3A_436 = arith.mulf %add3A_430, %mul3A_435 : vector<16xf32>
      %select_n3A_437 = arith.select %ge3A_433, %add3A_430, %mul3A_436 : vector<16xi1>, vector<16xf32>
      %exp3A_438 = math.exp %select_n3A_437 : vector<16xf32>
      %mul3A_439 = arith.constant 128 : i32
      %mul3A_440 = arith.muli %scan3A_225, %mul3A_439 : i32
      %add3A_441 = arith.constant 112 : i32
      %add3A_442 = arith.addi %mul3A_440, %add3A_441 : i32
      %swap3A_443 = arith.index_cast %add3A_442 : i32 to index
      %swap3A_444 = tpu.vector_load %arg18[%swap3A_443] {strides = array<i32>} : memref<10384xf32, #tpu.memory_space<vmem>>, vector<16xf32>,
      tpu.vector_store %arg18[%swap3A_443], %exp3A_438 {strides = array<i32>} : memref<10384xf32, #tpu.memory_space<vmem>>, vector<16xf32>,
    }
    %scan3A_11 = arith.constant 81 : i32
    %barrier3A = arith.constant 0 : index
    tpu.barrier barrier_id(%barrier3A)
    %dma_start3A = arith.constant 0 : i32
    %dma_start3A_12 = arith.constant 0 : i32
    %dma_start3A_13 = arith.constant 0 : i32
    %dma_start3A_14 = arith.constant 0 : i32
    %dma_start3A_15 = tpu.memref_slice %arg19[%dma_start3A_12, %dma_start3A_13, %dma_start3A_14] : memref<2x128x16xf32, #tpu.memory_space<vmem>> -> memref<1x128x16xf32, #tpu.memory_space<vmem>>
    %dma_start3A_16 = tpu.memref_squeeze %dma_start3A_15 : memref<1x128x16xf32, #tpu.memory_space<vmem>> -> memref<128x16xf32, #tpu.memory_space<vmem>>
    %dma_start3A_17 = arith.constant 0 : i32
    %dma_start3A_18 = tpu.memref_slice %arg15[%dma_start3A, %dma_start3A_17] : memref<81x128xi32, #tpu.memory_space<vmem>> -> memref<1x128xi32, #tpu.memory_space<vmem>>
    %dma_start3A_19 = tpu.memref_squeeze %dma_start3A_18 : memref<1x128xi32, #tpu.memory_space<vmem>> -> memref<128xi32, #tpu.memory_space<vmem>>
    %dma_start3A_20 = arith.constant 0 : i32
    %dma_start3A_21 = arith.constant 0 : i32
    %dma_start3A_22 = tpu.memref_slice %arg5[%dma_start3A_20, %dma_start3A_21] : memref<10112x16xf32, #tpu.memory_space<hbm>> -> memref<10112x16xf32, #tpu.memory_space<hbm>>
    tpu.enqueue_indirect_dma source(%dma_start3A_22 : memref<10112x16xf32, #tpu.memory_space<hbm>>) target(%dma_start3A_16 : memref<128x16xf32, #tpu.memory_space<vmem>>) offsets(%dma_start3A_19 : memref<128xi32, #tpu.memory_space<vmem>>) semaphore(%arg23 : memref<!tpu.dma_semaphore, #tpu.memory_space<semaphore_mem>>)
    %scan3A_23 = arith.constant 0 : i32
    %scan3A_24 = arith.constant 0 : i32
    %scan3A_25 = arith.constant 81 : i32
    %scan3A_26 = arith.addi %scan3A_24, %scan3A_25 : i32
    %scan3A_27 = arith.constant 1 : i32
    scf.for %scan3A_225 = %scan3A_24 to %scan3A_26 step %scan3A_27  : i32 {
      %lt3A = arith.constant 80 : i32
      %lt3A_226 = arith.cmpi slt, %scan3A_225, %lt3A : i32
      %convert_element_type3A_227 = arith.extui %lt3A_226 : i1 to i32
      %cond3A_228 = arith.constant 0 : i32
      %cond3A_229 = arith.cmpi ne, %convert_element_type3A_227, %cond3A_228 : i32
      scf.if %cond3A_229 {
        %add3A_295 = arith.constant 1 : i32
        %add3A_296 = arith.addi %scan3A_225, %add3A_295 : i32
        %add3A_297 = arith.constant 1 : i32
        %add3A_298 = arith.addi %scan3A_225, %add3A_297 : i32
        %jit3A_299 = arith.constant 2 : i32
        %eq3A_300 = arith.constant 0 : i32
        %eq3A_301 = arith.cmpi eq, %jit3A_299, %eq3A_300 : i32
        %jit3A_302 = arith.constant 1 : i32
        %select_n3A_303 = arith.select %eq3A_301, %jit3A_302, %jit3A_299 : i32
        %rem3A_304 = arith.remsi %add3A_298, %select_n3A_303 : i32
        %ne3A_305 = arith.constant 0 : i32
        %ne3A_306 = arith.cmpi ne, %rem3A_304, %ne3A_305 : i32
        %lt3A_307 = arith.constant 0 : i32
        %lt3A_308 = arith.cmpi slt, %rem3A_304, %lt3A_307 : i32
        %lt3A_309 = arith.constant 0 : i32
        %lt3A_310 = arith.cmpi slt, %select_n3A_303, %lt3A_309 : i32
        %ne3A_311 = arith.xori %lt3A_308, %lt3A_310 : i1
        %and3A_312 = arith.andi %ne3A_311, %ne3A_306 : i1
        %add3A_313 = arith.addi %rem3A_304, %select_n3A_303 : i32
        %select_n3A_314 = arith.select %and3A_312, %add3A_313, %rem3A_304 : i32
        %dma_start3A_315 = arith.constant 0 : i32
        %dma_start3A_316 = arith.constant 0 : i32
        %dma_start3A_317 = tpu.memref_slice %arg19[%select_n3A_314, %dma_start3A_315, %dma_start3A_316] : memref<2x128x16xf32, #tpu.memory_space<vmem>> -> memref<1x128x16xf32, #tpu.memory_space<vmem>>
        %dma_start3A_318 = tpu.memref_squeeze %dma_start3A_317 : memref<1x128x16xf32, #tpu.memory_space<vmem>> -> memref<128x16xf32, #tpu.memory_space<vmem>>
        %dma_start3A_319 = arith.constant 0 : i32
        %dma_start3A_320 = tpu.memref_slice %arg15[%add3A_296, %dma_start3A_319] : memref<81x128xi32, #tpu.memory_space<vmem>> -> memref<1x128xi32, #tpu.memory_space<vmem>>
        %dma_start3A_321 = tpu.memref_squeeze %dma_start3A_320 : memref<1x128xi32, #tpu.memory_space<vmem>> -> memref<128xi32, #tpu.memory_space<vmem>>
        %dma_start3A_322 = arith.constant 0 : i32
        %dma_start3A_323 = arith.constant 0 : i32
        %dma_start3A_324 = tpu.memref_slice %arg5[%dma_start3A_322, %dma_start3A_323] : memref<10112x16xf32, #tpu.memory_space<hbm>> -> memref<10112x16xf32, #tpu.memory_space<hbm>>
        tpu.enqueue_indirect_dma source(%dma_start3A_324 : memref<10112x16xf32, #tpu.memory_space<hbm>>) target(%dma_start3A_318 : memref<128x16xf32, #tpu.memory_space<vmem>>) offsets(%dma_start3A_321 : memref<128xi32, #tpu.memory_space<vmem>>) semaphore(%arg23 : memref<!tpu.dma_semaphore, #tpu.memory_space<semaphore_mem>>)
      } else {
      }
      %jit3A = arith.constant 2 : i32
      %eq3A = arith.constant 0 : i32
      %eq3A_230 = arith.cmpi eq, %jit3A, %eq3A : i32
      %jit3A_231 = arith.constant 1 : i32
      %select_n3A = arith.select %eq3A_230, %jit3A_231, %jit3A : i32
      %rem3A = arith.remsi %scan3A_225, %select_n3A : i32
      %ne3A_232 = arith.constant 0 : i32
      %ne3A_233 = arith.cmpi ne, %rem3A, %ne3A_232 : i32
      %lt3A_234 = arith.constant 0 : i32
      %lt3A_235 = arith.cmpi slt, %rem3A, %lt3A_234 : i32
      %lt3A_236 = arith.constant 0 : i32
      %lt3A_237 = arith.cmpi slt, %select_n3A, %lt3A_236 : i32
      %ne3A_238 = arith.xori %lt3A_235, %lt3A_237 : i1
      %and3A = arith.andi %ne3A_238, %ne3A_233 : i1
      %add3A_239 = arith.addi %rem3A, %select_n3A : i32
      %select_n3A_240 = arith.select %and3A, %add3A_239, %rem3A : i32
      %dma_wait3A_241 = arith.constant 0 : i32
      %dma_wait3A_242 = arith.constant 0 : i32
      %dma_wait3A_243 = tpu.memref_slice %arg19[%select_n3A_240, %dma_wait3A_241, %dma_wait3A_242] : memref<2x128x16xf32, #tpu.memory_space<vmem>> -> memref<1x128x16xf32, #tpu.memory_space<vmem>>
      %dma_wait3A_244 = tpu.memref_squeeze %dma_wait3A_243 : memref<1x128x16xf32, #tpu.memory_space<vmem>> -> memref<128x16xf32, #tpu.memory_space<vmem>>
      %dma_wait3A_245 = arith.constant 0 : i32
      %dma_wait3A_246 = tpu.memref_slice %arg15[%scan3A_225, %dma_wait3A_245] : memref<81x128xi32, #tpu.memory_space<vmem>> -> memref<1x128xi32, #tpu.memory_space<vmem>>
      %dma_wait3A_247 = tpu.memref_squeeze %dma_wait3A_246 : memref<1x128xi32, #tpu.memory_space<vmem>> -> memref<128xi32, #tpu.memory_space<vmem>>
      %dma_wait3A_248 = arith.constant 0 : i32
      %dma_wait3A_249 = arith.constant 0 : i32
      %dma_wait3A_250 = tpu.memref_slice %arg5[%dma_wait3A_248, %dma_wait3A_249] : memref<10112x16xf32, #tpu.memory_space<hbm>> -> memref<10112x16xf32, #tpu.memory_space<hbm>>
      tpu.wait_indirect_dma semaphore(%arg23 : memref<!tpu.dma_semaphore, #tpu.memory_space<semaphore_mem>>) src(%dma_wait3A_250 : memref<10112x16xf32, #tpu.memory_space<hbm>>) dst(%dma_wait3A_244 : memref<128x16xf32, #tpu.memory_space<vmem>>)
      %ge3A = arith.constant 3 : i32
      %ge3A_251 = arith.cmpi sge, %scan3A_225, %ge3A : i32
      %convert_element_type3A_252 = arith.extui %ge3A_251 : i1 to i32
      %cond3A_253 = arith.constant 0 : i32
      %cond3A_254 = arith.cmpi ne, %convert_element_type3A_252, %cond3A_253 : i32
      scf.if %cond3A_254 {
        %jit3A_295 = arith.constant 3 : i32
        %eq3A_296 = arith.constant 0 : i32
        %eq3A_297 = arith.cmpi eq, %jit3A_295, %eq3A_296 : i32
        %jit3A_298 = arith.constant 1 : i32
        %select_n3A_299 = arith.select %eq3A_297, %jit3A_298, %jit3A_295 : i32
        %rem3A_300 = arith.remsi %scan3A_225, %select_n3A_299 : i32
        %ne3A_301 = arith.constant 0 : i32
        %ne3A_302 = arith.cmpi ne, %rem3A_300, %ne3A_301 : i32
        %lt3A_303 = arith.constant 0 : i32
        %lt3A_304 = arith.cmpi slt, %rem3A_300, %lt3A_303 : i32
        %lt3A_305 = arith.constant 0 : i32
        %lt3A_306 = arith.cmpi slt, %select_n3A_299, %lt3A_305 : i32
        %ne3A_307 = arith.xori %lt3A_304, %lt3A_306 : i1
        %and3A_308 = arith.andi %ne3A_307, %ne3A_302 : i1
        %add3A_309 = arith.addi %rem3A_300, %select_n3A_299 : i32
        %select_n3A_310 = arith.select %and3A_308, %add3A_309, %rem3A_300 : i32
        %dma_wait3A_311 = arith.constant 0 : i32
        %dma_wait3A_312 = arith.constant 0 : i32
        %dma_wait3A_313 = tpu.memref_slice %arg20[%select_n3A_310, %dma_wait3A_311, %dma_wait3A_312] : memref<3x128x16xf32, #tpu.memory_space<vmem>> -> memref<1x128x16xf32, #tpu.memory_space<vmem>>
        %dma_wait3A_314 = tpu.memref_squeeze %dma_wait3A_313 : memref<1x128x16xf32, #tpu.memory_space<vmem>> -> memref<128x16xf32, #tpu.memory_space<vmem>>
        %dma_wait3A_315 = arith.constant 0 : i32
        %dma_wait3A_316 = tpu.memref_slice %arg16[%scan3A_225, %dma_wait3A_315] : memref<81x128xi32, #tpu.memory_space<vmem>> -> memref<1x128xi32, #tpu.memory_space<vmem>>
        %dma_wait3A_317 = tpu.memref_squeeze %dma_wait3A_316 : memref<1x128xi32, #tpu.memory_space<vmem>> -> memref<128xi32, #tpu.memory_space<vmem>>
        %dma_wait3A_318 = arith.constant 0 : i32
        %dma_wait3A_319 = arith.constant 0 : i32
        %dma_wait3A_320 = tpu.memref_slice %arg21[%dma_wait3A_318, %dma_wait3A_319] : memref<10112x16xf32, #tpu.memory_space<vmem_shared>> -> memref<10112x16xf32, #tpu.memory_space<vmem_shared>>
        tpu.wait_indirect_dma semaphore(%arg24 : memref<!tpu.dma_semaphore, #tpu.memory_space<semaphore_mem>>) src(%dma_wait3A_314 : memref<128x16xf32, #tpu.memory_space<vmem>>) dst(%dma_wait3A_320 : memref<10112x16xf32, #tpu.memory_space<vmem_shared>>)
        %mul3A_321 = arith.constant 128 : i32
        %mul3A_322 = arith.muli %scan3A_225, %mul3A_321 : i32
        %dma_wait3A_323 = tpu.memref_slice %arg18[%mul3A_322] : memref<10384xf32, #tpu.memory_space<vmem>> -> memref<128xf32, #tpu.memory_space<vmem>>
        %dma_wait3A_324 = arith.constant 0 : i32
        %dma_wait3A_325 = tpu.memref_slice %arg16[%scan3A_225, %dma_wait3A_324] : memref<81x128xi32, #tpu.memory_space<vmem>> -> memref<1x128xi32, #tpu.memory_space<vmem>>
        %dma_wait3A_326 = tpu.memref_squeeze %dma_wait3A_325 : memref<1x128xi32, #tpu.memory_space<vmem>> -> memref<128xi32, #tpu.memory_space<vmem>>
        %dma_wait3A_327 = arith.constant 0 : i32
        %dma_wait3A_328 = tpu.memref_slice %arg22[%dma_wait3A_327] : memref<10112xf32, #tpu.memory_space<vmem_shared>> -> memref<10112xf32, #tpu.memory_space<vmem_shared>>
        tpu.wait_indirect_dma semaphore(%arg24 : memref<!tpu.dma_semaphore, #tpu.memory_space<semaphore_mem>>) src(%dma_wait3A_323 : memref<128xf32, #tpu.memory_space<vmem>>) dst(%dma_wait3A_328 : memref<10112xf32, #tpu.memory_space<vmem_shared>>)
      } else {
      }
      %scan3A_255 = arith.constant 0 : i32
      %scan3A_256 = arith.constant 0 : i32
      %scan3A_257 = arith.constant 128 : i32
      %scan3A_258 = arith.addi %scan3A_256, %scan3A_257 : i32
      %scan3A_259 = arith.constant 1 : i32
      scf.for %scan3A_295 = %scan3A_256 to %scan3A_258 step %scan3A_259  : i32 {
        %mul3A_296 = arith.constant 128 : i32
        %mul3A_297 = arith.muli %scan3A_225, %mul3A_296 : i32
        %add3A_298 = arith.addi %mul3A_297, %scan3A_295 : i32
        %get3A_299 = arith.index_cast %add3A_298 : i32 to index
        %get3A_300 = tpu.vector_load %arg18[%get3A_299] {strides = array<i32>} : memref<10384xf32, #tpu.memory_space<vmem>>, vector<16xf32>,
        %slice3A = vector.extract_strided_slice %get3A_300 {offsets = [0], sizes = [1], strides = [1]} : vector<16xf32> to vector<1xf32>
        %squeeze3A = vector.extract %slice3A[0] : f32 from vector<1xf32>
        %jit3A_301 = arith.constant 2 : i32
        %eq3A_302 = arith.constant 0 : i32
        %eq3A_303 = arith.cmpi eq, %jit3A_301, %eq3A_302 : i32
        %jit3A_304 = arith.constant 1 : i32
        %select_n3A_305 = arith.select %eq3A_303, %jit3A_304, %jit3A_301 : i32
        %rem3A_306 = arith.remsi %scan3A_225, %select_n3A_305 : i32
        %ne3A_307 = arith.constant 0 : i32
        %ne3A_308 = arith.cmpi ne, %rem3A_306, %ne3A_307 : i32
        %lt3A_309 = arith.constant 0 : i32
        %lt3A_310 = arith.cmpi slt, %rem3A_306, %lt3A_309 : i32
        %lt3A_311 = arith.constant 0 : i32
        %lt3A_312 = arith.cmpi slt, %select_n3A_305, %lt3A_311 : i32
        %ne3A_313 = arith.xori %lt3A_310, %lt3A_312 : i1
        %and3A_314 = arith.andi %ne3A_313, %ne3A_308 : i1
        %add3A_315 = arith.addi %rem3A_306, %select_n3A_305 : i32
        %select_n3A_316 = arith.select %and3A_314, %add3A_315, %rem3A_306 : i32
        %get3A_317 = arith.index_cast %select_n3A_316 : i32 to index
        %get3A_318 = arith.index_cast %scan3A_295 : i32 to index
        %get3A_319 = arith.constant 0 : index
        %get3A_320 = tpu.vector_load %arg19[%get3A_317, %get3A_318, %get3A_319] {strides = array<i32>} : memref<2x128x16xf32, #tpu.memory_space<vmem>>, vector<16xf32>,
        %mul3A_321 = vector.broadcast %squeeze3A : f32 to vector<16xf32>
        %mul3A_322 = arith.mulf %get3A_320, %mul3A_321 : vector<16xf32>
        %jit3A_323 = arith.constant 3 : i32
        %eq3A_324 = arith.constant 0 : i32
        %eq3A_325 = arith.cmpi eq, %jit3A_323, %eq3A_324 : i32
        %jit3A_326 = arith.constant 1 : i32
        %select_n3A_327 = arith.select %eq3A_325, %jit3A_326, %jit3A_323 : i32
        %rem3A_328 = arith.remsi %scan3A_225, %select_n3A_327 : i32
        %ne3A_329 = arith.constant 0 : i32
        %ne3A_330 = arith.cmpi ne, %rem3A_328, %ne3A_329 : i32
        %lt3A_331 = arith.constant 0 : i32
        %lt3A_332 = arith.cmpi slt, %rem3A_328, %lt3A_331 : i32
        %lt3A_333 = arith.constant 0 : i32
        %lt3A_334 = arith.cmpi slt, %select_n3A_327, %lt3A_333 : i32
        %ne3A_335 = arith.xori %lt3A_332, %lt3A_334 : i1
        %and3A_336 = arith.andi %ne3A_335, %ne3A_330 : i1
        %add3A_337 = arith.addi %rem3A_328, %select_n3A_327 : i32
        %select_n3A_338 = arith.select %and3A_336, %add3A_337, %rem3A_328 : i32
        %swap3A = arith.index_cast %select_n3A_338 : i32 to index
        %swap3A_339 = arith.index_cast %scan3A_295 : i32 to index
        %swap3A_340 = arith.constant 0 : index
        %swap3A_341 = tpu.vector_load %arg20[%swap3A, %swap3A_339, %swap3A_340] {strides = array<i32>} : memref<3x128x16xf32, #tpu.memory_space<vmem>>, vector<16xf32>,
        tpu.vector_store %arg20[%swap3A, %swap3A_339, %swap3A_340], %mul3A_322 {strides = array<i32>} : memref<3x128x16xf32, #tpu.memory_space<vmem>>, vector<16xf32>,
      }
      %scan3A_260 = arith.constant 128 : i32
      %jit3A_261 = arith.constant 3 : i32
      %eq3A_262 = arith.constant 0 : i32
      %eq3A_263 = arith.cmpi eq, %jit3A_261, %eq3A_262 : i32
      %jit3A_264 = arith.constant 1 : i32
      %select_n3A_265 = arith.select %eq3A_263, %jit3A_264, %jit3A_261 : i32
      %rem3A_266 = arith.remsi %scan3A_225, %select_n3A_265 : i32
      %ne3A_267 = arith.constant 0 : i32
      %ne3A_268 = arith.cmpi ne, %rem3A_266, %ne3A_267 : i32
      %lt3A_269 = arith.constant 0 : i32
      %lt3A_270 = arith.cmpi slt, %rem3A_266, %lt3A_269 : i32
      %lt3A_271 = arith.constant 0 : i32
      %lt3A_272 = arith.cmpi slt, %select_n3A_265, %lt3A_271 : i32
      %ne3A_273 = arith.xori %lt3A_270, %lt3A_272 : i1
      %and3A_274 = arith.andi %ne3A_273, %ne3A_268 : i1
      %add3A_275 = arith.addi %rem3A_266, %select_n3A_265 : i32
      %select_n3A_276 = arith.select %and3A_274, %add3A_275, %rem3A_266 : i32
      %dma_start3A_277 = arith.constant 0 : i32
      %dma_start3A_278 = arith.constant 0 : i32
      %dma_start3A_279 = tpu.memref_slice %arg20[%select_n3A_276, %dma_start3A_277, %dma_start3A_278] : memref<3x128x16xf32, #tpu.memory_space<vmem>> -> memref<1x128x16xf32, #tpu.memory_space<vmem>>
      %dma_start3A_280 = tpu.memref_squeeze %dma_start3A_279 : memref<1x128x16xf32, #tpu.memory_space<vmem>> -> memref<128x16xf32, #tpu.memory_space<vmem>>
      %dma_start3A_281 = arith.constant 0 : i32
      %dma_start3A_282 = tpu.memref_slice %arg16[%scan3A_225, %dma_start3A_281] : memref<81x128xi32, #tpu.memory_space<vmem>> -> memref<1x128xi32, #tpu.memory_space<vmem>>
      %dma_start3A_283 = tpu.memref_squeeze %dma_start3A_282 : memref<1x128xi32, #tpu.memory_space<vmem>> -> memref<128xi32, #tpu.memory_space<vmem>>
      %dma_start3A_284 = arith.constant 0 : i32
      %dma_start3A_285 = arith.constant 0 : i32
      %dma_start3A_286 = tpu.memref_slice %arg21[%dma_start3A_284, %dma_start3A_285] : memref<10112x16xf32, #tpu.memory_space<vmem_shared>> -> memref<10112x16xf32, #tpu.memory_space<vmem_shared>>
      tpu.enqueue_indirect_dma source(%dma_start3A_280 : memref<128x16xf32, #tpu.memory_space<vmem>>) target(%dma_start3A_286 : memref<10112x16xf32, #tpu.memory_space<vmem_shared>>) offsets(%dma_start3A_283 : memref<128xi32, #tpu.memory_space<vmem>>) semaphore(%arg24 : memref<!tpu.dma_semaphore, #tpu.memory_space<semaphore_mem>>) {add = true}
      %mul3A_287 = arith.constant 128 : i32
      %mul3A_288 = arith.muli %scan3A_225, %mul3A_287 : i32
      %dma_start3A_289 = tpu.memref_slice %arg18[%mul3A_288] : memref<10384xf32, #tpu.memory_space<vmem>> -> memref<128xf32, #tpu.memory_space<vmem>>
      %dma_start3A_290 = arith.constant 0 : i32
      %dma_start3A_291 = tpu.memref_slice %arg16[%scan3A_225, %dma_start3A_290] : memref<81x128xi32, #tpu.memory_space<vmem>> -> memref<1x128xi32, #tpu.memory_space<vmem>>
      %dma_start3A_292 = tpu.memref_squeeze %dma_start3A_291 : memref<1x128xi32, #tpu.memory_space<vmem>> -> memref<128xi32, #tpu.memory_space<vmem>>
      %dma_start3A_293 = arith.constant 0 : i32
      %dma_start3A_294 = tpu.memref_slice %arg22[%dma_start3A_293] : memref<10112xf32, #tpu.memory_space<vmem_shared>> -> memref<10112xf32, #tpu.memory_space<vmem_shared>>
      tpu.enqueue_indirect_dma source(%dma_start3A_289 : memref<128xf32, #tpu.memory_space<vmem>>) target(%dma_start3A_294 : memref<10112xf32, #tpu.memory_space<vmem_shared>>) offsets(%dma_start3A_292 : memref<128xi32, #tpu.memory_space<vmem>>) semaphore(%arg24 : memref<!tpu.dma_semaphore, #tpu.memory_space<semaphore_mem>>) {add = true}
    }
    %scan3A_28 = arith.constant 81 : i32
    %dma_wait3A = arith.constant 0 : i32
    %dma_wait3A_29 = arith.constant 78 : i32
    %dma_wait3A_30 = arith.constant 0 : i32
    %dma_wait3A_31 = arith.constant 0 : i32
    %dma_wait3A_32 = tpu.memref_slice %arg20[%dma_wait3A, %dma_wait3A_30, %dma_wait3A_31] : memref<3x128x16xf32, #tpu.memory_space<vmem>> -> memref<1x128x16xf32, #tpu.memory_space<vmem>>
    %dma_wait3A_33 = tpu.memref_squeeze %dma_wait3A_32 : memref<1x128x16xf32, #tpu.memory_space<vmem>> -> memref<128x16xf32, #tpu.memory_space<vmem>>
    %dma_wait3A_34 = arith.constant 0 : i32
    %dma_wait3A_35 = tpu.memref_slice %arg16[%dma_wait3A_29, %dma_wait3A_34] : memref<81x128xi32, #tpu.memory_space<vmem>> -> memref<1x128xi32, #tpu.memory_space<vmem>>
    %dma_wait3A_36 = tpu.memref_squeeze %dma_wait3A_35 : memref<1x128xi32, #tpu.memory_space<vmem>> -> memref<128xi32, #tpu.memory_space<vmem>>
    %dma_wait3A_37 = arith.constant 0 : i32
    %dma_wait3A_38 = arith.constant 0 : i32
    %dma_wait3A_39 = tpu.memref_slice %arg21[%dma_wait3A_37, %dma_wait3A_38] : memref<10112x16xf32, #tpu.memory_space<vmem_shared>> -> memref<10112x16xf32, #tpu.memory_space<vmem_shared>>
    tpu.wait_indirect_dma semaphore(%arg24 : memref<!tpu.dma_semaphore, #tpu.memory_space<semaphore_mem>>) src(%dma_wait3A_33 : memref<128x16xf32, #tpu.memory_space<vmem>>) dst(%dma_wait3A_39 : memref<10112x16xf32, #tpu.memory_space<vmem_shared>>)
    %dma_wait3A_40 = arith.constant 78 : i32
    %dma_wait3A_41 = arith.constant 9984 : i32
    %dma_wait3A_42 = tpu.memref_slice %arg18[%dma_wait3A_41] : memref<10384xf32, #tpu.memory_space<vmem>> -> memref<128xf32, #tpu.memory_space<vmem>>
    %dma_wait3A_43 = arith.constant 0 : i32
    %dma_wait3A_44 = tpu.memref_slice %arg16[%dma_wait3A_40, %dma_wait3A_43] : memref<81x128xi32, #tpu.memory_space<vmem>> -> memref<1x128xi32, #tpu.memory_space<vmem>>
    %dma_wait3A_45 = tpu.memref_squeeze %dma_wait3A_44 : memref<1x128xi32, #tpu.memory_space<vmem>> -> memref<128xi32, #tpu.memory_space<vmem>>
    %dma_wait3A_46 = arith.constant 0 : i32
    %dma_wait3A_47 = tpu.memref_slice %arg22[%dma_wait3A_46] : memref<10112xf32, #tpu.memory_space<vmem_shared>> -> memref<10112xf32, #tpu.memory_space<vmem_shared>>
    tpu.wait_indirect_dma semaphore(%arg24 : memref<!tpu.dma_semaphore, #tpu.memory_space<semaphore_mem>>) src(%dma_wait3A_42 : memref<128xf32, #tpu.memory_space<vmem>>) dst(%dma_wait3A_47 : memref<10112xf32, #tpu.memory_space<vmem_shared>>)
    %dma_wait3A_48 = arith.constant 1 : i32
    %dma_wait3A_49 = arith.constant 79 : i32
    %dma_wait3A_50 = arith.constant 0 : i32
    %dma_wait3A_51 = arith.constant 0 : i32
    %dma_wait3A_52 = tpu.memref_slice %arg20[%dma_wait3A_48, %dma_wait3A_50, %dma_wait3A_51] : memref<3x128x16xf32, #tpu.memory_space<vmem>> -> memref<1x128x16xf32, #tpu.memory_space<vmem>>
    %dma_wait3A_53 = tpu.memref_squeeze %dma_wait3A_52 : memref<1x128x16xf32, #tpu.memory_space<vmem>> -> memref<128x16xf32, #tpu.memory_space<vmem>>
    %dma_wait3A_54 = arith.constant 0 : i32
    %dma_wait3A_55 = tpu.memref_slice %arg16[%dma_wait3A_49, %dma_wait3A_54] : memref<81x128xi32, #tpu.memory_space<vmem>> -> memref<1x128xi32, #tpu.memory_space<vmem>>
    %dma_wait3A_56 = tpu.memref_squeeze %dma_wait3A_55 : memref<1x128xi32, #tpu.memory_space<vmem>> -> memref<128xi32, #tpu.memory_space<vmem>>
    %dma_wait3A_57 = arith.constant 0 : i32
    %dma_wait3A_58 = arith.constant 0 : i32
    %dma_wait3A_59 = tpu.memref_slice %arg21[%dma_wait3A_57, %dma_wait3A_58] : memref<10112x16xf32, #tpu.memory_space<vmem_shared>> -> memref<10112x16xf32, #tpu.memory_space<vmem_shared>>
    tpu.wait_indirect_dma semaphore(%arg24 : memref<!tpu.dma_semaphore, #tpu.memory_space<semaphore_mem>>) src(%dma_wait3A_53 : memref<128x16xf32, #tpu.memory_space<vmem>>) dst(%dma_wait3A_59 : memref<10112x16xf32, #tpu.memory_space<vmem_shared>>)
    %dma_wait3A_60 = arith.constant 79 : i32
    %dma_wait3A_61 = arith.constant 10112 : i32
    %dma_wait3A_62 = tpu.memref_slice %arg18[%dma_wait3A_61] : memref<10384xf32, #tpu.memory_space<vmem>> -> memref<128xf32, #tpu.memory_space<vmem>>
    %dma_wait3A_63 = arith.constant 0 : i32
    %dma_wait3A_64 = tpu.memref_slice %arg16[%dma_wait3A_60, %dma_wait3A_63] : memref<81x128xi32, #tpu.memory_space<vmem>> -> memref<1x128xi32, #tpu.memory_space<vmem>>
    %dma_wait3A_65 = tpu.memref_squeeze %dma_wait3A_64 : memref<1x128xi32, #tpu.memory_space<vmem>> -> memref<128xi32, #tpu.memory_space<vmem>>
    %dma_wait3A_66 = arith.constant 0 : i32
    %dma_wait3A_67 = tpu.memref_slice %arg22[%dma_wait3A_66] : memref<10112xf32, #tpu.memory_space<vmem_shared>> -> memref<10112xf32, #tpu.memory_space<vmem_shared>>
    tpu.wait_indirect_dma semaphore(%arg24 : memref<!tpu.dma_semaphore, #tpu.memory_space<semaphore_mem>>) src(%dma_wait3A_62 : memref<128xf32, #tpu.memory_space<vmem>>) dst(%dma_wait3A_67 : memref<10112xf32, #tpu.memory_space<vmem_shared>>)
    %dma_wait3A_68 = arith.constant 2 : i32
    %dma_wait3A_69 = arith.constant 80 : i32
    %dma_wait3A_70 = arith.constant 0 : i32
    %dma_wait3A_71 = arith.constant 0 : i32
    %dma_wait3A_72 = tpu.memref_slice %arg20[%dma_wait3A_68, %dma_wait3A_70, %dma_wait3A_71] : memref<3x128x16xf32, #tpu.memory_space<vmem>> -> memref<1x128x16xf32, #tpu.memory_space<vmem>>
    %dma_wait3A_73 = tpu.memref_squeeze %dma_wait3A_72 : memref<1x128x16xf32, #tpu.memory_space<vmem>> -> memref<128x16xf32, #tpu.memory_space<vmem>>
    %dma_wait3A_74 = arith.constant 0 : i32
    %dma_wait3A_75 = tpu.memref_slice %arg16[%dma_wait3A_69, %dma_wait3A_74] : memref<81x128xi32, #tpu.memory_space<vmem>> -> memref<1x128xi32, #tpu.memory_space<vmem>>
    %dma_wait3A_76 = tpu.memref_squeeze %dma_wait3A_75 : memref<1x128xi32, #tpu.memory_space<vmem>> -> memref<128xi32, #tpu.memory_space<vmem>>
    %dma_wait3A_77 = arith.constant 0 : i32
    %dma_wait3A_78 = arith.constant 0 : i32
    %dma_wait3A_79 = tpu.memref_slice %arg21[%dma_wait3A_77, %dma_wait3A_78] : memref<10112x16xf32, #tpu.memory_space<vmem_shared>> -> memref<10112x16xf32, #tpu.memory_space<vmem_shared>>
    tpu.wait_indirect_dma semaphore(%arg24 : memref<!tpu.dma_semaphore, #tpu.memory_space<semaphore_mem>>) src(%dma_wait3A_73 : memref<128x16xf32, #tpu.memory_space<vmem>>) dst(%dma_wait3A_79 : memref<10112x16xf32, #tpu.memory_space<vmem_shared>>)
    %dma_wait3A_80 = arith.constant 80 : i32
    %dma_wait3A_81 = arith.constant 10240 : i32
    %dma_wait3A_82 = tpu.memref_slice %arg18[%dma_wait3A_81] : memref<10384xf32, #tpu.memory_space<vmem>> -> memref<128xf32, #tpu.memory_space<vmem>>
    %dma_wait3A_83 = arith.constant 0 : i32
    %dma_wait3A_84 = tpu.memref_slice %arg16[%dma_wait3A_80, %dma_wait3A_83] : memref<81x128xi32, #tpu.memory_space<vmem>> -> memref<1x128xi32, #tpu.memory_space<vmem>>
    %dma_wait3A_85 = tpu.memref_squeeze %dma_wait3A_84 : memref<1x128xi32, #tpu.memory_space<vmem>> -> memref<128xi32, #tpu.memory_space<vmem>>
    %dma_wait3A_86 = arith.constant 0 : i32
    %dma_wait3A_87 = tpu.memref_slice %arg22[%dma_wait3A_86] : memref<10112xf32, #tpu.memory_space<vmem_shared>> -> memref<10112xf32, #tpu.memory_space<vmem_shared>>
    tpu.wait_indirect_dma semaphore(%arg24 : memref<!tpu.dma_semaphore, #tpu.memory_space<semaphore_mem>>) src(%dma_wait3A_82 : memref<128xf32, #tpu.memory_space<vmem>>) dst(%dma_wait3A_87 : memref<10112xf32, #tpu.memory_space<vmem_shared>>)
    %barrier3A_88 = arith.constant 0 : index
    tpu.barrier barrier_id(%barrier3A_88)
    "tpu.region"() ({
      %run_scoped3A_225 = tpu.sem_alloc : memref<!tpu.dma_semaphore, #tpu.memory_space<semaphore_mem>>
      %dma_start3A_226 = arith.constant 0 : i32
      %dma_start3A_227 = tpu.memref_slice %arg10[%arg0, %mul3A_2, %dma_start3A_226] : memref<2x10112x16xf32, #tpu.memory_space<hbm>> -> memref<1x632x16xf32, #tpu.memory_space<hbm>>
      %dma_start3A_228 = tpu.memref_squeeze %dma_start3A_227 : memref<1x632x16xf32, #tpu.memory_space<hbm>> -> memref<632x16xf32, #tpu.memory_space<hbm>>
      %dma_start3A_229 = arith.constant 0 : i32
      %dma_start3A_230 = tpu.memref_slice %arg21[%mul3A_2, %dma_start3A_229] : memref<10112x16xf32, #tpu.memory_space<vmem_shared>> -> memref<632x16xf32, #tpu.memory_space<vmem_shared>>
      tpu.enqueue_dma source(%dma_start3A_230 : memref<632x16xf32, #tpu.memory_space<vmem_shared>>) target(%dma_start3A_228 : memref<632x16xf32, #tpu.memory_space<hbm>>) target_semaphore(%run_scoped3A_225 : memref<!tpu.dma_semaphore, #tpu.memory_space<semaphore_mem>>)
      %dma_wait3A_231 = arith.constant 0 : i32
      %dma_wait3A_232 = tpu.memref_slice %arg10[%arg0, %mul3A_2, %dma_wait3A_231] : memref<2x10112x16xf32, #tpu.memory_space<hbm>> -> memref<1x632x16xf32, #tpu.memory_space<hbm>>
      %dma_wait3A_233 = tpu.memref_squeeze %dma_wait3A_232 : memref<1x632x16xf32, #tpu.memory_space<hbm>> -> memref<632x16xf32, #tpu.memory_space<hbm>>
      %dma_wait3A_234 = arith.constant 0 : i32
      %dma_wait3A_235 = tpu.memref_slice %arg21[%mul3A_2, %dma_wait3A_234] : memref<10112x16xf32, #tpu.memory_space<vmem_shared>> -> memref<632x16xf32, #tpu.memory_space<vmem_shared>>
      tpu.wait_dma2 semaphore(%run_scoped3A_225 : memref<!tpu.dma_semaphore, #tpu.memory_space<semaphore_mem>>) src(%dma_wait3A_235 : memref<632x16xf32, #tpu.memory_space<vmem_shared>>) dst(%dma_wait3A_233 : memref<632x16xf32, #tpu.memory_space<hbm>>)
      tpu.yield
    }) : () -> ()
    %mul3A_89 = arith.constant 10112 : i32
    %mul3A_90 = arith.muli %arg0, %mul3A_89 : i32
    %mul3A_91 = arith.constant 632 : i32
    %mul3A_92 = arith.muli %arg1, %mul3A_91 : i32
    %add3A_93 = arith.addi %mul3A_90, %mul3A_92 : i32
    "tpu.region"() ({
      %run_scoped3A_225 = tpu.sem_alloc : memref<!tpu.dma_semaphore, #tpu.memory_space<semaphore_mem>>
      %dma_start3A_226 = tpu.memref_slice %arg11[%add3A_93] : memref<20224xf32, #tpu.memory_space<hbm>> -> memref<632xf32, #tpu.memory_space<hbm>>
      %dma_start3A_227 = tpu.memref_slice %arg22[%mul3A_2] : memref<10112xf32, #tpu.memory_space<vmem_shared>> -> memref<632xf32, #tpu.memory_space<vmem_shared>>
      tpu.enqueue_dma source(%dma_start3A_227 : memref<632xf32, #tpu.memory_space<vmem_shared>>) target(%dma_start3A_226 : memref<632xf32, #tpu.memory_space<hbm>>) target_semaphore(%run_scoped3A_225 : memref<!tpu.dma_semaphore, #tpu.memory_space<semaphore_mem>>)
      %dma_wait3A_228 = tpu.memref_slice %arg11[%add3A_93] : memref<20224xf32, #tpu.memory_space<hbm>> -> memref<632xf32, #tpu.memory_space<hbm>>
      %dma_wait3A_229 = tpu.memref_slice %arg22[%mul3A_2] : memref<10112xf32, #tpu.memory_space<vmem_shared>> -> memref<632xf32, #tpu.memory_space<vmem_shared>>
      tpu.wait_dma2 semaphore(%run_scoped3A_225 : memref<!tpu.dma_semaphore, #tpu.memory_space<semaphore_mem>>) src(%dma_wait3A_229 : memref<632xf32, #tpu.memory_space<vmem_shared>>) dst(%dma_wait3A_228 : memref<632xf32, #tpu.memory_space<hbm>>)
      tpu.yield
    }) : () -> ()
    %barrier3A_94 = arith.constant 0 : index
    tpu.barrier barrier_id(%barrier3A_94)
    %ne3A = arith.constant 0 : i32
    "tpu.trace_start"() <{level = 10 : i32, message = "sync_cores"}> : () -> ()
    %ne3A_95 = arith.cmpi ne, %arg0, %ne3A : i32
    %convert_element_type3A = arith.extui %ne3A_95 : i1 to i32
    %cond3A = arith.constant 0 : i32
    %cond3A_96 = arith.cmpi ne, %convert_element_type3A, %cond3A : i32
    scf.if %cond3A_96 {
      %semaphore_signal3A = arith.constant 1 : i32
      %semaphore_signal3A_225 = arith.constant 0 : i32
      tpu.sem_signal %arg34, %semaphore_signal3A core_id %semaphore_signal3A_225 : memref<!tpu.semaphore, #tpu.memory_space<semaphore_mem>>
    } else {
    }
    %ne3A_97 = arith.constant 1 : i32
    %ne3A_98 = arith.cmpi ne, %arg0, %ne3A_97 : i32
    %convert_element_type3A_99 = arith.extui %ne3A_98 : i1 to i32
    %cond3A_100 = arith.constant 0 : i32
    %cond3A_101 = arith.cmpi ne, %convert_element_type3A_99, %cond3A_100 : i32
    scf.if %cond3A_101 {
      %semaphore_signal3A = arith.constant 1 : i32
      %semaphore_signal3A_225 = arith.constant 1 : i32
      tpu.sem_signal %arg34, %semaphore_signal3A core_id %semaphore_signal3A_225 : memref<!tpu.semaphore, #tpu.memory_space<semaphore_mem>>
    } else {
    }
    %semaphore_wait3A = arith.constant 1 : i32
    %semaphore_wait3A_102 = arith.constant true
    tpu.sem_wait %arg34, %semaphore_wait3A : memref<!tpu.semaphore, #tpu.memory_space<semaphore_mem>>
    %run_scoped3A = arith.constant 0 : i32
    "tpu.trace_stop"() : () -> ()
    "tpu.region"() ({
      %run_scoped3A_225 = tpu.sem_alloc : memref<!tpu.dma_semaphore, #tpu.memory_space<semaphore_mem>>
      %dma_start3A_226 = arith.constant 0 : i32
      %dma_start3A_227 = tpu.memref_slice %arg10[%run_scoped3A, %mul3A_2, %dma_start3A_226] : memref<2x10112x16xf32, #tpu.memory_space<hbm>> -> memref<1x632x16xf32, #tpu.memory_space<hbm>>
      %dma_start3A_228 = tpu.memref_squeeze %dma_start3A_227 : memref<1x632x16xf32, #tpu.memory_space<hbm>> -> memref<632x16xf32, #tpu.memory_space<hbm>>
      %dma_start3A_229 = arith.constant 0 : i32
      %dma_start3A_230 = tpu.memref_slice %arg10[%run_scoped3A, %mul3A_2, %dma_start3A_229] : memref<2x10112x16xf32, #tpu.memory_space<hbm>> -> memref<1x632x16xf32, #tpu.memory_space<hbm>>
      %dma_start3A_231 = tpu.memref_squeeze %dma_start3A_230 : memref<1x632x16xf32, #tpu.memory_space<hbm>> -> memref<632x16xf32, #tpu.memory_space<hbm>>
      tpu.enqueue_dma source(%dma_start3A_231 : memref<632x16xf32, #tpu.memory_space<hbm>>) target(%arg25 : memref<632x16xf32, #tpu.memory_space<vmem>>) target_semaphore(%run_scoped3A_225 : memref<!tpu.dma_semaphore, #tpu.memory_space<semaphore_mem>>)
      %dma_wait3A_232 = arith.constant 0 : i32
      %dma_wait3A_233 = tpu.memref_slice %arg10[%run_scoped3A, %mul3A_2, %dma_wait3A_232] : memref<2x10112x16xf32, #tpu.memory_space<hbm>> -> memref<1x632x16xf32, #tpu.memory_space<hbm>>
      %dma_wait3A_234 = tpu.memref_squeeze %dma_wait3A_233 : memref<1x632x16xf32, #tpu.memory_space<hbm>> -> memref<632x16xf32, #tpu.memory_space<hbm>>
      %dma_wait3A_235 = arith.constant 0 : i32
      %dma_wait3A_236 = tpu.memref_slice %arg10[%run_scoped3A, %mul3A_2, %dma_wait3A_235] : memref<2x10112x16xf32, #tpu.memory_space<hbm>> -> memref<1x632x16xf32, #tpu.memory_space<hbm>>
      %dma_wait3A_237 = tpu.memref_squeeze %dma_wait3A_236 : memref<1x632x16xf32, #tpu.memory_space<hbm>> -> memref<632x16xf32, #tpu.memory_space<hbm>>
      tpu.wait_dma2 semaphore(%run_scoped3A_225 : memref<!tpu.dma_semaphore, #tpu.memory_space<semaphore_mem>>) src(%dma_wait3A_237 : memref<632x16xf32, #tpu.memory_space<hbm>>) dst(%arg25 : memref<632x16xf32, #tpu.memory_space<vmem>>)
      tpu.yield
    }) : () -> ()
    %run_scoped3A_103 = arith.constant 1 : i32
    "tpu.region"() ({
      %run_scoped3A_225 = tpu.sem_alloc : memref<!tpu.dma_semaphore, #tpu.memory_space<semaphore_mem>>
      %dma_start3A_226 = arith.constant 0 : i32
      %dma_start3A_227 = tpu.memref_slice %arg10[%run_scoped3A_103, %mul3A_2, %dma_start3A_226] : memref<2x10112x16xf32, #tpu.memory_space<hbm>> -> memref<1x632x16xf32, #tpu.memory_space<hbm>>
      %dma_start3A_228 = tpu.memref_squeeze %dma_start3A_227 : memref<1x632x16xf32, #tpu.memory_space<hbm>> -> memref<632x16xf32, #tpu.memory_space<hbm>>
      %dma_start3A_229 = arith.constant 0 : i32
      %dma_start3A_230 = tpu.memref_slice %arg10[%run_scoped3A_103, %mul3A_2, %dma_start3A_229] : memref<2x10112x16xf32, #tpu.memory_space<hbm>> -> memref<1x632x16xf32, #tpu.memory_space<hbm>>
      %dma_start3A_231 = tpu.memref_squeeze %dma_start3A_230 : memref<1x632x16xf32, #tpu.memory_space<hbm>> -> memref<632x16xf32, #tpu.memory_space<hbm>>
      tpu.enqueue_dma source(%dma_start3A_231 : memref<632x16xf32, #tpu.memory_space<hbm>>) target(%arg26 : memref<632x16xf32, #tpu.memory_space<vmem>>) target_semaphore(%run_scoped3A_225 : memref<!tpu.dma_semaphore, #tpu.memory_space<semaphore_mem>>)
      %dma_wait3A_232 = arith.constant 0 : i32
      %dma_wait3A_233 = tpu.memref_slice %arg10[%run_scoped3A_103, %mul3A_2, %dma_wait3A_232] : memref<2x10112x16xf32, #tpu.memory_space<hbm>> -> memref<1x632x16xf32, #tpu.memory_space<hbm>>
      %dma_wait3A_234 = tpu.memref_squeeze %dma_wait3A_233 : memref<1x632x16xf32, #tpu.memory_space<hbm>> -> memref<632x16xf32, #tpu.memory_space<hbm>>
      %dma_wait3A_235 = arith.constant 0 : i32
      %dma_wait3A_236 = tpu.memref_slice %arg10[%run_scoped3A_103, %mul3A_2, %dma_wait3A_235] : memref<2x10112x16xf32, #tpu.memory_space<hbm>> -> memref<1x632x16xf32, #tpu.memory_space<hbm>>
      %dma_wait3A_237 = tpu.memref_squeeze %dma_wait3A_236 : memref<1x632x16xf32, #tpu.memory_space<hbm>> -> memref<632x16xf32, #tpu.memory_space<hbm>>
      tpu.wait_dma2 semaphore(%run_scoped3A_225 : memref<!tpu.dma_semaphore, #tpu.memory_space<semaphore_mem>>) src(%dma_wait3A_237 : memref<632x16xf32, #tpu.memory_space<hbm>>) dst(%arg26 : memref<632x16xf32, #tpu.memory_space<vmem>>)
      tpu.yield
    }) : () -> ()
    %mul3A_104 = arith.constant 632 : i32
    %mul3A_105 = arith.muli %arg1, %mul3A_104 : i32
    "tpu.region"() ({
      %run_scoped3A_225 = tpu.sem_alloc : memref<!tpu.dma_semaphore, #tpu.memory_space<semaphore_mem>>
      %dma_start3A_226 = tpu.memref_slice %arg11[%mul3A_105] : memref<20224xf32, #tpu.memory_space<hbm>> -> memref<632xf32, #tpu.memory_space<hbm>>
      %dma_start3A_227 = tpu.memref_slice %arg11[%mul3A_105] : memref<20224xf32, #tpu.memory_space<hbm>> -> memref<632xf32, #tpu.memory_space<hbm>>
      tpu.enqueue_dma source(%dma_start3A_227 : memref<632xf32, #tpu.memory_space<hbm>>) target(%arg27 : memref<632xf32, #tpu.memory_space<vmem>>) target_semaphore(%run_scoped3A_225 : memref<!tpu.dma_semaphore, #tpu.memory_space<semaphore_mem>>)
      %dma_wait3A_228 = tpu.memref_slice %arg11[%mul3A_105] : memref<20224xf32, #tpu.memory_space<hbm>> -> memref<632xf32, #tpu.memory_space<hbm>>
      %dma_wait3A_229 = tpu.memref_slice %arg11[%mul3A_105] : memref<20224xf32, #tpu.memory_space<hbm>> -> memref<632xf32, #tpu.memory_space<hbm>>
      tpu.wait_dma2 semaphore(%run_scoped3A_225 : memref<!tpu.dma_semaphore, #tpu.memory_space<semaphore_mem>>) src(%dma_wait3A_229 : memref<632xf32, #tpu.memory_space<hbm>>) dst(%arg27 : memref<632xf32, #tpu.memory_space<vmem>>)
      tpu.yield
    }) : () -> ()
    %mul3A_106 = arith.constant 632 : i32
    %mul3A_107 = arith.muli %arg1, %mul3A_106 : i32
    %add3A_108 = arith.constant 10112 : i32
    %add3A_109 = arith.addi %add3A_108, %mul3A_107 : i32
    "tpu.region"() ({
      %run_scoped3A_225 = tpu.sem_alloc : memref<!tpu.dma_semaphore, #tpu.memory_space<semaphore_mem>>
      %dma_start3A_226 = tpu.memref_slice %arg11[%add3A_109] : memref<20224xf32, #tpu.memory_space<hbm>> -> memref<632xf32, #tpu.memory_space<hbm>>
      %dma_start3A_227 = tpu.memref_slice %arg11[%add3A_109] : memref<20224xf32, #tpu.memory_space<hbm>> -> memref<632xf32, #tpu.memory_space<hbm>>
      tpu.enqueue_dma source(%dma_start3A_227 : memref<632xf32, #tpu.memory_space<hbm>>) target(%arg28 : memref<632xf32, #tpu.memory_space<vmem>>) target_semaphore(%run_scoped3A_225 : memref<!tpu.dma_semaphore, #tpu.memory_space<semaphore_mem>>)
      %dma_wait3A_228 = tpu.memref_slice %arg11[%add3A_109] : memref<20224xf32, #tpu.memory_space<hbm>> -> memref<632xf32, #tpu.memory_space<hbm>>
      %dma_wait3A_229 = tpu.memref_slice %arg11[%add3A_109] : memref<20224xf32, #tpu.memory_space<hbm>> -> memref<632xf32, #tpu.memory_space<hbm>>
      tpu.wait_dma2 semaphore(%run_scoped3A_225 : memref<!tpu.dma_semaphore, #tpu.memory_space<semaphore_mem>>) src(%dma_wait3A_229 : memref<632xf32, #tpu.memory_space<hbm>>) dst(%arg28 : memref<632xf32, #tpu.memory_space<vmem>>)
      tpu.yield
    }) : () -> ()
    "tpu.region"() ({
      %run_scoped3A_225 = tpu.sem_alloc : memref<!tpu.dma_semaphore, #tpu.memory_space<semaphore_mem>>
      tpu.enqueue_dma source(%arg6 : memref<16xf32, #tpu.memory_space<hbm>>) target(%arg32 : memref<16xf32, #tpu.memory_space<vmem>>) target_semaphore(%run_scoped3A_225 : memref<!tpu.dma_semaphore, #tpu.memory_space<semaphore_mem>>)
      tpu.wait_dma2 semaphore(%run_scoped3A_225 : memref<!tpu.dma_semaphore, #tpu.memory_space<semaphore_mem>>) src(%arg6 : memref<16xf32, #tpu.memory_space<hbm>>) dst(%arg32 : memref<16xf32, #tpu.memory_space<vmem>>)
      tpu.yield
    }) : () -> ()
    "tpu.region"() ({
      %run_scoped3A_225 = tpu.sem_alloc : memref<!tpu.dma_semaphore, #tpu.memory_space<semaphore_mem>>
      tpu.enqueue_dma source(%arg7 : memref<2x16xf32, #tpu.memory_space<hbm>>) target(%arg31 : memref<2x16xf32, #tpu.memory_space<vmem>>) target_semaphore(%run_scoped3A_225 : memref<!tpu.dma_semaphore, #tpu.memory_space<semaphore_mem>>)
      tpu.wait_dma2 semaphore(%run_scoped3A_225 : memref<!tpu.dma_semaphore, #tpu.memory_space<semaphore_mem>>) src(%arg7 : memref<2x16xf32, #tpu.memory_space<hbm>>) dst(%arg31 : memref<2x16xf32, #tpu.memory_space<vmem>>)
      tpu.yield
    }) : () -> ()
    %get3A = arith.constant 0 : index
    %get3A_110 = tpu.vector_load %arg32[%get3A] {strides = array<i32>} : memref<16xf32, #tpu.memory_space<vmem>>, vector<16xf32>,
    %get3A_111 = arith.constant 0 : i32
    %get3A_112 = arith.index_cast %get3A_111 : i32 to index
    %get3A_113 = arith.constant 0 : index
    %get3A_114 = tpu.vector_load %arg31[%get3A_112, %get3A_113] {strides = array<i32>} : memref<2x16xf32, #tpu.memory_space<vmem>>, vector<16xf32>,
    %get3A_115 = arith.constant 1 : i32
    %get3A_116 = arith.index_cast %get3A_115 : i32 to index
    %get3A_117 = arith.constant 0 : index
    %get3A_118 = tpu.vector_load %arg31[%get3A_116, %get3A_117] {strides = array<i32>} : memref<2x16xf32, #tpu.memory_space<vmem>>, vector<16xf32>,
    %iota3A = tpu.iota {dimensions = array<i32: 0>} : vector<16xi32>
    %scan3A_119 = arith.constant 0 : i32
    %scan3A_120 = arith.constant 0 : i32
    %scan3A_121 = arith.constant 40 : i32
    %scan3A_122 = arith.addi %scan3A_120, %scan3A_121 : i32
    %scan3A_123 = arith.constant 1 : i32
    scf.for %scan3A_225 = %scan3A_120 to %scan3A_122 step %scan3A_123  : i32 {
      %mul3A_226 = arith.constant 16 : i32
      %mul3A_227 = arith.muli %scan3A_225, %mul3A_226 : i32
      %min3A = arith.constant 616 : i32
      %min3A_228 = arith.minsi %mul3A_227, %min3A : i32
      %get3A_229 = arith.index_cast %min3A_228 : i32 to index
      %get3A_230 = tpu.vector_load %arg27[%get3A_229] {strides = array<i32>} : memref<632xf32, #tpu.memory_space<vmem>>, vector<16xf32>,
      %get3A_231 = arith.index_cast %min3A_228 : i32 to index
      %get3A_232 = tpu.vector_load %arg28[%get3A_231] {strides = array<i32>} : memref<632xf32, #tpu.memory_space<vmem>>, vector<16xf32>,
      %add3A_233 = arith.addf %get3A_230, %get3A_232 : vector<16xf32>
      %eq3A = arith.constant 0.000000e+00 : f32
      %eq3A_234 = vector.broadcast %eq3A : f32 to vector<16xf32>
      %eq3A_235 = arith.cmpf oeq, %add3A_233, %eq3A_234 : vector<16xf32>
      %jit3A = arith.constant 1.000000e+00 : f32
      %broadcast_in_dim3A = vector.broadcast %jit3A : f32 to vector<16xf32>
      %select_n3A = arith.select %eq3A_235, %broadcast_in_dim3A, %add3A_233 : vector<16xi1>, vector<16xf32>
      %div3A = arith.constant 1.000000e+00 : f32
      %div3A_236 = vector.broadcast %div3A : f32 to vector<16xf32>
      %div3A_237 = arith.divf %div3A_236, %select_n3A : vector<16xf32>
      %add3A_238 = arith.constant 0 : i32
      %add3A_239 = arith.addi %min3A_228, %add3A_238 : i32
      %get3A_240 = arith.index_cast %add3A_239 : i32 to index
      %get3A_241 = arith.constant 0 : index
      %get3A_242 = tpu.vector_load %arg25[%get3A_240, %get3A_241] {strides = array<i32>} : memref<632x16xf32, #tpu.memory_space<vmem>>, vector<16xf32>,
      %get3A_243 = arith.index_cast %add3A_239 : i32 to index
      %get3A_244 = arith.constant 0 : index
      %get3A_245 = tpu.vector_load %arg26[%get3A_243, %get3A_244] {strides = array<i32>} : memref<632x16xf32, #tpu.memory_space<vmem>>, vector<16xf32>,
      %add3A_246 = arith.addf %get3A_242, %get3A_245 : vector<16xf32>
      %slice3A = vector.extract_strided_slice %div3A_237 {offsets = [0], sizes = [1], strides = [1]} : vector<16xf32> to vector<1xf32>
      %squeeze3A = vector.extract %slice3A[0] : f32 from vector<1xf32>
      %mul3A_247 = vector.broadcast %squeeze3A : f32 to vector<16xf32>
      %mul3A_248 = arith.mulf %add3A_246, %mul3A_247 : vector<16xf32>
      %add3A_249 = arith.addf %mul3A_248, %get3A_110 : vector<16xf32>
      %max3A = arith.constant 0.000000e+00 : f32
      %max3A_250 = vector.broadcast %max3A : f32 to vector<16xf32>
      %max3A_251 = arith.maximumf %add3A_249, %max3A_250 : vector<16xf32>
      %swap3A = arith.index_cast %add3A_239 : i32 to index
      %swap3A_252 = arith.constant 0 : index
      %swap3A_253 = tpu.vector_load %arg29[%swap3A, %swap3A_252] {strides = array<i32>} : memref<632x16xf32, #tpu.memory_space<vmem>>, vector<16xf32>,
      tpu.vector_store %arg29[%swap3A, %swap3A_252], %max3A_251 {strides = array<i32>} : memref<632x16xf32, #tpu.memory_space<vmem>>, vector<16xf32>,
      %mul3A_254 = arith.constant 16 : i32
      %mul3A_255 = arith.muli %add3A_239, %mul3A_254 : i32
      %swap3A_256 = arith.index_cast %mul3A_255 : i32 to index
      %swap3A_257 = tpu.vector_load %arg30[%swap3A_256] {strides = array<i32>} : memref<10112xf32, #tpu.memory_space<vmem>>, vector<16xf32>,
      tpu.vector_store %arg30[%swap3A_256], %max3A_251 {strides = array<i32>} : memref<10112xf32, #tpu.memory_space<vmem>>, vector<16xf32>,
      %add3A_258 = arith.constant 1 : i32
      %add3A_259 = arith.addi %min3A_228, %add3A_258 : i32
      %get3A_260 = arith.index_cast %add3A_259 : i32 to index
      %get3A_261 = arith.constant 0 : index
      %get3A_262 = tpu.vector_load %arg25[%get3A_260, %get3A_261] {strides = array<i32>} : memref<632x16xf32, #tpu.memory_space<vmem>>, vector<16xf32>,
      %get3A_263 = arith.index_cast %add3A_259 : i32 to index
      %get3A_264 = arith.constant 0 : index
      %get3A_265 = tpu.vector_load %arg26[%get3A_263, %get3A_264] {strides = array<i32>} : memref<632x16xf32, #tpu.memory_space<vmem>>, vector<16xf32>,
      %add3A_266 = arith.addf %get3A_262, %get3A_265 : vector<16xf32>
      %slice3A_267 = vector.extract_strided_slice %div3A_237 {offsets = [1], sizes = [1], strides = [1]} : vector<16xf32> to vector<1xf32>
      %squeeze3A_268 = vector.extract %slice3A_267[0] : f32 from vector<1xf32>
      %mul3A_269 = vector.broadcast %squeeze3A_268 : f32 to vector<16xf32>
      %mul3A_270 = arith.mulf %add3A_266, %mul3A_269 : vector<16xf32>
      %add3A_271 = arith.addf %mul3A_270, %get3A_110 : vector<16xf32>
      %max3A_272 = arith.constant 0.000000e+00 : f32
      %max3A_273 = vector.broadcast %max3A_272 : f32 to vector<16xf32>
      %max3A_274 = arith.maximumf %add3A_271, %max3A_273 : vector<16xf32>
      %swap3A_275 = arith.index_cast %add3A_259 : i32 to index
      %swap3A_276 = arith.constant 0 : index
      %swap3A_277 = tpu.vector_load %arg29[%swap3A_275, %swap3A_276] {strides = array<i32>} : memref<632x16xf32, #tpu.memory_space<vmem>>, vector<16xf32>,
      tpu.vector_store %arg29[%swap3A_275, %swap3A_276], %max3A_274 {strides = array<i32>} : memref<632x16xf32, #tpu.memory_space<vmem>>, vector<16xf32>,
      %mul3A_278 = arith.constant 16 : i32
      %mul3A_279 = arith.muli %add3A_259, %mul3A_278 : i32
      %swap3A_280 = arith.index_cast %mul3A_279 : i32 to index
      %swap3A_281 = tpu.vector_load %arg30[%swap3A_280] {strides = array<i32>} : memref<10112xf32, #tpu.memory_space<vmem>>, vector<16xf32>,
      tpu.vector_store %arg30[%swap3A_280], %max3A_274 {strides = array<i32>} : memref<10112xf32, #tpu.memory_space<vmem>>, vector<16xf32>,
      %add3A_282 = arith.constant 2 : i32
      %add3A_283 = arith.addi %min3A_228, %add3A_282 : i32
      %get3A_284 = arith.index_cast %add3A_283 : i32 to index
      %get3A_285 = arith.constant 0 : index
      %get3A_286 = tpu.vector_load %arg25[%get3A_284, %get3A_285] {strides = array<i32>} : memref<632x16xf32, #tpu.memory_space<vmem>>, vector<16xf32>,
      %get3A_287 = arith.index_cast %add3A_283 : i32 to index
      %get3A_288 = arith.constant 0 : index
      %get3A_289 = tpu.vector_load %arg26[%get3A_287, %get3A_288] {strides = array<i32>} : memref<632x16xf32, #tpu.memory_space<vmem>>, vector<16xf32>,
      %add3A_290 = arith.addf %get3A_286, %get3A_289 : vector<16xf32>
      %slice3A_291 = vector.extract_strided_slice %div3A_237 {offsets = [2], sizes = [1], strides = [1]} : vector<16xf32> to vector<1xf32>
      %squeeze3A_292 = vector.extract %slice3A_291[0] : f32 from vector<1xf32>
      %mul3A_293 = vector.broadcast %squeeze3A_292 : f32 to vector<16xf32>
      %mul3A_294 = arith.mulf %add3A_290, %mul3A_293 : vector<16xf32>
      %add3A_295 = arith.addf %mul3A_294, %get3A_110 : vector<16xf32>
      %max3A_296 = arith.constant 0.000000e+00 : f32
      %max3A_297 = vector.broadcast %max3A_296 : f32 to vector<16xf32>
      %max3A_298 = arith.maximumf %add3A_295, %max3A_297 : vector<16xf32>
      %swap3A_299 = arith.index_cast %add3A_283 : i32 to index
      %swap3A_300 = arith.constant 0 : index
      %swap3A_301 = tpu.vector_load %arg29[%swap3A_299, %swap3A_300] {strides = array<i32>} : memref<632x16xf32, #tpu.memory_space<vmem>>, vector<16xf32>,
      tpu.vector_store %arg29[%swap3A_299, %swap3A_300], %max3A_298 {strides = array<i32>} : memref<632x16xf32, #tpu.memory_space<vmem>>, vector<16xf32>,
      %mul3A_302 = arith.constant 16 : i32
      %mul3A_303 = arith.muli %add3A_283, %mul3A_302 : i32
      %swap3A_304 = arith.index_cast %mul3A_303 : i32 to index
      %swap3A_305 = tpu.vector_load %arg30[%swap3A_304] {strides = array<i32>} : memref<10112xf32, #tpu.memory_space<vmem>>, vector<16xf32>,
      tpu.vector_store %arg30[%swap3A_304], %max3A_298 {strides = array<i32>} : memref<10112xf32, #tpu.memory_space<vmem>>, vector<16xf32>,
      %add3A_306 = arith.constant 3 : i32
      %add3A_307 = arith.addi %min3A_228, %add3A_306 : i32
      %get3A_308 = arith.index_cast %add3A_307 : i32 to index
      %get3A_309 = arith.constant 0 : index
      %get3A_310 = tpu.vector_load %arg25[%get3A_308, %get3A_309] {strides = array<i32>} : memref<632x16xf32, #tpu.memory_space<vmem>>, vector<16xf32>,
      %get3A_311 = arith.index_cast %add3A_307 : i32 to index
      %get3A_312 = arith.constant 0 : index
      %get3A_313 = tpu.vector_load %arg26[%get3A_311, %get3A_312] {strides = array<i32>} : memref<632x16xf32, #tpu.memory_space<vmem>>, vector<16xf32>,
      %add3A_314 = arith.addf %get3A_310, %get3A_313 : vector<16xf32>
      %slice3A_315 = vector.extract_strided_slice %div3A_237 {offsets = [3], sizes = [1], strides = [1]} : vector<16xf32> to vector<1xf32>
      %squeeze3A_316 = vector.extract %slice3A_315[0] : f32 from vector<1xf32>
      %mul3A_317 = vector.broadcast %squeeze3A_316 : f32 to vector<16xf32>
      %mul3A_318 = arith.mulf %add3A_314, %mul3A_317 : vector<16xf32>
      %add3A_319 = arith.addf %mul3A_318, %get3A_110 : vector<16xf32>
      %max3A_320 = arith.constant 0.000000e+00 : f32
      %max3A_321 = vector.broadcast %max3A_320 : f32 to vector<16xf32>
      %max3A_322 = arith.maximumf %add3A_319, %max3A_321 : vector<16xf32>
      %swap3A_323 = arith.index_cast %add3A_307 : i32 to index
      %swap3A_324 = arith.constant 0 : index
      %swap3A_325 = tpu.vector_load %arg29[%swap3A_323, %swap3A_324] {strides = array<i32>} : memref<632x16xf32, #tpu.memory_space<vmem>>, vector<16xf32>,
      tpu.vector_store %arg29[%swap3A_323, %swap3A_324], %max3A_322 {strides = array<i32>} : memref<632x16xf32, #tpu.memory_space<vmem>>, vector<16xf32>,
      %mul3A_326 = arith.constant 16 : i32
      %mul3A_327 = arith.muli %add3A_307, %mul3A_326 : i32
      %swap3A_328 = arith.index_cast %mul3A_327 : i32 to index
      %swap3A_329 = tpu.vector_load %arg30[%swap3A_328] {strides = array<i32>} : memref<10112xf32, #tpu.memory_space<vmem>>, vector<16xf32>,
      tpu.vector_store %arg30[%swap3A_328], %max3A_322 {strides = array<i32>} : memref<10112xf32, #tpu.memory_space<vmem>>, vector<16xf32>,
      %add3A_330 = arith.constant 4 : i32
      %add3A_331 = arith.addi %min3A_228, %add3A_330 : i32
      %get3A_332 = arith.index_cast %add3A_331 : i32 to index
      %get3A_333 = arith.constant 0 : index
      %get3A_334 = tpu.vector_load %arg25[%get3A_332, %get3A_333] {strides = array<i32>} : memref<632x16xf32, #tpu.memory_space<vmem>>, vector<16xf32>,
      %get3A_335 = arith.index_cast %add3A_331 : i32 to index
      %get3A_336 = arith.constant 0 : index
      %get3A_337 = tpu.vector_load %arg26[%get3A_335, %get3A_336] {strides = array<i32>} : memref<632x16xf32, #tpu.memory_space<vmem>>, vector<16xf32>,
      %add3A_338 = arith.addf %get3A_334, %get3A_337 : vector<16xf32>
      %slice3A_339 = vector.extract_strided_slice %div3A_237 {offsets = [4], sizes = [1], strides = [1]} : vector<16xf32> to vector<1xf32>
      %squeeze3A_340 = vector.extract %slice3A_339[0] : f32 from vector<1xf32>
      %mul3A_341 = vector.broadcast %squeeze3A_340 : f32 to vector<16xf32>
      %mul3A_342 = arith.mulf %add3A_338, %mul3A_341 : vector<16xf32>
      %add3A_343 = arith.addf %mul3A_342, %get3A_110 : vector<16xf32>
      %max3A_344 = arith.constant 0.000000e+00 : f32
      %max3A_345 = vector.broadcast %max3A_344 : f32 to vector<16xf32>
      %max3A_346 = arith.maximumf %add3A_343, %max3A_345 : vector<16xf32>
      %swap3A_347 = arith.index_cast %add3A_331 : i32 to index
      %swap3A_348 = arith.constant 0 : index
      %swap3A_349 = tpu.vector_load %arg29[%swap3A_347, %swap3A_348] {strides = array<i32>} : memref<632x16xf32, #tpu.memory_space<vmem>>, vector<16xf32>,
      tpu.vector_store %arg29[%swap3A_347, %swap3A_348], %max3A_346 {strides = array<i32>} : memref<632x16xf32, #tpu.memory_space<vmem>>, vector<16xf32>,
      %mul3A_350 = arith.constant 16 : i32
      %mul3A_351 = arith.muli %add3A_331, %mul3A_350 : i32
      %swap3A_352 = arith.index_cast %mul3A_351 : i32 to index
      %swap3A_353 = tpu.vector_load %arg30[%swap3A_352] {strides = array<i32>} : memref<10112xf32, #tpu.memory_space<vmem>>, vector<16xf32>,
      tpu.vector_store %arg30[%swap3A_352], %max3A_346 {strides = array<i32>} : memref<10112xf32, #tpu.memory_space<vmem>>, vector<16xf32>,
      %add3A_354 = arith.constant 5 : i32
      %add3A_355 = arith.addi %min3A_228, %add3A_354 : i32
      %get3A_356 = arith.index_cast %add3A_355 : i32 to index
      %get3A_357 = arith.constant 0 : index
      %get3A_358 = tpu.vector_load %arg25[%get3A_356, %get3A_357] {strides = array<i32>} : memref<632x16xf32, #tpu.memory_space<vmem>>, vector<16xf32>,
      %get3A_359 = arith.index_cast %add3A_355 : i32 to index
      %get3A_360 = arith.constant 0 : index
      %get3A_361 = tpu.vector_load %arg26[%get3A_359, %get3A_360] {strides = array<i32>} : memref<632x16xf32, #tpu.memory_space<vmem>>, vector<16xf32>,
      %add3A_362 = arith.addf %get3A_358, %get3A_361 : vector<16xf32>
      %slice3A_363 = vector.extract_strided_slice %div3A_237 {offsets = [5], sizes = [1], strides = [1]} : vector<16xf32> to vector<1xf32>
      %squeeze3A_364 = vector.extract %slice3A_363[0] : f32 from vector<1xf32>
      %mul3A_365 = vector.broadcast %squeeze3A_364 : f32 to vector<16xf32>
      %mul3A_366 = arith.mulf %add3A_362, %mul3A_365 : vector<16xf32>
      %add3A_367 = arith.addf %mul3A_366, %get3A_110 : vector<16xf32>
      %max3A_368 = arith.constant 0.000000e+00 : f32
      %max3A_369 = vector.broadcast %max3A_368 : f32 to vector<16xf32>
      %max3A_370 = arith.maximumf %add3A_367, %max3A_369 : vector<16xf32>
      %swap3A_371 = arith.index_cast %add3A_355 : i32 to index
      %swap3A_372 = arith.constant 0 : index
      %swap3A_373 = tpu.vector_load %arg29[%swap3A_371, %swap3A_372] {strides = array<i32>} : memref<632x16xf32, #tpu.memory_space<vmem>>, vector<16xf32>,
      tpu.vector_store %arg29[%swap3A_371, %swap3A_372], %max3A_370 {strides = array<i32>} : memref<632x16xf32, #tpu.memory_space<vmem>>, vector<16xf32>,
      %mul3A_374 = arith.constant 16 : i32
      %mul3A_375 = arith.muli %add3A_355, %mul3A_374 : i32
      %swap3A_376 = arith.index_cast %mul3A_375 : i32 to index
      %swap3A_377 = tpu.vector_load %arg30[%swap3A_376] {strides = array<i32>} : memref<10112xf32, #tpu.memory_space<vmem>>, vector<16xf32>,
      tpu.vector_store %arg30[%swap3A_376], %max3A_370 {strides = array<i32>} : memref<10112xf32, #tpu.memory_space<vmem>>, vector<16xf32>,
      %add3A_378 = arith.constant 6 : i32
      %add3A_379 = arith.addi %min3A_228, %add3A_378 : i32
      %get3A_380 = arith.index_cast %add3A_379 : i32 to index
      %get3A_381 = arith.constant 0 : index
      %get3A_382 = tpu.vector_load %arg25[%get3A_380, %get3A_381] {strides = array<i32>} : memref<632x16xf32, #tpu.memory_space<vmem>>, vector<16xf32>,
      %get3A_383 = arith.index_cast %add3A_379 : i32 to index
      %get3A_384 = arith.constant 0 : index
      %get3A_385 = tpu.vector_load %arg26[%get3A_383, %get3A_384] {strides = array<i32>} : memref<632x16xf32, #tpu.memory_space<vmem>>, vector<16xf32>,
      %add3A_386 = arith.addf %get3A_382, %get3A_385 : vector<16xf32>
      %slice3A_387 = vector.extract_strided_slice %div3A_237 {offsets = [6], sizes = [1], strides = [1]} : vector<16xf32> to vector<1xf32>
      %squeeze3A_388 = vector.extract %slice3A_387[0] : f32 from vector<1xf32>
      %mul3A_389 = vector.broadcast %squeeze3A_388 : f32 to vector<16xf32>
      %mul3A_390 = arith.mulf %add3A_386, %mul3A_389 : vector<16xf32>
      %add3A_391 = arith.addf %mul3A_390, %get3A_110 : vector<16xf32>
      %max3A_392 = arith.constant 0.000000e+00 : f32
      %max3A_393 = vector.broadcast %max3A_392 : f32 to vector<16xf32>
      %max3A_394 = arith.maximumf %add3A_391, %max3A_393 : vector<16xf32>
      %swap3A_395 = arith.index_cast %add3A_379 : i32 to index
      %swap3A_396 = arith.constant 0 : index
      %swap3A_397 = tpu.vector_load %arg29[%swap3A_395, %swap3A_396] {strides = array<i32>} : memref<632x16xf32, #tpu.memory_space<vmem>>, vector<16xf32>,
      tpu.vector_store %arg29[%swap3A_395, %swap3A_396], %max3A_394 {strides = array<i32>} : memref<632x16xf32, #tpu.memory_space<vmem>>, vector<16xf32>,
      %mul3A_398 = arith.constant 16 : i32
      %mul3A_399 = arith.muli %add3A_379, %mul3A_398 : i32
      %swap3A_400 = arith.index_cast %mul3A_399 : i32 to index
      %swap3A_401 = tpu.vector_load %arg30[%swap3A_400] {strides = array<i32>} : memref<10112xf32, #tpu.memory_space<vmem>>, vector<16xf32>,
      tpu.vector_store %arg30[%swap3A_400], %max3A_394 {strides = array<i32>} : memref<10112xf32, #tpu.memory_space<vmem>>, vector<16xf32>,
      %add3A_402 = arith.constant 7 : i32
      %add3A_403 = arith.addi %min3A_228, %add3A_402 : i32
      %get3A_404 = arith.index_cast %add3A_403 : i32 to index
      %get3A_405 = arith.constant 0 : index
      %get3A_406 = tpu.vector_load %arg25[%get3A_404, %get3A_405] {strides = array<i32>} : memref<632x16xf32, #tpu.memory_space<vmem>>, vector<16xf32>,
      %get3A_407 = arith.index_cast %add3A_403 : i32 to index
      %get3A_408 = arith.constant 0 : index
      %get3A_409 = tpu.vector_load %arg26[%get3A_407, %get3A_408] {strides = array<i32>} : memref<632x16xf32, #tpu.memory_space<vmem>>, vector<16xf32>,
      %add3A_410 = arith.addf %get3A_406, %get3A_409 : vector<16xf32>
      %slice3A_411 = vector.extract_strided_slice %div3A_237 {offsets = [7], sizes = [1], strides = [1]} : vector<16xf32> to vector<1xf32>
      %squeeze3A_412 = vector.extract %slice3A_411[0] : f32 from vector<1xf32>
      %mul3A_413 = vector.broadcast %squeeze3A_412 : f32 to vector<16xf32>
      %mul3A_414 = arith.mulf %add3A_410, %mul3A_413 : vector<16xf32>
      %add3A_415 = arith.addf %mul3A_414, %get3A_110 : vector<16xf32>
      %max3A_416 = arith.constant 0.000000e+00 : f32
      %max3A_417 = vector.broadcast %max3A_416 : f32 to vector<16xf32>
      %max3A_418 = arith.maximumf %add3A_415, %max3A_417 : vector<16xf32>
      %swap3A_419 = arith.index_cast %add3A_403 : i32 to index
      %swap3A_420 = arith.constant 0 : index
      %swap3A_421 = tpu.vector_load %arg29[%swap3A_419, %swap3A_420] {strides = array<i32>} : memref<632x16xf32, #tpu.memory_space<vmem>>, vector<16xf32>,
      tpu.vector_store %arg29[%swap3A_419, %swap3A_420], %max3A_418 {strides = array<i32>} : memref<632x16xf32, #tpu.memory_space<vmem>>, vector<16xf32>,
      %mul3A_422 = arith.constant 16 : i32
      %mul3A_423 = arith.muli %add3A_403, %mul3A_422 : i32
      %swap3A_424 = arith.index_cast %mul3A_423 : i32 to index
      %swap3A_425 = tpu.vector_load %arg30[%swap3A_424] {strides = array<i32>} : memref<10112xf32, #tpu.memory_space<vmem>>, vector<16xf32>,
      tpu.vector_store %arg30[%swap3A_424], %max3A_418 {strides = array<i32>} : memref<10112xf32, #tpu.memory_space<vmem>>, vector<16xf32>,
      %add3A_426 = arith.constant 8 : i32
      %add3A_427 = arith.addi %min3A_228, %add3A_426 : i32
      %get3A_428 = arith.index_cast %add3A_427 : i32 to index
      %get3A_429 = arith.constant 0 : index
      %get3A_430 = tpu.vector_load %arg25[%get3A_428, %get3A_429] {strides = array<i32>} : memref<632x16xf32, #tpu.memory_space<vmem>>, vector<16xf32>,
      %get3A_431 = arith.index_cast %add3A_427 : i32 to index
      %get3A_432 = arith.constant 0 : index
      %get3A_433 = tpu.vector_load %arg26[%get3A_431, %get3A_432] {strides = array<i32>} : memref<632x16xf32, #tpu.memory_space<vmem>>, vector<16xf32>,
      %add3A_434 = arith.addf %get3A_430, %get3A_433 : vector<16xf32>
      %slice3A_435 = vector.extract_strided_slice %div3A_237 {offsets = [8], sizes = [1], strides = [1]} : vector<16xf32> to vector<1xf32>
      %squeeze3A_436 = vector.extract %slice3A_435[0] : f32 from vector<1xf32>
      %mul3A_437 = vector.broadcast %squeeze3A_436 : f32 to vector<16xf32>
      %mul3A_438 = arith.mulf %add3A_434, %mul3A_437 : vector<16xf32>
      %add3A_439 = arith.addf %mul3A_438, %get3A_110 : vector<16xf32>
      %max3A_440 = arith.constant 0.000000e+00 : f32
      %max3A_441 = vector.broadcast %max3A_440 : f32 to vector<16xf32>
      %max3A_442 = arith.maximumf %add3A_439, %max3A_441 : vector<16xf32>
      %swap3A_443 = arith.index_cast %add3A_427 : i32 to index
      %swap3A_444 = arith.constant 0 : index
      %swap3A_445 = tpu.vector_load %arg29[%swap3A_443, %swap3A_444] {strides = array<i32>} : memref<632x16xf32, #tpu.memory_space<vmem>>, vector<16xf32>,
      tpu.vector_store %arg29[%swap3A_443, %swap3A_444], %max3A_442 {strides = array<i32>} : memref<632x16xf32, #tpu.memory_space<vmem>>, vector<16xf32>,
      %mul3A_446 = arith.constant 16 : i32
      %mul3A_447 = arith.muli %add3A_427, %mul3A_446 : i32
      %swap3A_448 = arith.index_cast %mul3A_447 : i32 to index
      %swap3A_449 = tpu.vector_load %arg30[%swap3A_448] {strides = array<i32>} : memref<10112xf32, #tpu.memory_space<vmem>>, vector<16xf32>,
      tpu.vector_store %arg30[%swap3A_448], %max3A_442 {strides = array<i32>} : memref<10112xf32, #tpu.memory_space<vmem>>, vector<16xf32>,
      %add3A_450 = arith.constant 9 : i32
      %add3A_451 = arith.addi %min3A_228, %add3A_450 : i32
      %get3A_452 = arith.index_cast %add3A_451 : i32 to index
      %get3A_453 = arith.constant 0 : index
      %get3A_454 = tpu.vector_load %arg25[%get3A_452, %get3A_453] {strides = array<i32>} : memref<632x16xf32, #tpu.memory_space<vmem>>, vector<16xf32>,
      %get3A_455 = arith.index_cast %add3A_451 : i32 to index
      %get3A_456 = arith.constant 0 : index
      %get3A_457 = tpu.vector_load %arg26[%get3A_455, %get3A_456] {strides = array<i32>} : memref<632x16xf32, #tpu.memory_space<vmem>>, vector<16xf32>,
      %add3A_458 = arith.addf %get3A_454, %get3A_457 : vector<16xf32>
      %slice3A_459 = vector.extract_strided_slice %div3A_237 {offsets = [9], sizes = [1], strides = [1]} : vector<16xf32> to vector<1xf32>
      %squeeze3A_460 = vector.extract %slice3A_459[0] : f32 from vector<1xf32>
      %mul3A_461 = vector.broadcast %squeeze3A_460 : f32 to vector<16xf32>
      %mul3A_462 = arith.mulf %add3A_458, %mul3A_461 : vector<16xf32>
      %add3A_463 = arith.addf %mul3A_462, %get3A_110 : vector<16xf32>
      %max3A_464 = arith.constant 0.000000e+00 : f32
      %max3A_465 = vector.broadcast %max3A_464 : f32 to vector<16xf32>
      %max3A_466 = arith.maximumf %add3A_463, %max3A_465 : vector<16xf32>
      %swap3A_467 = arith.index_cast %add3A_451 : i32 to index
      %swap3A_468 = arith.constant 0 : index
      %swap3A_469 = tpu.vector_load %arg29[%swap3A_467, %swap3A_468] {strides = array<i32>} : memref<632x16xf32, #tpu.memory_space<vmem>>, vector<16xf32>,
      tpu.vector_store %arg29[%swap3A_467, %swap3A_468], %max3A_466 {strides = array<i32>} : memref<632x16xf32, #tpu.memory_space<vmem>>, vector<16xf32>,
      %mul3A_470 = arith.constant 16 : i32
      %mul3A_471 = arith.muli %add3A_451, %mul3A_470 : i32
      %swap3A_472 = arith.index_cast %mul3A_471 : i32 to index
      %swap3A_473 = tpu.vector_load %arg30[%swap3A_472] {strides = array<i32>} : memref<10112xf32, #tpu.memory_space<vmem>>, vector<16xf32>,
      tpu.vector_store %arg30[%swap3A_472], %max3A_466 {strides = array<i32>} : memref<10112xf32, #tpu.memory_space<vmem>>, vector<16xf32>,
      %add3A_474 = arith.constant 10 : i32
      %add3A_475 = arith.addi %min3A_228, %add3A_474 : i32
      %get3A_476 = arith.index_cast %add3A_475 : i32 to index
      %get3A_477 = arith.constant 0 : index
      %get3A_478 = tpu.vector_load %arg25[%get3A_476, %get3A_477] {strides = array<i32>} : memref<632x16xf32, #tpu.memory_space<vmem>>, vector<16xf32>,
      %get3A_479 = arith.index_cast %add3A_475 : i32 to index
      %get3A_480 = arith.constant 0 : index
      %get3A_481 = tpu.vector_load %arg26[%get3A_479, %get3A_480] {strides = array<i32>} : memref<632x16xf32, #tpu.memory_space<vmem>>, vector<16xf32>,
      %add3A_482 = arith.addf %get3A_478, %get3A_481 : vector<16xf32>
      %slice3A_483 = vector.extract_strided_slice %div3A_237 {offsets = [10], sizes = [1], strides = [1]} : vector<16xf32> to vector<1xf32>
      %squeeze3A_484 = vector.extract %slice3A_483[0] : f32 from vector<1xf32>
      %mul3A_485 = vector.broadcast %squeeze3A_484 : f32 to vector<16xf32>
      %mul3A_486 = arith.mulf %add3A_482, %mul3A_485 : vector<16xf32>
      %add3A_487 = arith.addf %mul3A_486, %get3A_110 : vector<16xf32>
      %max3A_488 = arith.constant 0.000000e+00 : f32
      %max3A_489 = vector.broadcast %max3A_488 : f32 to vector<16xf32>
      %max3A_490 = arith.maximumf %add3A_487, %max3A_489 : vector<16xf32>
      %swap3A_491 = arith.index_cast %add3A_475 : i32 to index
      %swap3A_492 = arith.constant 0 : index
      %swap3A_493 = tpu.vector_load %arg29[%swap3A_491, %swap3A_492] {strides = array<i32>} : memref<632x16xf32, #tpu.memory_space<vmem>>, vector<16xf32>,
      tpu.vector_store %arg29[%swap3A_491, %swap3A_492], %max3A_490 {strides = array<i32>} : memref<632x16xf32, #tpu.memory_space<vmem>>, vector<16xf32>,
      %mul3A_494 = arith.constant 16 : i32
      %mul3A_495 = arith.muli %add3A_475, %mul3A_494 : i32
      %swap3A_496 = arith.index_cast %mul3A_495 : i32 to index
      %swap3A_497 = tpu.vector_load %arg30[%swap3A_496] {strides = array<i32>} : memref<10112xf32, #tpu.memory_space<vmem>>, vector<16xf32>,
      tpu.vector_store %arg30[%swap3A_496], %max3A_490 {strides = array<i32>} : memref<10112xf32, #tpu.memory_space<vmem>>, vector<16xf32>,
      %add3A_498 = arith.constant 11 : i32
      %add3A_499 = arith.addi %min3A_228, %add3A_498 : i32
      %get3A_500 = arith.index_cast %add3A_499 : i32 to index
      %get3A_501 = arith.constant 0 : index
      %get3A_502 = tpu.vector_load %arg25[%get3A_500, %get3A_501] {strides = array<i32>} : memref<632x16xf32, #tpu.memory_space<vmem>>, vector<16xf32>,
      %get3A_503 = arith.index_cast %add3A_499 : i32 to index
      %get3A_504 = arith.constant 0 : index
      %get3A_505 = tpu.vector_load %arg26[%get3A_503, %get3A_504] {strides = array<i32>} : memref<632x16xf32, #tpu.memory_space<vmem>>, vector<16xf32>,
      %add3A_506 = arith.addf %get3A_502, %get3A_505 : vector<16xf32>
      %slice3A_507 = vector.extract_strided_slice %div3A_237 {offsets = [11], sizes = [1], strides = [1]} : vector<16xf32> to vector<1xf32>
      %squeeze3A_508 = vector.extract %slice3A_507[0] : f32 from vector<1xf32>
      %mul3A_509 = vector.broadcast %squeeze3A_508 : f32 to vector<16xf32>
      %mul3A_510 = arith.mulf %add3A_506, %mul3A_509 : vector<16xf32>
      %add3A_511 = arith.addf %mul3A_510, %get3A_110 : vector<16xf32>
      %max3A_512 = arith.constant 0.000000e+00 : f32
      %max3A_513 = vector.broadcast %max3A_512 : f32 to vector<16xf32>
      %max3A_514 = arith.maximumf %add3A_511, %max3A_513 : vector<16xf32>
      %swap3A_515 = arith.index_cast %add3A_499 : i32 to index
      %swap3A_516 = arith.constant 0 : index
      %swap3A_517 = tpu.vector_load %arg29[%swap3A_515, %swap3A_516] {strides = array<i32>} : memref<632x16xf32, #tpu.memory_space<vmem>>, vector<16xf32>,
      tpu.vector_store %arg29[%swap3A_515, %swap3A_516], %max3A_514 {strides = array<i32>} : memref<632x16xf32, #tpu.memory_space<vmem>>, vector<16xf32>,
      %mul3A_518 = arith.constant 16 : i32
      %mul3A_519 = arith.muli %add3A_499, %mul3A_518 : i32
      %swap3A_520 = arith.index_cast %mul3A_519 : i32 to index
      %swap3A_521 = tpu.vector_load %arg30[%swap3A_520] {strides = array<i32>} : memref<10112xf32, #tpu.memory_space<vmem>>, vector<16xf32>,
      tpu.vector_store %arg30[%swap3A_520], %max3A_514 {strides = array<i32>} : memref<10112xf32, #tpu.memory_space<vmem>>, vector<16xf32>,
      %add3A_522 = arith.constant 12 : i32
      %add3A_523 = arith.addi %min3A_228, %add3A_522 : i32
      %get3A_524 = arith.index_cast %add3A_523 : i32 to index
      %get3A_525 = arith.constant 0 : index
      %get3A_526 = tpu.vector_load %arg25[%get3A_524, %get3A_525] {strides = array<i32>} : memref<632x16xf32, #tpu.memory_space<vmem>>, vector<16xf32>,
      %get3A_527 = arith.index_cast %add3A_523 : i32 to index
      %get3A_528 = arith.constant 0 : index
      %get3A_529 = tpu.vector_load %arg26[%get3A_527, %get3A_528] {strides = array<i32>} : memref<632x16xf32, #tpu.memory_space<vmem>>, vector<16xf32>,
      %add3A_530 = arith.addf %get3A_526, %get3A_529 : vector<16xf32>
      %slice3A_531 = vector.extract_strided_slice %div3A_237 {offsets = [12], sizes = [1], strides = [1]} : vector<16xf32> to vector<1xf32>
      %squeeze3A_532 = vector.extract %slice3A_531[0] : f32 from vector<1xf32>
      %mul3A_533 = vector.broadcast %squeeze3A_532 : f32 to vector<16xf32>
      %mul3A_534 = arith.mulf %add3A_530, %mul3A_533 : vector<16xf32>
      %add3A_535 = arith.addf %mul3A_534, %get3A_110 : vector<16xf32>
      %max3A_536 = arith.constant 0.000000e+00 : f32
      %max3A_537 = vector.broadcast %max3A_536 : f32 to vector<16xf32>
      %max3A_538 = arith.maximumf %add3A_535, %max3A_537 : vector<16xf32>
      %swap3A_539 = arith.index_cast %add3A_523 : i32 to index
      %swap3A_540 = arith.constant 0 : index
      %swap3A_541 = tpu.vector_load %arg29[%swap3A_539, %swap3A_540] {strides = array<i32>} : memref<632x16xf32, #tpu.memory_space<vmem>>, vector<16xf32>,
      tpu.vector_store %arg29[%swap3A_539, %swap3A_540], %max3A_538 {strides = array<i32>} : memref<632x16xf32, #tpu.memory_space<vmem>>, vector<16xf32>,
      %mul3A_542 = arith.constant 16 : i32
      %mul3A_543 = arith.muli %add3A_523, %mul3A_542 : i32
      %swap3A_544 = arith.index_cast %mul3A_543 : i32 to index
      %swap3A_545 = tpu.vector_load %arg30[%swap3A_544] {strides = array<i32>} : memref<10112xf32, #tpu.memory_space<vmem>>, vector<16xf32>,
      tpu.vector_store %arg30[%swap3A_544], %max3A_538 {strides = array<i32>} : memref<10112xf32, #tpu.memory_space<vmem>>, vector<16xf32>,
      %add3A_546 = arith.constant 13 : i32
      %add3A_547 = arith.addi %min3A_228, %add3A_546 : i32
      %get3A_548 = arith.index_cast %add3A_547 : i32 to index
      %get3A_549 = arith.constant 0 : index
      %get3A_550 = tpu.vector_load %arg25[%get3A_548, %get3A_549] {strides = array<i32>} : memref<632x16xf32, #tpu.memory_space<vmem>>, vector<16xf32>,
      %get3A_551 = arith.index_cast %add3A_547 : i32 to index
      %get3A_552 = arith.constant 0 : index
      %get3A_553 = tpu.vector_load %arg26[%get3A_551, %get3A_552] {strides = array<i32>} : memref<632x16xf32, #tpu.memory_space<vmem>>, vector<16xf32>,
      %add3A_554 = arith.addf %get3A_550, %get3A_553 : vector<16xf32>
      %slice3A_555 = vector.extract_strided_slice %div3A_237 {offsets = [13], sizes = [1], strides = [1]} : vector<16xf32> to vector<1xf32>
      %squeeze3A_556 = vector.extract %slice3A_555[0] : f32 from vector<1xf32>
      %mul3A_557 = vector.broadcast %squeeze3A_556 : f32 to vector<16xf32>
      %mul3A_558 = arith.mulf %add3A_554, %mul3A_557 : vector<16xf32>
      %add3A_559 = arith.addf %mul3A_558, %get3A_110 : vector<16xf32>
      %max3A_560 = arith.constant 0.000000e+00 : f32
      %max3A_561 = vector.broadcast %max3A_560 : f32 to vector<16xf32>
      %max3A_562 = arith.maximumf %add3A_559, %max3A_561 : vector<16xf32>
      %swap3A_563 = arith.index_cast %add3A_547 : i32 to index
      %swap3A_564 = arith.constant 0 : index
      %swap3A_565 = tpu.vector_load %arg29[%swap3A_563, %swap3A_564] {strides = array<i32>} : memref<632x16xf32, #tpu.memory_space<vmem>>, vector<16xf32>,
      tpu.vector_store %arg29[%swap3A_563, %swap3A_564], %max3A_562 {strides = array<i32>} : memref<632x16xf32, #tpu.memory_space<vmem>>, vector<16xf32>,
      %mul3A_566 = arith.constant 16 : i32
      %mul3A_567 = arith.muli %add3A_547, %mul3A_566 : i32
      %swap3A_568 = arith.index_cast %mul3A_567 : i32 to index
      %swap3A_569 = tpu.vector_load %arg30[%swap3A_568] {strides = array<i32>} : memref<10112xf32, #tpu.memory_space<vmem>>, vector<16xf32>,
      tpu.vector_store %arg30[%swap3A_568], %max3A_562 {strides = array<i32>} : memref<10112xf32, #tpu.memory_space<vmem>>, vector<16xf32>,
      %add3A_570 = arith.constant 14 : i32
      %add3A_571 = arith.addi %min3A_228, %add3A_570 : i32
      %get3A_572 = arith.index_cast %add3A_571 : i32 to index
      %get3A_573 = arith.constant 0 : index
      %get3A_574 = tpu.vector_load %arg25[%get3A_572, %get3A_573] {strides = array<i32>} : memref<632x16xf32, #tpu.memory_space<vmem>>, vector<16xf32>,
      %get3A_575 = arith.index_cast %add3A_571 : i32 to index
      %get3A_576 = arith.constant 0 : index
      %get3A_577 = tpu.vector_load %arg26[%get3A_575, %get3A_576] {strides = array<i32>} : memref<632x16xf32, #tpu.memory_space<vmem>>, vector<16xf32>,
      %add3A_578 = arith.addf %get3A_574, %get3A_577 : vector<16xf32>
      %slice3A_579 = vector.extract_strided_slice %div3A_237 {offsets = [14], sizes = [1], strides = [1]} : vector<16xf32> to vector<1xf32>
      %squeeze3A_580 = vector.extract %slice3A_579[0] : f32 from vector<1xf32>
      %mul3A_581 = vector.broadcast %squeeze3A_580 : f32 to vector<16xf32>
      %mul3A_582 = arith.mulf %add3A_578, %mul3A_581 : vector<16xf32>
      %add3A_583 = arith.addf %mul3A_582, %get3A_110 : vector<16xf32>
      %max3A_584 = arith.constant 0.000000e+00 : f32
      %max3A_585 = vector.broadcast %max3A_584 : f32 to vector<16xf32>
      %max3A_586 = arith.maximumf %add3A_583, %max3A_585 : vector<16xf32>
      %swap3A_587 = arith.index_cast %add3A_571 : i32 to index
      %swap3A_588 = arith.constant 0 : index
      %swap3A_589 = tpu.vector_load %arg29[%swap3A_587, %swap3A_588] {strides = array<i32>} : memref<632x16xf32, #tpu.memory_space<vmem>>, vector<16xf32>,
      tpu.vector_store %arg29[%swap3A_587, %swap3A_588], %max3A_586 {strides = array<i32>} : memref<632x16xf32, #tpu.memory_space<vmem>>, vector<16xf32>,
      %mul3A_590 = arith.constant 16 : i32
      %mul3A_591 = arith.muli %add3A_571, %mul3A_590 : i32
      %swap3A_592 = arith.index_cast %mul3A_591 : i32 to index
      %swap3A_593 = tpu.vector_load %arg30[%swap3A_592] {strides = array<i32>} : memref<10112xf32, #tpu.memory_space<vmem>>, vector<16xf32>,
      tpu.vector_store %arg30[%swap3A_592], %max3A_586 {strides = array<i32>} : memref<10112xf32, #tpu.memory_space<vmem>>, vector<16xf32>,
      %add3A_594 = arith.constant 15 : i32
      %add3A_595 = arith.addi %min3A_228, %add3A_594 : i32
      %get3A_596 = arith.index_cast %add3A_595 : i32 to index
      %get3A_597 = arith.constant 0 : index
      %get3A_598 = tpu.vector_load %arg25[%get3A_596, %get3A_597] {strides = array<i32>} : memref<632x16xf32, #tpu.memory_space<vmem>>, vector<16xf32>,
      %get3A_599 = arith.index_cast %add3A_595 : i32 to index
      %get3A_600 = arith.constant 0 : index
      %get3A_601 = tpu.vector_load %arg26[%get3A_599, %get3A_600] {strides = array<i32>} : memref<632x16xf32, #tpu.memory_space<vmem>>, vector<16xf32>,
      %add3A_602 = arith.addf %get3A_598, %get3A_601 : vector<16xf32>
      %slice3A_603 = vector.extract_strided_slice %div3A_237 {offsets = [15], sizes = [1], strides = [1]} : vector<16xf32> to vector<1xf32>
      %squeeze3A_604 = vector.extract %slice3A_603[0] : f32 from vector<1xf32>
      %mul3A_605 = vector.broadcast %squeeze3A_604 : f32 to vector<16xf32>
      %mul3A_606 = arith.mulf %add3A_602, %mul3A_605 : vector<16xf32>
      %add3A_607 = arith.addf %mul3A_606, %get3A_110 : vector<16xf32>
      %max3A_608 = arith.constant 0.000000e+00 : f32
      %max3A_609 = vector.broadcast %max3A_608 : f32 to vector<16xf32>
      %max3A_610 = arith.maximumf %add3A_607, %max3A_609 : vector<16xf32>
      %swap3A_611 = arith.index_cast %add3A_595 : i32 to index
      %swap3A_612 = arith.constant 0 : index
      %swap3A_613 = tpu.vector_load %arg29[%swap3A_611, %swap3A_612] {strides = array<i32>} : memref<632x16xf32, #tpu.memory_space<vmem>>, vector<16xf32>,
      tpu.vector_store %arg29[%swap3A_611, %swap3A_612], %max3A_610 {strides = array<i32>} : memref<632x16xf32, #tpu.memory_space<vmem>>, vector<16xf32>,
      %mul3A_614 = arith.constant 16 : i32
      %mul3A_615 = arith.muli %add3A_595, %mul3A_614 : i32
      %swap3A_616 = arith.index_cast %mul3A_615 : i32 to index
      %swap3A_617 = tpu.vector_load %arg30[%swap3A_616] {strides = array<i32>} : memref<10112xf32, #tpu.memory_space<vmem>>, vector<16xf32>,
      tpu.vector_store %arg30[%swap3A_616], %max3A_610 {strides = array<i32>} : memref<10112xf32, #tpu.memory_space<vmem>>, vector<16xf32>,
      %add3A_618 = vector.broadcast %min3A_228 : i32 to vector<16xi32>
      %add3A_619 = arith.addi %iota3A, %add3A_618 : vector<16xi32>
      %mul3A_620 = arith.constant 16 : i32
      %mul3A_621 = vector.broadcast %mul3A_620 : i32 to vector<16xi32>
      %mul3A_622 = arith.muli %add3A_619, %mul3A_621 : vector<16xi32>
      %broadcast_in_dim3A_623 = arith.constant 0.000000e+00 : f32
      %broadcast_in_dim3A_624 = vector.broadcast %broadcast_in_dim3A_623 : f32 to vector<16xf32>
      %broadcast_in_dim3A_625 = arith.constant 0.000000e+00 : f32
      %broadcast_in_dim3A_626 = vector.broadcast %broadcast_in_dim3A_625 : f32 to vector<16xf32>
      %add3A_627 = arith.constant 0 : i32
      %add3A_628 = vector.broadcast %add3A_627 : i32 to vector<16xi32>
      %add3A_629 = arith.addi %mul3A_622, %add3A_628 : vector<16xi32>
      %gather3A = tpu.vector_load_idx %arg30[%add3A_629] : memref<10112xf32, #tpu.memory_space<vmem>>[vector<16xi32>], vector<16xf32>,
      %slice3A_630 = vector.extract_strided_slice %get3A_114 {offsets = [0], sizes = [1], strides = [1]} : vector<16xf32> to vector<1xf32>
      %squeeze3A_631 = vector.extract %slice3A_630[0] : f32 from vector<1xf32>
      %mul3A_632 = vector.broadcast %squeeze3A_631 : f32 to vector<16xf32>
      %mul3A_633 = arith.mulf %gather3A, %mul3A_632 : vector<16xf32>
      %add3A_634 = arith.addf %broadcast_in_dim3A_624, %mul3A_633 : vector<16xf32>
      %slice3A_635 = vector.extract_strided_slice %get3A_118 {offsets = [0], sizes = [1], strides = [1]} : vector<16xf32> to vector<1xf32>
      %squeeze3A_636 = vector.extract %slice3A_635[0] : f32 from vector<1xf32>
      %mul3A_637 = vector.broadcast %squeeze3A_636 : f32 to vector<16xf32>
      %mul3A_638 = arith.mulf %gather3A, %mul3A_637 : vector<16xf32>
      %add3A_639 = arith.addf %broadcast_in_dim3A_626, %mul3A_638 : vector<16xf32>
      %add3A_640 = arith.constant 1 : i32
      %add3A_641 = vector.broadcast %add3A_640 : i32 to vector<16xi32>
      %add3A_642 = arith.addi %mul3A_622, %add3A_641 : vector<16xi32>
      %gather3A_643 = tpu.vector_load_idx %arg30[%add3A_642] : memref<10112xf32, #tpu.memory_space<vmem>>[vector<16xi32>], vector<16xf32>,
      %slice3A_644 = vector.extract_strided_slice %get3A_114 {offsets = [1], sizes = [1], strides = [1]} : vector<16xf32> to vector<1xf32>
      %squeeze3A_645 = vector.extract %slice3A_644[0] : f32 from vector<1xf32>
      %mul3A_646 = vector.broadcast %squeeze3A_645 : f32 to vector<16xf32>
      %mul3A_647 = arith.mulf %gather3A_643, %mul3A_646 : vector<16xf32>
      %add3A_648 = arith.addf %add3A_634, %mul3A_647 : vector<16xf32>
      %slice3A_649 = vector.extract_strided_slice %get3A_118 {offsets = [1], sizes = [1], strides = [1]} : vector<16xf32> to vector<1xf32>
      %squeeze3A_650 = vector.extract %slice3A_649[0] : f32 from vector<1xf32>
      %mul3A_651 = vector.broadcast %squeeze3A_650 : f32 to vector<16xf32>
      %mul3A_652 = arith.mulf %gather3A_643, %mul3A_651 : vector<16xf32>
      %add3A_653 = arith.addf %add3A_639, %mul3A_652 : vector<16xf32>
      %add3A_654 = arith.constant 2 : i32
      %add3A_655 = vector.broadcast %add3A_654 : i32 to vector<16xi32>
      %add3A_656 = arith.addi %mul3A_622, %add3A_655 : vector<16xi32>
      %gather3A_657 = tpu.vector_load_idx %arg30[%add3A_656] : memref<10112xf32, #tpu.memory_space<vmem>>[vector<16xi32>], vector<16xf32>,
      %slice3A_658 = vector.extract_strided_slice %get3A_114 {offsets = [2], sizes = [1], strides = [1]} : vector<16xf32> to vector<1xf32>
      %squeeze3A_659 = vector.extract %slice3A_658[0] : f32 from vector<1xf32>
      %mul3A_660 = vector.broadcast %squeeze3A_659 : f32 to vector<16xf32>
      %mul3A_661 = arith.mulf %gather3A_657, %mul3A_660 : vector<16xf32>
      %add3A_662 = arith.addf %add3A_648, %mul3A_661 : vector<16xf32>
      %slice3A_663 = vector.extract_strided_slice %get3A_118 {offsets = [2], sizes = [1], strides = [1]} : vector<16xf32> to vector<1xf32>
      %squeeze3A_664 = vector.extract %slice3A_663[0] : f32 from vector<1xf32>
      %mul3A_665 = vector.broadcast %squeeze3A_664 : f32 to vector<16xf32>
      %mul3A_666 = arith.mulf %gather3A_657, %mul3A_665 : vector<16xf32>
      %add3A_667 = arith.addf %add3A_653, %mul3A_666 : vector<16xf32>
      %add3A_668 = arith.constant 3 : i32
      %add3A_669 = vector.broadcast %add3A_668 : i32 to vector<16xi32>
      %add3A_670 = arith.addi %mul3A_622, %add3A_669 : vector<16xi32>
      %gather3A_671 = tpu.vector_load_idx %arg30[%add3A_670] : memref<10112xf32, #tpu.memory_space<vmem>>[vector<16xi32>], vector<16xf32>,
      %slice3A_672 = vector.extract_strided_slice %get3A_114 {offsets = [3], sizes = [1], strides = [1]} : vector<16xf32> to vector<1xf32>
      %squeeze3A_673 = vector.extract %slice3A_672[0] : f32 from vector<1xf32>
      %mul3A_674 = vector.broadcast %squeeze3A_673 : f32 to vector<16xf32>
      %mul3A_675 = arith.mulf %gather3A_671, %mul3A_674 : vector<16xf32>
      %add3A_676 = arith.addf %add3A_662, %mul3A_675 : vector<16xf32>
      %slice3A_677 = vector.extract_strided_slice %get3A_118 {offsets = [3], sizes = [1], strides = [1]} : vector<16xf32> to vector<1xf32>
      %squeeze3A_678 = vector.extract %slice3A_677[0] : f32 from vector<1xf32>
      %mul3A_679 = vector.broadcast %squeeze3A_678 : f32 to vector<16xf32>
      %mul3A_680 = arith.mulf %gather3A_671, %mul3A_679 : vector<16xf32>
      %add3A_681 = arith.addf %add3A_667, %mul3A_680 : vector<16xf32>
      %add3A_682 = arith.constant 4 : i32
      %add3A_683 = vector.broadcast %add3A_682 : i32 to vector<16xi32>
      %add3A_684 = arith.addi %mul3A_622, %add3A_683 : vector<16xi32>
      %gather3A_685 = tpu.vector_load_idx %arg30[%add3A_684] : memref<10112xf32, #tpu.memory_space<vmem>>[vector<16xi32>], vector<16xf32>,
      %slice3A_686 = vector.extract_strided_slice %get3A_114 {offsets = [4], sizes = [1], strides = [1]} : vector<16xf32> to vector<1xf32>
      %squeeze3A_687 = vector.extract %slice3A_686[0] : f32 from vector<1xf32>
      %mul3A_688 = vector.broadcast %squeeze3A_687 : f32 to vector<16xf32>
      %mul3A_689 = arith.mulf %gather3A_685, %mul3A_688 : vector<16xf32>
      %add3A_690 = arith.addf %add3A_676, %mul3A_689 : vector<16xf32>
      %slice3A_691 = vector.extract_strided_slice %get3A_118 {offsets = [4], sizes = [1], strides = [1]} : vector<16xf32> to vector<1xf32>
      %squeeze3A_692 = vector.extract %slice3A_691[0] : f32 from vector<1xf32>
      %mul3A_693 = vector.broadcast %squeeze3A_692 : f32 to vector<16xf32>
      %mul3A_694 = arith.mulf %gather3A_685, %mul3A_693 : vector<16xf32>
      %add3A_695 = arith.addf %add3A_681, %mul3A_694 : vector<16xf32>
      %add3A_696 = arith.constant 5 : i32
      %add3A_697 = vector.broadcast %add3A_696 : i32 to vector<16xi32>
      %add3A_698 = arith.addi %mul3A_622, %add3A_697 : vector<16xi32>
      %gather3A_699 = tpu.vector_load_idx %arg30[%add3A_698] : memref<10112xf32, #tpu.memory_space<vmem>>[vector<16xi32>], vector<16xf32>,
      %slice3A_700 = vector.extract_strided_slice %get3A_114 {offsets = [5], sizes = [1], strides = [1]} : vector<16xf32> to vector<1xf32>
      %squeeze3A_701 = vector.extract %slice3A_700[0] : f32 from vector<1xf32>
      %mul3A_702 = vector.broadcast %squeeze3A_701 : f32 to vector<16xf32>
      %mul3A_703 = arith.mulf %gather3A_699, %mul3A_702 : vector<16xf32>
      %add3A_704 = arith.addf %add3A_690, %mul3A_703 : vector<16xf32>
      %slice3A_705 = vector.extract_strided_slice %get3A_118 {offsets = [5], sizes = [1], strides = [1]} : vector<16xf32> to vector<1xf32>
      %squeeze3A_706 = vector.extract %slice3A_705[0] : f32 from vector<1xf32>
      %mul3A_707 = vector.broadcast %squeeze3A_706 : f32 to vector<16xf32>
      %mul3A_708 = arith.mulf %gather3A_699, %mul3A_707 : vector<16xf32>
      %add3A_709 = arith.addf %add3A_695, %mul3A_708 : vector<16xf32>
      %add3A_710 = arith.constant 6 : i32
      %add3A_711 = vector.broadcast %add3A_710 : i32 to vector<16xi32>
      %add3A_712 = arith.addi %mul3A_622, %add3A_711 : vector<16xi32>
      %gather3A_713 = tpu.vector_load_idx %arg30[%add3A_712] : memref<10112xf32, #tpu.memory_space<vmem>>[vector<16xi32>], vector<16xf32>,
      %slice3A_714 = vector.extract_strided_slice %get3A_114 {offsets = [6], sizes = [1], strides = [1]} : vector<16xf32> to vector<1xf32>
      %squeeze3A_715 = vector.extract %slice3A_714[0] : f32 from vector<1xf32>
      %mul3A_716 = vector.broadcast %squeeze3A_715 : f32 to vector<16xf32>
      %mul3A_717 = arith.mulf %gather3A_713, %mul3A_716 : vector<16xf32>
      %add3A_718 = arith.addf %add3A_704, %mul3A_717 : vector<16xf32>
      %slice3A_719 = vector.extract_strided_slice %get3A_118 {offsets = [6], sizes = [1], strides = [1]} : vector<16xf32> to vector<1xf32>
      %squeeze3A_720 = vector.extract %slice3A_719[0] : f32 from vector<1xf32>
      %mul3A_721 = vector.broadcast %squeeze3A_720 : f32 to vector<16xf32>
      %mul3A_722 = arith.mulf %gather3A_713, %mul3A_721 : vector<16xf32>
      %add3A_723 = arith.addf %add3A_709, %mul3A_722 : vector<16xf32>
      %add3A_724 = arith.constant 7 : i32
      %add3A_725 = vector.broadcast %add3A_724 : i32 to vector<16xi32>
      %add3A_726 = arith.addi %mul3A_622, %add3A_725 : vector<16xi32>
      %gather3A_727 = tpu.vector_load_idx %arg30[%add3A_726] : memref<10112xf32, #tpu.memory_space<vmem>>[vector<16xi32>], vector<16xf32>,
      %slice3A_728 = vector.extract_strided_slice %get3A_114 {offsets = [7], sizes = [1], strides = [1]} : vector<16xf32> to vector<1xf32>
      %squeeze3A_729 = vector.extract %slice3A_728[0] : f32 from vector<1xf32>
      %mul3A_730 = vector.broadcast %squeeze3A_729 : f32 to vector<16xf32>
      %mul3A_731 = arith.mulf %gather3A_727, %mul3A_730 : vector<16xf32>
      %add3A_732 = arith.addf %add3A_718, %mul3A_731 : vector<16xf32>
      %slice3A_733 = vector.extract_strided_slice %get3A_118 {offsets = [7], sizes = [1], strides = [1]} : vector<16xf32> to vector<1xf32>
      %squeeze3A_734 = vector.extract %slice3A_733[0] : f32 from vector<1xf32>
      %mul3A_735 = vector.broadcast %squeeze3A_734 : f32 to vector<16xf32>
      %mul3A_736 = arith.mulf %gather3A_727, %mul3A_735 : vector<16xf32>
      %add3A_737 = arith.addf %add3A_723, %mul3A_736 : vector<16xf32>
      %add3A_738 = arith.constant 8 : i32
      %add3A_739 = vector.broadcast %add3A_738 : i32 to vector<16xi32>
      %add3A_740 = arith.addi %mul3A_622, %add3A_739 : vector<16xi32>
      %gather3A_741 = tpu.vector_load_idx %arg30[%add3A_740] : memref<10112xf32, #tpu.memory_space<vmem>>[vector<16xi32>], vector<16xf32>,
      %slice3A_742 = vector.extract_strided_slice %get3A_114 {offsets = [8], sizes = [1], strides = [1]} : vector<16xf32> to vector<1xf32>
      %squeeze3A_743 = vector.extract %slice3A_742[0] : f32 from vector<1xf32>
      %mul3A_744 = vector.broadcast %squeeze3A_743 : f32 to vector<16xf32>
      %mul3A_745 = arith.mulf %gather3A_741, %mul3A_744 : vector<16xf32>
      %add3A_746 = arith.addf %add3A_732, %mul3A_745 : vector<16xf32>
      %slice3A_747 = vector.extract_strided_slice %get3A_118 {offsets = [8], sizes = [1], strides = [1]} : vector<16xf32> to vector<1xf32>
      %squeeze3A_748 = vector.extract %slice3A_747[0] : f32 from vector<1xf32>
      %mul3A_749 = vector.broadcast %squeeze3A_748 : f32 to vector<16xf32>
      %mul3A_750 = arith.mulf %gather3A_741, %mul3A_749 : vector<16xf32>
      %add3A_751 = arith.addf %add3A_737, %mul3A_750 : vector<16xf32>
      %add3A_752 = arith.constant 9 : i32
      %add3A_753 = vector.broadcast %add3A_752 : i32 to vector<16xi32>
      %add3A_754 = arith.addi %mul3A_622, %add3A_753 : vector<16xi32>
      %gather3A_755 = tpu.vector_load_idx %arg30[%add3A_754] : memref<10112xf32, #tpu.memory_space<vmem>>[vector<16xi32>], vector<16xf32>,
      %slice3A_756 = vector.extract_strided_slice %get3A_114 {offsets = [9], sizes = [1], strides = [1]} : vector<16xf32> to vector<1xf32>
      %squeeze3A_757 = vector.extract %slice3A_756[0] : f32 from vector<1xf32>
      %mul3A_758 = vector.broadcast %squeeze3A_757 : f32 to vector<16xf32>
      %mul3A_759 = arith.mulf %gather3A_755, %mul3A_758 : vector<16xf32>
      %add3A_760 = arith.addf %add3A_746, %mul3A_759 : vector<16xf32>
      %slice3A_761 = vector.extract_strided_slice %get3A_118 {offsets = [9], sizes = [1], strides = [1]} : vector<16xf32> to vector<1xf32>
      %squeeze3A_762 = vector.extract %slice3A_761[0] : f32 from vector<1xf32>
      %mul3A_763 = vector.broadcast %squeeze3A_762 : f32 to vector<16xf32>
      %mul3A_764 = arith.mulf %gather3A_755, %mul3A_763 : vector<16xf32>
      %add3A_765 = arith.addf %add3A_751, %mul3A_764 : vector<16xf32>
      %add3A_766 = arith.constant 10 : i32
      %add3A_767 = vector.broadcast %add3A_766 : i32 to vector<16xi32>
      %add3A_768 = arith.addi %mul3A_622, %add3A_767 : vector<16xi32>
      %gather3A_769 = tpu.vector_load_idx %arg30[%add3A_768] : memref<10112xf32, #tpu.memory_space<vmem>>[vector<16xi32>], vector<16xf32>,
      %slice3A_770 = vector.extract_strided_slice %get3A_114 {offsets = [10], sizes = [1], strides = [1]} : vector<16xf32> to vector<1xf32>
      %squeeze3A_771 = vector.extract %slice3A_770[0] : f32 from vector<1xf32>
      %mul3A_772 = vector.broadcast %squeeze3A_771 : f32 to vector<16xf32>
      %mul3A_773 = arith.mulf %gather3A_769, %mul3A_772 : vector<16xf32>
      %add3A_774 = arith.addf %add3A_760, %mul3A_773 : vector<16xf32>
      %slice3A_775 = vector.extract_strided_slice %get3A_118 {offsets = [10], sizes = [1], strides = [1]} : vector<16xf32> to vector<1xf32>
      %squeeze3A_776 = vector.extract %slice3A_775[0] : f32 from vector<1xf32>
      %mul3A_777 = vector.broadcast %squeeze3A_776 : f32 to vector<16xf32>
      %mul3A_778 = arith.mulf %gather3A_769, %mul3A_777 : vector<16xf32>
      %add3A_779 = arith.addf %add3A_765, %mul3A_778 : vector<16xf32>
      %add3A_780 = arith.constant 11 : i32
      %add3A_781 = vector.broadcast %add3A_780 : i32 to vector<16xi32>
      %add3A_782 = arith.addi %mul3A_622, %add3A_781 : vector<16xi32>
      %gather3A_783 = tpu.vector_load_idx %arg30[%add3A_782] : memref<10112xf32, #tpu.memory_space<vmem>>[vector<16xi32>], vector<16xf32>,
      %slice3A_784 = vector.extract_strided_slice %get3A_114 {offsets = [11], sizes = [1], strides = [1]} : vector<16xf32> to vector<1xf32>
      %squeeze3A_785 = vector.extract %slice3A_784[0] : f32 from vector<1xf32>
      %mul3A_786 = vector.broadcast %squeeze3A_785 : f32 to vector<16xf32>
      %mul3A_787 = arith.mulf %gather3A_783, %mul3A_786 : vector<16xf32>
      %add3A_788 = arith.addf %add3A_774, %mul3A_787 : vector<16xf32>
      %slice3A_789 = vector.extract_strided_slice %get3A_118 {offsets = [11], sizes = [1], strides = [1]} : vector<16xf32> to vector<1xf32>
      %squeeze3A_790 = vector.extract %slice3A_789[0] : f32 from vector<1xf32>
      %mul3A_791 = vector.broadcast %squeeze3A_790 : f32 to vector<16xf32>
      %mul3A_792 = arith.mulf %gather3A_783, %mul3A_791 : vector<16xf32>
      %add3A_793 = arith.addf %add3A_779, %mul3A_792 : vector<16xf32>
      %add3A_794 = arith.constant 12 : i32
      %add3A_795 = vector.broadcast %add3A_794 : i32 to vector<16xi32>
      %add3A_796 = arith.addi %mul3A_622, %add3A_795 : vector<16xi32>
      %gather3A_797 = tpu.vector_load_idx %arg30[%add3A_796] : memref<10112xf32, #tpu.memory_space<vmem>>[vector<16xi32>], vector<16xf32>,
      %slice3A_798 = vector.extract_strided_slice %get3A_114 {offsets = [12], sizes = [1], strides = [1]} : vector<16xf32> to vector<1xf32>
      %squeeze3A_799 = vector.extract %slice3A_798[0] : f32 from vector<1xf32>
      %mul3A_800 = vector.broadcast %squeeze3A_799 : f32 to vector<16xf32>
      %mul3A_801 = arith.mulf %gather3A_797, %mul3A_800 : vector<16xf32>
      %add3A_802 = arith.addf %add3A_788, %mul3A_801 : vector<16xf32>
      %slice3A_803 = vector.extract_strided_slice %get3A_118 {offsets = [12], sizes = [1], strides = [1]} : vector<16xf32> to vector<1xf32>
      %squeeze3A_804 = vector.extract %slice3A_803[0] : f32 from vector<1xf32>
      %mul3A_805 = vector.broadcast %squeeze3A_804 : f32 to vector<16xf32>
      %mul3A_806 = arith.mulf %gather3A_797, %mul3A_805 : vector<16xf32>
      %add3A_807 = arith.addf %add3A_793, %mul3A_806 : vector<16xf32>
      %add3A_808 = arith.constant 13 : i32
      %add3A_809 = vector.broadcast %add3A_808 : i32 to vector<16xi32>
      %add3A_810 = arith.addi %mul3A_622, %add3A_809 : vector<16xi32>
      %gather3A_811 = tpu.vector_load_idx %arg30[%add3A_810] : memref<10112xf32, #tpu.memory_space<vmem>>[vector<16xi32>], vector<16xf32>,
      %slice3A_812 = vector.extract_strided_slice %get3A_114 {offsets = [13], sizes = [1], strides = [1]} : vector<16xf32> to vector<1xf32>
      %squeeze3A_813 = vector.extract %slice3A_812[0] : f32 from vector<1xf32>
      %mul3A_814 = vector.broadcast %squeeze3A_813 : f32 to vector<16xf32>
      %mul3A_815 = arith.mulf %gather3A_811, %mul3A_814 : vector<16xf32>
      %add3A_816 = arith.addf %add3A_802, %mul3A_815 : vector<16xf32>
      %slice3A_817 = vector.extract_strided_slice %get3A_118 {offsets = [13], sizes = [1], strides = [1]} : vector<16xf32> to vector<1xf32>
      %squeeze3A_818 = vector.extract %slice3A_817[0] : f32 from vector<1xf32>
      %mul3A_819 = vector.broadcast %squeeze3A_818 : f32 to vector<16xf32>
      %mul3A_820 = arith.mulf %gather3A_811, %mul3A_819 : vector<16xf32>
      %add3A_821 = arith.addf %add3A_807, %mul3A_820 : vector<16xf32>
      %add3A_822 = arith.constant 14 : i32
      %add3A_823 = vector.broadcast %add3A_822 : i32 to vector<16xi32>
      %add3A_824 = arith.addi %mul3A_622, %add3A_823 : vector<16xi32>
      %gather3A_825 = tpu.vector_load_idx %arg30[%add3A_824] : memref<10112xf32, #tpu.memory_space<vmem>>[vector<16xi32>], vector<16xf32>,
      %slice3A_826 = vector.extract_strided_slice %get3A_114 {offsets = [14], sizes = [1], strides = [1]} : vector<16xf32> to vector<1xf32>
      %squeeze3A_827 = vector.extract %slice3A_826[0] : f32 from vector<1xf32>
      %mul3A_828 = vector.broadcast %squeeze3A_827 : f32 to vector<16xf32>
      %mul3A_829 = arith.mulf %gather3A_825, %mul3A_828 : vector<16xf32>
      %add3A_830 = arith.addf %add3A_816, %mul3A_829 : vector<16xf32>
      %slice3A_831 = vector.extract_strided_slice %get3A_118 {offsets = [14], sizes = [1], strides = [1]} : vector<16xf32> to vector<1xf32>
      %squeeze3A_832 = vector.extract %slice3A_831[0] : f32 from vector<1xf32>
      %mul3A_833 = vector.broadcast %squeeze3A_832 : f32 to vector<16xf32>
      %mul3A_834 = arith.mulf %gather3A_825, %mul3A_833 : vector<16xf32>
      %add3A_835 = arith.addf %add3A_821, %mul3A_834 : vector<16xf32>
      %add3A_836 = arith.constant 15 : i32
      %add3A_837 = vector.broadcast %add3A_836 : i32 to vector<16xi32>
      %add3A_838 = arith.addi %mul3A_622, %add3A_837 : vector<16xi32>
      %gather3A_839 = tpu.vector_load_idx %arg30[%add3A_838] : memref<10112xf32, #tpu.memory_space<vmem>>[vector<16xi32>], vector<16xf32>,
      %slice3A_840 = vector.extract_strided_slice %get3A_114 {offsets = [15], sizes = [1], strides = [1]} : vector<16xf32> to vector<1xf32>
      %squeeze3A_841 = vector.extract %slice3A_840[0] : f32 from vector<1xf32>
      %mul3A_842 = vector.broadcast %squeeze3A_841 : f32 to vector<16xf32>
      %mul3A_843 = arith.mulf %gather3A_839, %mul3A_842 : vector<16xf32>
      %add3A_844 = arith.addf %add3A_830, %mul3A_843 : vector<16xf32>
      %slice3A_845 = vector.extract_strided_slice %get3A_118 {offsets = [15], sizes = [1], strides = [1]} : vector<16xf32> to vector<1xf32>
      %squeeze3A_846 = vector.extract %slice3A_845[0] : f32 from vector<1xf32>
      %mul3A_847 = vector.broadcast %squeeze3A_846 : f32 to vector<16xf32>
      %mul3A_848 = arith.mulf %gather3A_839, %mul3A_847 : vector<16xf32>
      %add3A_849 = arith.addf %add3A_835, %mul3A_848 : vector<16xf32>
      %mul3A_850 = arith.constant 632 : i32
      %mul3A_851 = arith.muli %arg1, %mul3A_850 : i32
      %add3A_852 = arith.addi %mul3A_851, %min3A_228 : i32
      %mul3A_853 = arith.constant 2 : i32
      %mul3A_854 = arith.muli %add3A_852, %mul3A_853 : i32
      %add3A_855 = arith.addi %iota3A, %iota3A : vector<16xi32>
      %add3A_856 = vector.broadcast %mul3A_854 : i32 to vector<16xi32>
      %add3A_857 = arith.addi %add3A_855, %add3A_856 : vector<16xi32>
      tpu.vector_store_idx %arg17[%add3A_857], %add3A_844 : memref<20224xf32, #tpu.memory_space<vmem>>[vector<16xi32>], vector<16xf32>,
      %add3A_858 = arith.constant 1 : i32
      %add3A_859 = vector.broadcast %add3A_858 : i32 to vector<16xi32>
      %add3A_860 = arith.addi %add3A_857, %add3A_859 : vector<16xi32>
      tpu.vector_store_idx %arg17[%add3A_860], %add3A_849 : memref<20224xf32, #tpu.memory_space<vmem>>[vector<16xi32>], vector<16xf32>,
    }
    %scan3A_124 = arith.constant 40 : i32
    "tpu.region"() ({
      %run_scoped3A_225 = tpu.sem_alloc : memref<!tpu.dma_semaphore, #tpu.memory_space<semaphore_mem>>
      %dma_start3A_226 = arith.constant 0 : i32
      %dma_start3A_227 = tpu.memref_slice %arg14[%mul3A_2, %dma_start3A_226] : memref<10112x16xf32, #tpu.memory_space<hbm>> -> memref<632x16xf32, #tpu.memory_space<hbm>>
      %dma_start3A_228 = arith.constant 0 : i32
      %dma_start3A_229 = tpu.memref_slice %arg14[%mul3A_2, %dma_start3A_228] : memref<10112x16xf32, #tpu.memory_space<hbm>> -> memref<632x16xf32, #tpu.memory_space<hbm>>
      tpu.enqueue_dma source(%arg29 : memref<632x16xf32, #tpu.memory_space<vmem>>) target(%dma_start3A_229 : memref<632x16xf32, #tpu.memory_space<hbm>>) target_semaphore(%run_scoped3A_225 : memref<!tpu.dma_semaphore, #tpu.memory_space<semaphore_mem>>)
      %dma_wait3A_230 = arith.constant 0 : i32
      %dma_wait3A_231 = tpu.memref_slice %arg14[%mul3A_2, %dma_wait3A_230] : memref<10112x16xf32, #tpu.memory_space<hbm>> -> memref<632x16xf32, #tpu.memory_space<hbm>>
      %dma_wait3A_232 = arith.constant 0 : i32
      %dma_wait3A_233 = tpu.memref_slice %arg14[%mul3A_2, %dma_wait3A_232] : memref<10112x16xf32, #tpu.memory_space<hbm>> -> memref<632x16xf32, #tpu.memory_space<hbm>>
      tpu.wait_dma2 semaphore(%run_scoped3A_225 : memref<!tpu.dma_semaphore, #tpu.memory_space<semaphore_mem>>) src(%arg29 : memref<632x16xf32, #tpu.memory_space<vmem>>) dst(%dma_wait3A_233 : memref<632x16xf32, #tpu.memory_space<hbm>>)
      tpu.yield
    }) : () -> ()
    %mul3A_125 = arith.constant 2 : i32
    %mul3A_126 = arith.muli %mul3A_125, %arg1 : i32
    %mul3A_127 = arith.constant 632 : i32
    %mul3A_128 = arith.muli %mul3A_126, %mul3A_127 : i32
    "tpu.region"() ({
      %run_scoped3A_225 = tpu.sem_alloc : memref<!tpu.dma_semaphore, #tpu.memory_space<semaphore_mem>>
      %dma_start3A_226 = tpu.memref_slice %arg17[%mul3A_128] : memref<20224xf32, #tpu.memory_space<vmem>> -> memref<1264xf32, #tpu.memory_space<vmem>>
      %dma_start3A_227 = tpu.memref_slice %arg33[%mul3A_128] : memref<20224xf32, #tpu.memory_space<vmem_shared>> -> memref<1264xf32, #tpu.memory_space<vmem_shared>>
      %dma_start3A_228 = tpu.memref_slice %arg33[%mul3A_128] : memref<20224xf32, #tpu.memory_space<vmem_shared>> -> memref<1264xf32, #tpu.memory_space<vmem_shared>>
      %dma_start3A_229 = tpu.memref_slice %arg17[%mul3A_128] : memref<20224xf32, #tpu.memory_space<vmem>> -> memref<1264xf32, #tpu.memory_space<vmem>>
      tpu.enqueue_dma source(%dma_start3A_229 : memref<1264xf32, #tpu.memory_space<vmem>>) target(%dma_start3A_228 : memref<1264xf32, #tpu.memory_space<vmem_shared>>) target_semaphore(%run_scoped3A_225 : memref<!tpu.dma_semaphore, #tpu.memory_space<semaphore_mem>>)
      %dma_wait3A_230 = tpu.memref_slice %arg17[%mul3A_128] : memref<20224xf32, #tpu.memory_space<vmem>> -> memref<1264xf32, #tpu.memory_space<vmem>>
      %dma_wait3A_231 = tpu.memref_slice %arg33[%mul3A_128] : memref<20224xf32, #tpu.memory_space<vmem_shared>> -> memref<1264xf32, #tpu.memory_space<vmem_shared>>
      %dma_wait3A_232 = tpu.memref_slice %arg33[%mul3A_128] : memref<20224xf32, #tpu.memory_space<vmem_shared>> -> memref<1264xf32, #tpu.memory_space<vmem_shared>>
      %dma_wait3A_233 = tpu.memref_slice %arg17[%mul3A_128] : memref<20224xf32, #tpu.memory_space<vmem>> -> memref<1264xf32, #tpu.memory_space<vmem>>
      tpu.wait_dma2 semaphore(%run_scoped3A_225 : memref<!tpu.dma_semaphore, #tpu.memory_space<semaphore_mem>>) src(%dma_wait3A_233 : memref<1264xf32, #tpu.memory_space<vmem>>) dst(%dma_wait3A_232 : memref<1264xf32, #tpu.memory_space<vmem_shared>>)
      tpu.yield
    }) : () -> ()
    %barrier3A_129 = arith.constant 0 : index
    tpu.barrier barrier_id(%barrier3A_129)
    "tpu.region"() ({
      %run_scoped3A_225 = tpu.sem_alloc : memref<!tpu.dma_semaphore, #tpu.memory_space<semaphore_mem>>
      tpu.enqueue_dma source(%arg33 : memref<20224xf32, #tpu.memory_space<vmem_shared>>) target(%arg17 : memref<20224xf32, #tpu.memory_space<vmem>>) target_semaphore(%run_scoped3A_225 : memref<!tpu.dma_semaphore, #tpu.memory_space<semaphore_mem>>)
      tpu.wait_dma2 semaphore(%run_scoped3A_225 : memref<!tpu.dma_semaphore, #tpu.memory_space<semaphore_mem>>) src(%arg33 : memref<20224xf32, #tpu.memory_space<vmem_shared>>) dst(%arg17 : memref<20224xf32, #tpu.memory_space<vmem>>)
      tpu.yield
    }) : () -> ()
    %mul3A_130 = arith.constant 632 : i32
    %mul3A_131 = arith.muli %arg1, %mul3A_130 : i32
    "tpu.region"() ({
      %run_scoped3A_225 = tpu.sem_alloc : memref<!tpu.dma_semaphore, #tpu.memory_space<semaphore_mem>>
      %dma_start3A_226 = arith.constant 0 : i32
      %dma_start3A_227 = tpu.memref_slice %arg21[%mul3A_131, %dma_start3A_226] : memref<10112x16xf32, #tpu.memory_space<vmem_shared>> -> memref<632x16xf32, #tpu.memory_space<vmem_shared>>
      tpu.enqueue_dma source(%arg8 : memref<632x16xf32, #tpu.memory_space<hbm>>) target(%dma_start3A_227 : memref<632x16xf32, #tpu.memory_space<vmem_shared>>) target_semaphore(%run_scoped3A_225 : memref<!tpu.dma_semaphore, #tpu.memory_space<semaphore_mem>>)
      %dma_wait3A_228 = arith.constant 0 : i32
      %dma_wait3A_229 = tpu.memref_slice %arg21[%mul3A_131, %dma_wait3A_228] : memref<10112x16xf32, #tpu.memory_space<vmem_shared>> -> memref<632x16xf32, #tpu.memory_space<vmem_shared>>
      tpu.wait_dma2 semaphore(%run_scoped3A_225 : memref<!tpu.dma_semaphore, #tpu.memory_space<semaphore_mem>>) src(%arg8 : memref<632x16xf32, #tpu.memory_space<hbm>>) dst(%dma_wait3A_229 : memref<632x16xf32, #tpu.memory_space<vmem_shared>>)
      tpu.yield
    }) : () -> ()
    %mul3A_132 = arith.constant 632 : i32
    %mul3A_133 = arith.muli %arg1, %mul3A_132 : i32
    "tpu.region"() ({
      %run_scoped3A_225 = tpu.sem_alloc : memref<!tpu.dma_semaphore, #tpu.memory_space<semaphore_mem>>
      %dma_start3A_226 = tpu.memref_slice %arg22[%mul3A_133] : memref<10112xf32, #tpu.memory_space<vmem_shared>> -> memref<632xf32, #tpu.memory_space<vmem_shared>>
      tpu.enqueue_dma source(%arg9 : memref<632xf32, #tpu.memory_space<hbm>>) target(%dma_start3A_226 : memref<632xf32, #tpu.memory_space<vmem_shared>>) target_semaphore(%run_scoped3A_225 : memref<!tpu.dma_semaphore, #tpu.memory_space<semaphore_mem>>)
      %dma_wait3A_227 = tpu.memref_slice %arg22[%mul3A_133] : memref<10112xf32, #tpu.memory_space<vmem_shared>> -> memref<632xf32, #tpu.memory_space<vmem_shared>>
      tpu.wait_dma2 semaphore(%run_scoped3A_225 : memref<!tpu.dma_semaphore, #tpu.memory_space<semaphore_mem>>) src(%arg9 : memref<632xf32, #tpu.memory_space<hbm>>) dst(%dma_wait3A_227 : memref<632xf32, #tpu.memory_space<vmem_shared>>)
      tpu.yield
    }) : () -> ()
    %scan3A_134 = arith.constant 0 : i32
    %scan3A_135 = arith.constant 0 : i32
    %scan3A_136 = arith.constant 81 : i32
    %scan3A_137 = arith.addi %scan3A_135, %scan3A_136 : i32
    %scan3A_138 = arith.constant 1 : i32
    scf.for %scan3A_225 = %scan3A_135 to %scan3A_137 step %scan3A_138  : i32 {
      %get3A_226 = arith.index_cast %scan3A_225 : i32 to index
      %get3A_227 = arith.constant 0 : index
      %get3A_228 = tpu.vector_load %arg15[%get3A_226, %get3A_227] {strides = array<i32>} : memref<81x128xi32, #tpu.memory_space<vmem>>, vector<16xi32>,
      %get3A_229 = arith.index_cast %scan3A_225 : i32 to index
      %get3A_230 = arith.constant 0 : index
      %get3A_231 = tpu.vector_load %arg16[%get3A_229, %get3A_230] {strides = array<i32>} : memref<81x128xi32, #tpu.memory_space<vmem>>, vector<16xi32>,
      %add3A_232 = arith.addi %get3A_228, %get3A_228 : vector<16xi32>
      %gather3A = tpu.vector_load_idx %arg17[%add3A_232] : memref<20224xf32, #tpu.memory_space<vmem>>[vector<16xi32>], vector<16xf32>,
      %add3A_233 = arith.addi %get3A_231, %get3A_231 : vector<16xi32>
      %add3A_234 = arith.constant 1 : i32
      %add3A_235 = vector.broadcast %add3A_234 : i32 to vector<16xi32>
      %add3A_236 = arith.addi %add3A_233, %add3A_235 : vector<16xi32>
      %gather3A_237 = tpu.vector_load_idx %arg17[%add3A_236] : memref<20224xf32, #tpu.memory_space<vmem>>[vector<16xi32>], vector<16xf32>,
      %add3A_238 = arith.addf %gather3A, %gather3A_237 : vector<16xf32>
      %ge3A = arith.constant 0.000000e+00 : f32
      %ge3A_239 = vector.broadcast %ge3A : f32 to vector<16xf32>
      %ge3A_240 = arith.cmpf oge, %add3A_238, %ge3A_239 : vector<16xf32>
      %mul3A_241 = arith.constant 2.000000e-01 : f32
      %mul3A_242 = vector.broadcast %mul3A_241 : f32 to vector<16xf32>
      %mul3A_243 = arith.mulf %add3A_238, %mul3A_242 : vector<16xf32>
      %select_n3A = arith.select %ge3A_240, %add3A_238, %mul3A_243 : vector<16xi1>, vector<16xf32>
      %exp3A = math.exp %select_n3A : vector<16xf32>
      %mul3A_244 = arith.constant 128 : i32
      %mul3A_245 = arith.muli %scan3A_225, %mul3A_244 : i32
      %add3A_246 = arith.constant 0 : i32
      %add3A_247 = arith.addi %mul3A_245, %add3A_246 : i32
      %swap3A = arith.index_cast %add3A_247 : i32 to index
      %swap3A_248 = tpu.vector_load %arg18[%swap3A] {strides = array<i32>} : memref<10384xf32, #tpu.memory_space<vmem>>, vector<16xf32>,
      tpu.vector_store %arg18[%swap3A], %exp3A {strides = array<i32>} : memref<10384xf32, #tpu.memory_space<vmem>>, vector<16xf32>,
      %get3A_249 = arith.index_cast %scan3A_225 : i32 to index
      %get3A_250 = arith.constant 16 : index
      %get3A_251 = tpu.vector_load %arg15[%get3A_249, %get3A_250] {strides = array<i32>} : memref<81x128xi32, #tpu.memory_space<vmem>>, vector<16xi32>,
      %get3A_252 = arith.index_cast %scan3A_225 : i32 to index
      %get3A_253 = arith.constant 16 : index
      %get3A_254 = tpu.vector_load %arg16[%get3A_252, %get3A_253] {strides = array<i32>} : memref<81x128xi32, #tpu.memory_space<vmem>>, vector<16xi32>,
      %add3A_255 = arith.addi %get3A_251, %get3A_251 : vector<16xi32>
      %gather3A_256 = tpu.vector_load_idx %arg17[%add3A_255] : memref<20224xf32, #tpu.memory_space<vmem>>[vector<16xi32>], vector<16xf32>,
      %add3A_257 = arith.addi %get3A_254, %get3A_254 : vector<16xi32>
      %add3A_258 = arith.constant 1 : i32
      %add3A_259 = vector.broadcast %add3A_258 : i32 to vector<16xi32>
      %add3A_260 = arith.addi %add3A_257, %add3A_259 : vector<16xi32>
      %gather3A_261 = tpu.vector_load_idx %arg17[%add3A_260] : memref<20224xf32, #tpu.memory_space<vmem>>[vector<16xi32>], vector<16xf32>,
      %add3A_262 = arith.addf %gather3A_256, %gather3A_261 : vector<16xf32>
      %ge3A_263 = arith.constant 0.000000e+00 : f32
      %ge3A_264 = vector.broadcast %ge3A_263 : f32 to vector<16xf32>
      %ge3A_265 = arith.cmpf oge, %add3A_262, %ge3A_264 : vector<16xf32>
      %mul3A_266 = arith.constant 2.000000e-01 : f32
      %mul3A_267 = vector.broadcast %mul3A_266 : f32 to vector<16xf32>
      %mul3A_268 = arith.mulf %add3A_262, %mul3A_267 : vector<16xf32>
      %select_n3A_269 = arith.select %ge3A_265, %add3A_262, %mul3A_268 : vector<16xi1>, vector<16xf32>
      %exp3A_270 = math.exp %select_n3A_269 : vector<16xf32>
      %mul3A_271 = arith.constant 128 : i32
      %mul3A_272 = arith.muli %scan3A_225, %mul3A_271 : i32
      %add3A_273 = arith.constant 16 : i32
      %add3A_274 = arith.addi %mul3A_272, %add3A_273 : i32
      %swap3A_275 = arith.index_cast %add3A_274 : i32 to index
      %swap3A_276 = tpu.vector_load %arg18[%swap3A_275] {strides = array<i32>} : memref<10384xf32, #tpu.memory_space<vmem>>, vector<16xf32>,
      tpu.vector_store %arg18[%swap3A_275], %exp3A_270 {strides = array<i32>} : memref<10384xf32, #tpu.memory_space<vmem>>, vector<16xf32>,
      %get3A_277 = arith.index_cast %scan3A_225 : i32 to index
      %get3A_278 = arith.constant 32 : index
      %get3A_279 = tpu.vector_load %arg15[%get3A_277, %get3A_278] {strides = array<i32>} : memref<81x128xi32, #tpu.memory_space<vmem>>, vector<16xi32>,
      %get3A_280 = arith.index_cast %scan3A_225 : i32 to index
      %get3A_281 = arith.constant 32 : index
      %get3A_282 = tpu.vector_load %arg16[%get3A_280, %get3A_281] {strides = array<i32>} : memref<81x128xi32, #tpu.memory_space<vmem>>, vector<16xi32>,
      %add3A_283 = arith.addi %get3A_279, %get3A_279 : vector<16xi32>
      %gather3A_284 = tpu.vector_load_idx %arg17[%add3A_283] : memref<20224xf32, #tpu.memory_space<vmem>>[vector<16xi32>], vector<16xf32>,
      %add3A_285 = arith.addi %get3A_282, %get3A_282 : vector<16xi32>
      %add3A_286 = arith.constant 1 : i32
      %add3A_287 = vector.broadcast %add3A_286 : i32 to vector<16xi32>
      %add3A_288 = arith.addi %add3A_285, %add3A_287 : vector<16xi32>
      %gather3A_289 = tpu.vector_load_idx %arg17[%add3A_288] : memref<20224xf32, #tpu.memory_space<vmem>>[vector<16xi32>], vector<16xf32>,
      %add3A_290 = arith.addf %gather3A_284, %gather3A_289 : vector<16xf32>
      %ge3A_291 = arith.constant 0.000000e+00 : f32
      %ge3A_292 = vector.broadcast %ge3A_291 : f32 to vector<16xf32>
      %ge3A_293 = arith.cmpf oge, %add3A_290, %ge3A_292 : vector<16xf32>
      %mul3A_294 = arith.constant 2.000000e-01 : f32
      %mul3A_295 = vector.broadcast %mul3A_294 : f32 to vector<16xf32>
      %mul3A_296 = arith.mulf %add3A_290, %mul3A_295 : vector<16xf32>
      %select_n3A_297 = arith.select %ge3A_293, %add3A_290, %mul3A_296 : vector<16xi1>, vector<16xf32>
      %exp3A_298 = math.exp %select_n3A_297 : vector<16xf32>
      %mul3A_299 = arith.constant 128 : i32
      %mul3A_300 = arith.muli %scan3A_225, %mul3A_299 : i32
      %add3A_301 = arith.constant 32 : i32
      %add3A_302 = arith.addi %mul3A_300, %add3A_301 : i32
      %swap3A_303 = arith.index_cast %add3A_302 : i32 to index
      %swap3A_304 = tpu.vector_load %arg18[%swap3A_303] {strides = array<i32>} : memref<10384xf32, #tpu.memory_space<vmem>>, vector<16xf32>,
      tpu.vector_store %arg18[%swap3A_303], %exp3A_298 {strides = array<i32>} : memref<10384xf32, #tpu.memory_space<vmem>>, vector<16xf32>,
      %get3A_305 = arith.index_cast %scan3A_225 : i32 to index
      %get3A_306 = arith.constant 48 : index
      %get3A_307 = tpu.vector_load %arg15[%get3A_305, %get3A_306] {strides = array<i32>} : memref<81x128xi32, #tpu.memory_space<vmem>>, vector<16xi32>,
      %get3A_308 = arith.index_cast %scan3A_225 : i32 to index
      %get3A_309 = arith.constant 48 : index
      %get3A_310 = tpu.vector_load %arg16[%get3A_308, %get3A_309] {strides = array<i32>} : memref<81x128xi32, #tpu.memory_space<vmem>>, vector<16xi32>,
      %add3A_311 = arith.addi %get3A_307, %get3A_307 : vector<16xi32>
      %gather3A_312 = tpu.vector_load_idx %arg17[%add3A_311] : memref<20224xf32, #tpu.memory_space<vmem>>[vector<16xi32>], vector<16xf32>,
      %add3A_313 = arith.addi %get3A_310, %get3A_310 : vector<16xi32>
      %add3A_314 = arith.constant 1 : i32
      %add3A_315 = vector.broadcast %add3A_314 : i32 to vector<16xi32>
      %add3A_316 = arith.addi %add3A_313, %add3A_315 : vector<16xi32>
      %gather3A_317 = tpu.vector_load_idx %arg17[%add3A_316] : memref<20224xf32, #tpu.memory_space<vmem>>[vector<16xi32>], vector<16xf32>,
      %add3A_318 = arith.addf %gather3A_312, %gather3A_317 : vector<16xf32>
      %ge3A_319 = arith.constant 0.000000e+00 : f32
      %ge3A_320 = vector.broadcast %ge3A_319 : f32 to vector<16xf32>
      %ge3A_321 = arith.cmpf oge, %add3A_318, %ge3A_320 : vector<16xf32>
      %mul3A_322 = arith.constant 2.000000e-01 : f32
      %mul3A_323 = vector.broadcast %mul3A_322 : f32 to vector<16xf32>
      %mul3A_324 = arith.mulf %add3A_318, %mul3A_323 : vector<16xf32>
      %select_n3A_325 = arith.select %ge3A_321, %add3A_318, %mul3A_324 : vector<16xi1>, vector<16xf32>
      %exp3A_326 = math.exp %select_n3A_325 : vector<16xf32>
      %mul3A_327 = arith.constant 128 : i32
      %mul3A_328 = arith.muli %scan3A_225, %mul3A_327 : i32
      %add3A_329 = arith.constant 48 : i32
      %add3A_330 = arith.addi %mul3A_328, %add3A_329 : i32
      %swap3A_331 = arith.index_cast %add3A_330 : i32 to index
      %swap3A_332 = tpu.vector_load %arg18[%swap3A_331] {strides = array<i32>} : memref<10384xf32, #tpu.memory_space<vmem>>, vector<16xf32>,
      tpu.vector_store %arg18[%swap3A_331], %exp3A_326 {strides = array<i32>} : memref<10384xf32, #tpu.memory_space<vmem>>, vector<16xf32>,
      %get3A_333 = arith.index_cast %scan3A_225 : i32 to index
      %get3A_334 = arith.constant 64 : index
      %get3A_335 = tpu.vector_load %arg15[%get3A_333, %get3A_334] {strides = array<i32>} : memref<81x128xi32, #tpu.memory_space<vmem>>, vector<16xi32>,
      %get3A_336 = arith.index_cast %scan3A_225 : i32 to index
      %get3A_337 = arith.constant 64 : index
      %get3A_338 = tpu.vector_load %arg16[%get3A_336, %get3A_337] {strides = array<i32>} : memref<81x128xi32, #tpu.memory_space<vmem>>, vector<16xi32>,
      %add3A_339 = arith.addi %get3A_335, %get3A_335 : vector<16xi32>
      %gather3A_340 = tpu.vector_load_idx %arg17[%add3A_339] : memref<20224xf32, #tpu.memory_space<vmem>>[vector<16xi32>], vector<16xf32>,
      %add3A_341 = arith.addi %get3A_338, %get3A_338 : vector<16xi32>
      %add3A_342 = arith.constant 1 : i32
      %add3A_343 = vector.broadcast %add3A_342 : i32 to vector<16xi32>
      %add3A_344 = arith.addi %add3A_341, %add3A_343 : vector<16xi32>
      %gather3A_345 = tpu.vector_load_idx %arg17[%add3A_344] : memref<20224xf32, #tpu.memory_space<vmem>>[vector<16xi32>], vector<16xf32>,
      %add3A_346 = arith.addf %gather3A_340, %gather3A_345 : vector<16xf32>
      %ge3A_347 = arith.constant 0.000000e+00 : f32
      %ge3A_348 = vector.broadcast %ge3A_347 : f32 to vector<16xf32>
      %ge3A_349 = arith.cmpf oge, %add3A_346, %ge3A_348 : vector<16xf32>
      %mul3A_350 = arith.constant 2.000000e-01 : f32
      %mul3A_351 = vector.broadcast %mul3A_350 : f32 to vector<16xf32>
      %mul3A_352 = arith.mulf %add3A_346, %mul3A_351 : vector<16xf32>
      %select_n3A_353 = arith.select %ge3A_349, %add3A_346, %mul3A_352 : vector<16xi1>, vector<16xf32>
      %exp3A_354 = math.exp %select_n3A_353 : vector<16xf32>
      %mul3A_355 = arith.constant 128 : i32
      %mul3A_356 = arith.muli %scan3A_225, %mul3A_355 : i32
      %add3A_357 = arith.constant 64 : i32
      %add3A_358 = arith.addi %mul3A_356, %add3A_357 : i32
      %swap3A_359 = arith.index_cast %add3A_358 : i32 to index
      %swap3A_360 = tpu.vector_load %arg18[%swap3A_359] {strides = array<i32>} : memref<10384xf32, #tpu.memory_space<vmem>>, vector<16xf32>,
      tpu.vector_store %arg18[%swap3A_359], %exp3A_354 {strides = array<i32>} : memref<10384xf32, #tpu.memory_space<vmem>>, vector<16xf32>,
      %get3A_361 = arith.index_cast %scan3A_225 : i32 to index
      %get3A_362 = arith.constant 80 : index
      %get3A_363 = tpu.vector_load %arg15[%get3A_361, %get3A_362] {strides = array<i32>} : memref<81x128xi32, #tpu.memory_space<vmem>>, vector<16xi32>,
      %get3A_364 = arith.index_cast %scan3A_225 : i32 to index
      %get3A_365 = arith.constant 80 : index
      %get3A_366 = tpu.vector_load %arg16[%get3A_364, %get3A_365] {strides = array<i32>} : memref<81x128xi32, #tpu.memory_space<vmem>>, vector<16xi32>,
      %add3A_367 = arith.addi %get3A_363, %get3A_363 : vector<16xi32>
      %gather3A_368 = tpu.vector_load_idx %arg17[%add3A_367] : memref<20224xf32, #tpu.memory_space<vmem>>[vector<16xi32>], vector<16xf32>,
      %add3A_369 = arith.addi %get3A_366, %get3A_366 : vector<16xi32>
      %add3A_370 = arith.constant 1 : i32
      %add3A_371 = vector.broadcast %add3A_370 : i32 to vector<16xi32>
      %add3A_372 = arith.addi %add3A_369, %add3A_371 : vector<16xi32>
      %gather3A_373 = tpu.vector_load_idx %arg17[%add3A_372] : memref<20224xf32, #tpu.memory_space<vmem>>[vector<16xi32>], vector<16xf32>,
      %add3A_374 = arith.addf %gather3A_368, %gather3A_373 : vector<16xf32>
      %ge3A_375 = arith.constant 0.000000e+00 : f32
      %ge3A_376 = vector.broadcast %ge3A_375 : f32 to vector<16xf32>
      %ge3A_377 = arith.cmpf oge, %add3A_374, %ge3A_376 : vector<16xf32>
      %mul3A_378 = arith.constant 2.000000e-01 : f32
      %mul3A_379 = vector.broadcast %mul3A_378 : f32 to vector<16xf32>
      %mul3A_380 = arith.mulf %add3A_374, %mul3A_379 : vector<16xf32>
      %select_n3A_381 = arith.select %ge3A_377, %add3A_374, %mul3A_380 : vector<16xi1>, vector<16xf32>
      %exp3A_382 = math.exp %select_n3A_381 : vector<16xf32>
      %mul3A_383 = arith.constant 128 : i32
      %mul3A_384 = arith.muli %scan3A_225, %mul3A_383 : i32
      %add3A_385 = arith.constant 80 : i32
      %add3A_386 = arith.addi %mul3A_384, %add3A_385 : i32
      %swap3A_387 = arith.index_cast %add3A_386 : i32 to index
      %swap3A_388 = tpu.vector_load %arg18[%swap3A_387] {strides = array<i32>} : memref<10384xf32, #tpu.memory_space<vmem>>, vector<16xf32>,
      tpu.vector_store %arg18[%swap3A_387], %exp3A_382 {strides = array<i32>} : memref<10384xf32, #tpu.memory_space<vmem>>, vector<16xf32>,
      %get3A_389 = arith.index_cast %scan3A_225 : i32 to index
      %get3A_390 = arith.constant 96 : index
      %get3A_391 = tpu.vector_load %arg15[%get3A_389, %get3A_390] {strides = array<i32>} : memref<81x128xi32, #tpu.memory_space<vmem>>, vector<16xi32>,
      %get3A_392 = arith.index_cast %scan3A_225 : i32 to index
      %get3A_393 = arith.constant 96 : index
      %get3A_394 = tpu.vector_load %arg16[%get3A_392, %get3A_393] {strides = array<i32>} : memref<81x128xi32, #tpu.memory_space<vmem>>, vector<16xi32>,
      %add3A_395 = arith.addi %get3A_391, %get3A_391 : vector<16xi32>
      %gather3A_396 = tpu.vector_load_idx %arg17[%add3A_395] : memref<20224xf32, #tpu.memory_space<vmem>>[vector<16xi32>], vector<16xf32>,
      %add3A_397 = arith.addi %get3A_394, %get3A_394 : vector<16xi32>
      %add3A_398 = arith.constant 1 : i32
      %add3A_399 = vector.broadcast %add3A_398 : i32 to vector<16xi32>
      %add3A_400 = arith.addi %add3A_397, %add3A_399 : vector<16xi32>
      %gather3A_401 = tpu.vector_load_idx %arg17[%add3A_400] : memref<20224xf32, #tpu.memory_space<vmem>>[vector<16xi32>], vector<16xf32>,
      %add3A_402 = arith.addf %gather3A_396, %gather3A_401 : vector<16xf32>
      %ge3A_403 = arith.constant 0.000000e+00 : f32
      %ge3A_404 = vector.broadcast %ge3A_403 : f32 to vector<16xf32>
      %ge3A_405 = arith.cmpf oge, %add3A_402, %ge3A_404 : vector<16xf32>
      %mul3A_406 = arith.constant 2.000000e-01 : f32
      %mul3A_407 = vector.broadcast %mul3A_406 : f32 to vector<16xf32>
      %mul3A_408 = arith.mulf %add3A_402, %mul3A_407 : vector<16xf32>
      %select_n3A_409 = arith.select %ge3A_405, %add3A_402, %mul3A_408 : vector<16xi1>, vector<16xf32>
      %exp3A_410 = math.exp %select_n3A_409 : vector<16xf32>
      %mul3A_411 = arith.constant 128 : i32
      %mul3A_412 = arith.muli %scan3A_225, %mul3A_411 : i32
      %add3A_413 = arith.constant 96 : i32
      %add3A_414 = arith.addi %mul3A_412, %add3A_413 : i32
      %swap3A_415 = arith.index_cast %add3A_414 : i32 to index
      %swap3A_416 = tpu.vector_load %arg18[%swap3A_415] {strides = array<i32>} : memref<10384xf32, #tpu.memory_space<vmem>>, vector<16xf32>,
      tpu.vector_store %arg18[%swap3A_415], %exp3A_410 {strides = array<i32>} : memref<10384xf32, #tpu.memory_space<vmem>>, vector<16xf32>,
      %get3A_417 = arith.index_cast %scan3A_225 : i32 to index
      %get3A_418 = arith.constant 112 : index
      %get3A_419 = tpu.vector_load %arg15[%get3A_417, %get3A_418] {strides = array<i32>} : memref<81x128xi32, #tpu.memory_space<vmem>>, vector<16xi32>,
      %get3A_420 = arith.index_cast %scan3A_225 : i32 to index
      %get3A_421 = arith.constant 112 : index
      %get3A_422 = tpu.vector_load %arg16[%get3A_420, %get3A_421] {strides = array<i32>} : memref<81x128xi32, #tpu.memory_space<vmem>>, vector<16xi32>,
      %add3A_423 = arith.addi %get3A_419, %get3A_419 : vector<16xi32>
      %gather3A_424 = tpu.vector_load_idx %arg17[%add3A_423] : memref<20224xf32, #tpu.memory_space<vmem>>[vector<16xi32>], vector<16xf32>,
      %add3A_425 = arith.addi %get3A_422, %get3A_422 : vector<16xi32>
      %add3A_426 = arith.constant 1 : i32
      %add3A_427 = vector.broadcast %add3A_426 : i32 to vector<16xi32>
      %add3A_428 = arith.addi %add3A_425, %add3A_427 : vector<16xi32>
      %gather3A_429 = tpu.vector_load_idx %arg17[%add3A_428] : memref<20224xf32, #tpu.memory_space<vmem>>[vector<16xi32>], vector<16xf32>,
      %add3A_430 = arith.addf %gather3A_424, %gather3A_429 : vector<16xf32>
      %ge3A_431 = arith.constant 0.000000e+00 : f32
      %ge3A_432 = vector.broadcast %ge3A_431 : f32 to vector<16xf32>
      %ge3A_433 = arith.cmpf oge, %add3A_430, %ge3A_432 : vector<16xf32>
      %mul3A_434 = arith.constant 2.000000e-01 : f32
      %mul3A_435 = vector.broadcast %mul3A_434 : f32 to vector<16xf32>
      %mul3A_436 = arith.mulf %add3A_430, %mul3A_435 : vector<16xf32>
      %select_n3A_437 = arith.select %ge3A_433, %add3A_430, %mul3A_436 : vector<16xi1>, vector<16xf32>
      %exp3A_438 = math.exp %select_n3A_437 : vector<16xf32>
      %mul3A_439 = arith.constant 128 : i32
      %mul3A_440 = arith.muli %scan3A_225, %mul3A_439 : i32
      %add3A_441 = arith.constant 112 : i32
      %add3A_442 = arith.addi %mul3A_440, %add3A_441 : i32
      %swap3A_443 = arith.index_cast %add3A_442 : i32 to index
      %swap3A_444 = tpu.vector_load %arg18[%swap3A_443] {strides = array<i32>} : memref<10384xf32, #tpu.memory_space<vmem>>, vector<16xf32>,
      tpu.vector_store %arg18[%swap3A_443], %exp3A_438 {strides = array<i32>} : memref<10384xf32, #tpu.memory_space<vmem>>, vector<16xf32>,
    }
    %scan3A_139 = arith.constant 81 : i32
    %barrier3A_140 = arith.constant 0 : index
    tpu.barrier barrier_id(%barrier3A_140)
    %dma_start3A_141 = arith.constant 0 : i32
    %dma_start3A_142 = arith.constant 0 : i32
    %dma_start3A_143 = arith.constant 0 : i32
    %dma_start3A_144 = arith.constant 0 : i32
    %dma_start3A_145 = tpu.memref_slice %arg19[%dma_start3A_142, %dma_start3A_143, %dma_start3A_144] : memref<2x128x16xf32, #tpu.memory_space<vmem>> -> memref<1x128x16xf32, #tpu.memory_space<vmem>>
    %dma_start3A_146 = tpu.memref_squeeze %dma_start3A_145 : memref<1x128x16xf32, #tpu.memory_space<vmem>> -> memref<128x16xf32, #tpu.memory_space<vmem>>
    %dma_start3A_147 = arith.constant 0 : i32
    %dma_start3A_148 = tpu.memref_slice %arg15[%dma_start3A_141, %dma_start3A_147] : memref<81x128xi32, #tpu.memory_space<vmem>> -> memref<1x128xi32, #tpu.memory_space<vmem>>
    %dma_start3A_149 = tpu.memref_squeeze %dma_start3A_148 : memref<1x128xi32, #tpu.memory_space<vmem>> -> memref<128xi32, #tpu.memory_space<vmem>>
    %dma_start3A_150 = arith.constant 0 : i32
    %dma_start3A_151 = arith.constant 0 : i32
    %dma_start3A_152 = tpu.memref_slice %arg14[%dma_start3A_150, %dma_start3A_151] : memref<10112x16xf32, #tpu.memory_space<hbm>> -> memref<10112x16xf32, #tpu.memory_space<hbm>>
    tpu.enqueue_indirect_dma source(%dma_start3A_152 : memref<10112x16xf32, #tpu.memory_space<hbm>>) target(%dma_start3A_146 : memref<128x16xf32, #tpu.memory_space<vmem>>) offsets(%dma_start3A_149 : memref<128xi32, #tpu.memory_space<vmem>>) semaphore(%arg23 : memref<!tpu.dma_semaphore, #tpu.memory_space<semaphore_mem>>)
    %scan3A_153 = arith.constant 0 : i32
    %scan3A_154 = arith.constant 0 : i32
    %scan3A_155 = arith.constant 81 : i32
    %scan3A_156 = arith.addi %scan3A_154, %scan3A_155 : i32
    %scan3A_157 = arith.constant 1 : i32
    scf.for %scan3A_225 = %scan3A_154 to %scan3A_156 step %scan3A_157  : i32 {
      %lt3A = arith.constant 80 : i32
      %lt3A_226 = arith.cmpi slt, %scan3A_225, %lt3A : i32
      %convert_element_type3A_227 = arith.extui %lt3A_226 : i1 to i32
      %cond3A_228 = arith.constant 0 : i32
      %cond3A_229 = arith.cmpi ne, %convert_element_type3A_227, %cond3A_228 : i32
      scf.if %cond3A_229 {
        %add3A_295 = arith.constant 1 : i32
        %add3A_296 = arith.addi %scan3A_225, %add3A_295 : i32
        %add3A_297 = arith.constant 1 : i32
        %add3A_298 = arith.addi %scan3A_225, %add3A_297 : i32
        %jit3A_299 = arith.constant 2 : i32
        %eq3A_300 = arith.constant 0 : i32
        %eq3A_301 = arith.cmpi eq, %jit3A_299, %eq3A_300 : i32
        %jit3A_302 = arith.constant 1 : i32
        %select_n3A_303 = arith.select %eq3A_301, %jit3A_302, %jit3A_299 : i32
        %rem3A_304 = arith.remsi %add3A_298, %select_n3A_303 : i32
        %ne3A_305 = arith.constant 0 : i32
        %ne3A_306 = arith.cmpi ne, %rem3A_304, %ne3A_305 : i32
        %lt3A_307 = arith.constant 0 : i32
        %lt3A_308 = arith.cmpi slt, %rem3A_304, %lt3A_307 : i32
        %lt3A_309 = arith.constant 0 : i32
        %lt3A_310 = arith.cmpi slt, %select_n3A_303, %lt3A_309 : i32
        %ne3A_311 = arith.xori %lt3A_308, %lt3A_310 : i1
        %and3A_312 = arith.andi %ne3A_311, %ne3A_306 : i1
        %add3A_313 = arith.addi %rem3A_304, %select_n3A_303 : i32
        %select_n3A_314 = arith.select %and3A_312, %add3A_313, %rem3A_304 : i32
        %dma_start3A_315 = arith.constant 0 : i32
        %dma_start3A_316 = arith.constant 0 : i32
        %dma_start3A_317 = tpu.memref_slice %arg19[%select_n3A_314, %dma_start3A_315, %dma_start3A_316] : memref<2x128x16xf32, #tpu.memory_space<vmem>> -> memref<1x128x16xf32, #tpu.memory_space<vmem>>
        %dma_start3A_318 = tpu.memref_squeeze %dma_start3A_317 : memref<1x128x16xf32, #tpu.memory_space<vmem>> -> memref<128x16xf32, #tpu.memory_space<vmem>>
        %dma_start3A_319 = arith.constant 0 : i32
        %dma_start3A_320 = tpu.memref_slice %arg15[%add3A_296, %dma_start3A_319] : memref<81x128xi32, #tpu.memory_space<vmem>> -> memref<1x128xi32, #tpu.memory_space<vmem>>
        %dma_start3A_321 = tpu.memref_squeeze %dma_start3A_320 : memref<1x128xi32, #tpu.memory_space<vmem>> -> memref<128xi32, #tpu.memory_space<vmem>>
        %dma_start3A_322 = arith.constant 0 : i32
        %dma_start3A_323 = arith.constant 0 : i32
        %dma_start3A_324 = tpu.memref_slice %arg14[%dma_start3A_322, %dma_start3A_323] : memref<10112x16xf32, #tpu.memory_space<hbm>> -> memref<10112x16xf32, #tpu.memory_space<hbm>>
        tpu.enqueue_indirect_dma source(%dma_start3A_324 : memref<10112x16xf32, #tpu.memory_space<hbm>>) target(%dma_start3A_318 : memref<128x16xf32, #tpu.memory_space<vmem>>) offsets(%dma_start3A_321 : memref<128xi32, #tpu.memory_space<vmem>>) semaphore(%arg23 : memref<!tpu.dma_semaphore, #tpu.memory_space<semaphore_mem>>)
      } else {
      }
      %jit3A = arith.constant 2 : i32
      %eq3A = arith.constant 0 : i32
      %eq3A_230 = arith.cmpi eq, %jit3A, %eq3A : i32
      %jit3A_231 = arith.constant 1 : i32
      %select_n3A = arith.select %eq3A_230, %jit3A_231, %jit3A : i32
      %rem3A = arith.remsi %scan3A_225, %select_n3A : i32
      %ne3A_232 = arith.constant 0 : i32
      %ne3A_233 = arith.cmpi ne, %rem3A, %ne3A_232 : i32
      %lt3A_234 = arith.constant 0 : i32
      %lt3A_235 = arith.cmpi slt, %rem3A, %lt3A_234 : i32
      %lt3A_236 = arith.constant 0 : i32
      %lt3A_237 = arith.cmpi slt, %select_n3A, %lt3A_236 : i32
      %ne3A_238 = arith.xori %lt3A_235, %lt3A_237 : i1
      %and3A = arith.andi %ne3A_238, %ne3A_233 : i1
      %add3A_239 = arith.addi %rem3A, %select_n3A : i32
      %select_n3A_240 = arith.select %and3A, %add3A_239, %rem3A : i32
      %dma_wait3A_241 = arith.constant 0 : i32
      %dma_wait3A_242 = arith.constant 0 : i32
      %dma_wait3A_243 = tpu.memref_slice %arg19[%select_n3A_240, %dma_wait3A_241, %dma_wait3A_242] : memref<2x128x16xf32, #tpu.memory_space<vmem>> -> memref<1x128x16xf32, #tpu.memory_space<vmem>>
      %dma_wait3A_244 = tpu.memref_squeeze %dma_wait3A_243 : memref<1x128x16xf32, #tpu.memory_space<vmem>> -> memref<128x16xf32, #tpu.memory_space<vmem>>
      %dma_wait3A_245 = arith.constant 0 : i32
      %dma_wait3A_246 = tpu.memref_slice %arg15[%scan3A_225, %dma_wait3A_245] : memref<81x128xi32, #tpu.memory_space<vmem>> -> memref<1x128xi32, #tpu.memory_space<vmem>>
      %dma_wait3A_247 = tpu.memref_squeeze %dma_wait3A_246 : memref<1x128xi32, #tpu.memory_space<vmem>> -> memref<128xi32, #tpu.memory_space<vmem>>
      %dma_wait3A_248 = arith.constant 0 : i32
      %dma_wait3A_249 = arith.constant 0 : i32
      %dma_wait3A_250 = tpu.memref_slice %arg14[%dma_wait3A_248, %dma_wait3A_249] : memref<10112x16xf32, #tpu.memory_space<hbm>> -> memref<10112x16xf32, #tpu.memory_space<hbm>>
      tpu.wait_indirect_dma semaphore(%arg23 : memref<!tpu.dma_semaphore, #tpu.memory_space<semaphore_mem>>) src(%dma_wait3A_250 : memref<10112x16xf32, #tpu.memory_space<hbm>>) dst(%dma_wait3A_244 : memref<128x16xf32, #tpu.memory_space<vmem>>)
      %ge3A = arith.constant 3 : i32
      %ge3A_251 = arith.cmpi sge, %scan3A_225, %ge3A : i32
      %convert_element_type3A_252 = arith.extui %ge3A_251 : i1 to i32
      %cond3A_253 = arith.constant 0 : i32
      %cond3A_254 = arith.cmpi ne, %convert_element_type3A_252, %cond3A_253 : i32
      scf.if %cond3A_254 {
        %jit3A_295 = arith.constant 3 : i32
        %eq3A_296 = arith.constant 0 : i32
        %eq3A_297 = arith.cmpi eq, %jit3A_295, %eq3A_296 : i32
        %jit3A_298 = arith.constant 1 : i32
        %select_n3A_299 = arith.select %eq3A_297, %jit3A_298, %jit3A_295 : i32
        %rem3A_300 = arith.remsi %scan3A_225, %select_n3A_299 : i32
        %ne3A_301 = arith.constant 0 : i32
        %ne3A_302 = arith.cmpi ne, %rem3A_300, %ne3A_301 : i32
        %lt3A_303 = arith.constant 0 : i32
        %lt3A_304 = arith.cmpi slt, %rem3A_300, %lt3A_303 : i32
        %lt3A_305 = arith.constant 0 : i32
        %lt3A_306 = arith.cmpi slt, %select_n3A_299, %lt3A_305 : i32
        %ne3A_307 = arith.xori %lt3A_304, %lt3A_306 : i1
        %and3A_308 = arith.andi %ne3A_307, %ne3A_302 : i1
        %add3A_309 = arith.addi %rem3A_300, %select_n3A_299 : i32
        %select_n3A_310 = arith.select %and3A_308, %add3A_309, %rem3A_300 : i32
        %dma_wait3A_311 = arith.constant 0 : i32
        %dma_wait3A_312 = arith.constant 0 : i32
        %dma_wait3A_313 = tpu.memref_slice %arg20[%select_n3A_310, %dma_wait3A_311, %dma_wait3A_312] : memref<3x128x16xf32, #tpu.memory_space<vmem>> -> memref<1x128x16xf32, #tpu.memory_space<vmem>>
        %dma_wait3A_314 = tpu.memref_squeeze %dma_wait3A_313 : memref<1x128x16xf32, #tpu.memory_space<vmem>> -> memref<128x16xf32, #tpu.memory_space<vmem>>
        %dma_wait3A_315 = arith.constant 0 : i32
        %dma_wait3A_316 = tpu.memref_slice %arg16[%scan3A_225, %dma_wait3A_315] : memref<81x128xi32, #tpu.memory_space<vmem>> -> memref<1x128xi32, #tpu.memory_space<vmem>>
        %dma_wait3A_317 = tpu.memref_squeeze %dma_wait3A_316 : memref<1x128xi32, #tpu.memory_space<vmem>> -> memref<128xi32, #tpu.memory_space<vmem>>
        %dma_wait3A_318 = arith.constant 0 : i32
        %dma_wait3A_319 = arith.constant 0 : i32
        %dma_wait3A_320 = tpu.memref_slice %arg21[%dma_wait3A_318, %dma_wait3A_319] : memref<10112x16xf32, #tpu.memory_space<vmem_shared>> -> memref<10112x16xf32, #tpu.memory_space<vmem_shared>>
        tpu.wait_indirect_dma semaphore(%arg24 : memref<!tpu.dma_semaphore, #tpu.memory_space<semaphore_mem>>) src(%dma_wait3A_314 : memref<128x16xf32, #tpu.memory_space<vmem>>) dst(%dma_wait3A_320 : memref<10112x16xf32, #tpu.memory_space<vmem_shared>>)
        %mul3A_321 = arith.constant 128 : i32
        %mul3A_322 = arith.muli %scan3A_225, %mul3A_321 : i32
        %dma_wait3A_323 = tpu.memref_slice %arg18[%mul3A_322] : memref<10384xf32, #tpu.memory_space<vmem>> -> memref<128xf32, #tpu.memory_space<vmem>>
        %dma_wait3A_324 = arith.constant 0 : i32
        %dma_wait3A_325 = tpu.memref_slice %arg16[%scan3A_225, %dma_wait3A_324] : memref<81x128xi32, #tpu.memory_space<vmem>> -> memref<1x128xi32, #tpu.memory_space<vmem>>
        %dma_wait3A_326 = tpu.memref_squeeze %dma_wait3A_325 : memref<1x128xi32, #tpu.memory_space<vmem>> -> memref<128xi32, #tpu.memory_space<vmem>>
        %dma_wait3A_327 = arith.constant 0 : i32
        %dma_wait3A_328 = tpu.memref_slice %arg22[%dma_wait3A_327] : memref<10112xf32, #tpu.memory_space<vmem_shared>> -> memref<10112xf32, #tpu.memory_space<vmem_shared>>
        tpu.wait_indirect_dma semaphore(%arg24 : memref<!tpu.dma_semaphore, #tpu.memory_space<semaphore_mem>>) src(%dma_wait3A_323 : memref<128xf32, #tpu.memory_space<vmem>>) dst(%dma_wait3A_328 : memref<10112xf32, #tpu.memory_space<vmem_shared>>)
      } else {
      }
      %scan3A_255 = arith.constant 0 : i32
      %scan3A_256 = arith.constant 0 : i32
      %scan3A_257 = arith.constant 128 : i32
      %scan3A_258 = arith.addi %scan3A_256, %scan3A_257 : i32
      %scan3A_259 = arith.constant 1 : i32
      scf.for %scan3A_295 = %scan3A_256 to %scan3A_258 step %scan3A_259  : i32 {
        %mul3A_296 = arith.constant 128 : i32
        %mul3A_297 = arith.muli %scan3A_225, %mul3A_296 : i32
        %add3A_298 = arith.addi %mul3A_297, %scan3A_295 : i32
        %get3A_299 = arith.index_cast %add3A_298 : i32 to index
        %get3A_300 = tpu.vector_load %arg18[%get3A_299] {strides = array<i32>} : memref<10384xf32, #tpu.memory_space<vmem>>, vector<16xf32>,
        %slice3A = vector.extract_strided_slice %get3A_300 {offsets = [0], sizes = [1], strides = [1]} : vector<16xf32> to vector<1xf32>
        %squeeze3A = vector.extract %slice3A[0] : f32 from vector<1xf32>
        %jit3A_301 = arith.constant 2 : i32
        %eq3A_302 = arith.constant 0 : i32
        %eq3A_303 = arith.cmpi eq, %jit3A_301, %eq3A_302 : i32
        %jit3A_304 = arith.constant 1 : i32
        %select_n3A_305 = arith.select %eq3A_303, %jit3A_304, %jit3A_301 : i32
        %rem3A_306 = arith.remsi %scan3A_225, %select_n3A_305 : i32
        %ne3A_307 = arith.constant 0 : i32
        %ne3A_308 = arith.cmpi ne, %rem3A_306, %ne3A_307 : i32
        %lt3A_309 = arith.constant 0 : i32
        %lt3A_310 = arith.cmpi slt, %rem3A_306, %lt3A_309 : i32
        %lt3A_311 = arith.constant 0 : i32
        %lt3A_312 = arith.cmpi slt, %select_n3A_305, %lt3A_311 : i32
        %ne3A_313 = arith.xori %lt3A_310, %lt3A_312 : i1
        %and3A_314 = arith.andi %ne3A_313, %ne3A_308 : i1
        %add3A_315 = arith.addi %rem3A_306, %select_n3A_305 : i32
        %select_n3A_316 = arith.select %and3A_314, %add3A_315, %rem3A_306 : i32
        %get3A_317 = arith.index_cast %select_n3A_316 : i32 to index
        %get3A_318 = arith.index_cast %scan3A_295 : i32 to index
        %get3A_319 = arith.constant 0 : index
        %get3A_320 = tpu.vector_load %arg19[%get3A_317, %get3A_318, %get3A_319] {strides = array<i32>} : memref<2x128x16xf32, #tpu.memory_space<vmem>>, vector<16xf32>,
        %mul3A_321 = vector.broadcast %squeeze3A : f32 to vector<16xf32>
        %mul3A_322 = arith.mulf %get3A_320, %mul3A_321 : vector<16xf32>
        %jit3A_323 = arith.constant 3 : i32
        %eq3A_324 = arith.constant 0 : i32
        %eq3A_325 = arith.cmpi eq, %jit3A_323, %eq3A_324 : i32
        %jit3A_326 = arith.constant 1 : i32
        %select_n3A_327 = arith.select %eq3A_325, %jit3A_326, %jit3A_323 : i32
        %rem3A_328 = arith.remsi %scan3A_225, %select_n3A_327 : i32
        %ne3A_329 = arith.constant 0 : i32
        %ne3A_330 = arith.cmpi ne, %rem3A_328, %ne3A_329 : i32
        %lt3A_331 = arith.constant 0 : i32
        %lt3A_332 = arith.cmpi slt, %rem3A_328, %lt3A_331 : i32
        %lt3A_333 = arith.constant 0 : i32
        %lt3A_334 = arith.cmpi slt, %select_n3A_327, %lt3A_333 : i32
        %ne3A_335 = arith.xori %lt3A_332, %lt3A_334 : i1
        %and3A_336 = arith.andi %ne3A_335, %ne3A_330 : i1
        %add3A_337 = arith.addi %rem3A_328, %select_n3A_327 : i32
        %select_n3A_338 = arith.select %and3A_336, %add3A_337, %rem3A_328 : i32
        %swap3A = arith.index_cast %select_n3A_338 : i32 to index
        %swap3A_339 = arith.index_cast %scan3A_295 : i32 to index
        %swap3A_340 = arith.constant 0 : index
        %swap3A_341 = tpu.vector_load %arg20[%swap3A, %swap3A_339, %swap3A_340] {strides = array<i32>} : memref<3x128x16xf32, #tpu.memory_space<vmem>>, vector<16xf32>,
        tpu.vector_store %arg20[%swap3A, %swap3A_339, %swap3A_340], %mul3A_322 {strides = array<i32>} : memref<3x128x16xf32, #tpu.memory_space<vmem>>, vector<16xf32>,
      }
      %scan3A_260 = arith.constant 128 : i32
      %jit3A_261 = arith.constant 3 : i32
      %eq3A_262 = arith.constant 0 : i32
      %eq3A_263 = arith.cmpi eq, %jit3A_261, %eq3A_262 : i32
      %jit3A_264 = arith.constant 1 : i32
      %select_n3A_265 = arith.select %eq3A_263, %jit3A_264, %jit3A_261 : i32
      %rem3A_266 = arith.remsi %scan3A_225, %select_n3A_265 : i32
      %ne3A_267 = arith.constant 0 : i32
      %ne3A_268 = arith.cmpi ne, %rem3A_266, %ne3A_267 : i32
      %lt3A_269 = arith.constant 0 : i32
      %lt3A_270 = arith.cmpi slt, %rem3A_266, %lt3A_269 : i32
      %lt3A_271 = arith.constant 0 : i32
      %lt3A_272 = arith.cmpi slt, %select_n3A_265, %lt3A_271 : i32
      %ne3A_273 = arith.xori %lt3A_270, %lt3A_272 : i1
      %and3A_274 = arith.andi %ne3A_273, %ne3A_268 : i1
      %add3A_275 = arith.addi %rem3A_266, %select_n3A_265 : i32
      %select_n3A_276 = arith.select %and3A_274, %add3A_275, %rem3A_266 : i32
      %dma_start3A_277 = arith.constant 0 : i32
      %dma_start3A_278 = arith.constant 0 : i32
      %dma_start3A_279 = tpu.memref_slice %arg20[%select_n3A_276, %dma_start3A_277, %dma_start3A_278] : memref<3x128x16xf32, #tpu.memory_space<vmem>> -> memref<1x128x16xf32, #tpu.memory_space<vmem>>
      %dma_start3A_280 = tpu.memref_squeeze %dma_start3A_279 : memref<1x128x16xf32, #tpu.memory_space<vmem>> -> memref<128x16xf32, #tpu.memory_space<vmem>>
      %dma_start3A_281 = arith.constant 0 : i32
      %dma_start3A_282 = tpu.memref_slice %arg16[%scan3A_225, %dma_start3A_281] : memref<81x128xi32, #tpu.memory_space<vmem>> -> memref<1x128xi32, #tpu.memory_space<vmem>>
      %dma_start3A_283 = tpu.memref_squeeze %dma_start3A_282 : memref<1x128xi32, #tpu.memory_space<vmem>> -> memref<128xi32, #tpu.memory_space<vmem>>
      %dma_start3A_284 = arith.constant 0 : i32
      %dma_start3A_285 = arith.constant 0 : i32
      %dma_start3A_286 = tpu.memref_slice %arg21[%dma_start3A_284, %dma_start3A_285] : memref<10112x16xf32, #tpu.memory_space<vmem_shared>> -> memref<10112x16xf32, #tpu.memory_space<vmem_shared>>
      tpu.enqueue_indirect_dma source(%dma_start3A_280 : memref<128x16xf32, #tpu.memory_space<vmem>>) target(%dma_start3A_286 : memref<10112x16xf32, #tpu.memory_space<vmem_shared>>) offsets(%dma_start3A_283 : memref<128xi32, #tpu.memory_space<vmem>>) semaphore(%arg24 : memref<!tpu.dma_semaphore, #tpu.memory_space<semaphore_mem>>) {add = true}
      %mul3A_287 = arith.constant 128 : i32
      %mul3A_288 = arith.muli %scan3A_225, %mul3A_287 : i32
      %dma_start3A_289 = tpu.memref_slice %arg18[%mul3A_288] : memref<10384xf32, #tpu.memory_space<vmem>> -> memref<128xf32, #tpu.memory_space<vmem>>
      %dma_start3A_290 = arith.constant 0 : i32
      %dma_start3A_291 = tpu.memref_slice %arg16[%scan3A_225, %dma_start3A_290] : memref<81x128xi32, #tpu.memory_space<vmem>> -> memref<1x128xi32, #tpu.memory_space<vmem>>
      %dma_start3A_292 = tpu.memref_squeeze %dma_start3A_291 : memref<1x128xi32, #tpu.memory_space<vmem>> -> memref<128xi32, #tpu.memory_space<vmem>>
      %dma_start3A_293 = arith.constant 0 : i32
      %dma_start3A_294 = tpu.memref_slice %arg22[%dma_start3A_293] : memref<10112xf32, #tpu.memory_space<vmem_shared>> -> memref<10112xf32, #tpu.memory_space<vmem_shared>>
      tpu.enqueue_indirect_dma source(%dma_start3A_289 : memref<128xf32, #tpu.memory_space<vmem>>) target(%dma_start3A_294 : memref<10112xf32, #tpu.memory_space<vmem_shared>>) offsets(%dma_start3A_292 : memref<128xi32, #tpu.memory_space<vmem>>) semaphore(%arg24 : memref<!tpu.dma_semaphore, #tpu.memory_space<semaphore_mem>>) {add = true}
    }
    %scan3A_158 = arith.constant 81 : i32
    %dma_wait3A_159 = arith.constant 0 : i32
    %dma_wait3A_160 = arith.constant 78 : i32
    %dma_wait3A_161 = arith.constant 0 : i32
    %dma_wait3A_162 = arith.constant 0 : i32
    %dma_wait3A_163 = tpu.memref_slice %arg20[%dma_wait3A_159, %dma_wait3A_161, %dma_wait3A_162] : memref<3x128x16xf32, #tpu.memory_space<vmem>> -> memref<1x128x16xf32, #tpu.memory_space<vmem>>
    %dma_wait3A_164 = tpu.memref_squeeze %dma_wait3A_163 : memref<1x128x16xf32, #tpu.memory_space<vmem>> -> memref<128x16xf32, #tpu.memory_space<vmem>>
    %dma_wait3A_165 = arith.constant 0 : i32
    %dma_wait3A_166 = tpu.memref_slice %arg16[%dma_wait3A_160, %dma_wait3A_165] : memref<81x128xi32, #tpu.memory_space<vmem>> -> memref<1x128xi32, #tpu.memory_space<vmem>>
    %dma_wait3A_167 = tpu.memref_squeeze %dma_wait3A_166 : memref<1x128xi32, #tpu.memory_space<vmem>> -> memref<128xi32, #tpu.memory_space<vmem>>
    %dma_wait3A_168 = arith.constant 0 : i32
    %dma_wait3A_169 = arith.constant 0 : i32
    %dma_wait3A_170 = tpu.memref_slice %arg21[%dma_wait3A_168, %dma_wait3A_169] : memref<10112x16xf32, #tpu.memory_space<vmem_shared>> -> memref<10112x16xf32, #tpu.memory_space<vmem_shared>>
    tpu.wait_indirect_dma semaphore(%arg24 : memref<!tpu.dma_semaphore, #tpu.memory_space<semaphore_mem>>) src(%dma_wait3A_164 : memref<128x16xf32, #tpu.memory_space<vmem>>) dst(%dma_wait3A_170 : memref<10112x16xf32, #tpu.memory_space<vmem_shared>>)
    %dma_wait3A_171 = arith.constant 78 : i32
    %dma_wait3A_172 = arith.constant 9984 : i32
    %dma_wait3A_173 = tpu.memref_slice %arg18[%dma_wait3A_172] : memref<10384xf32, #tpu.memory_space<vmem>> -> memref<128xf32, #tpu.memory_space<vmem>>
    %dma_wait3A_174 = arith.constant 0 : i32
    %dma_wait3A_175 = tpu.memref_slice %arg16[%dma_wait3A_171, %dma_wait3A_174] : memref<81x128xi32, #tpu.memory_space<vmem>> -> memref<1x128xi32, #tpu.memory_space<vmem>>
    %dma_wait3A_176 = tpu.memref_squeeze %dma_wait3A_175 : memref<1x128xi32, #tpu.memory_space<vmem>> -> memref<128xi32, #tpu.memory_space<vmem>>
    %dma_wait3A_177 = arith.constant 0 : i32
    %dma_wait3A_178 = tpu.memref_slice %arg22[%dma_wait3A_177] : memref<10112xf32, #tpu.memory_space<vmem_shared>> -> memref<10112xf32, #tpu.memory_space<vmem_shared>>
    tpu.wait_indirect_dma semaphore(%arg24 : memref<!tpu.dma_semaphore, #tpu.memory_space<semaphore_mem>>) src(%dma_wait3A_173 : memref<128xf32, #tpu.memory_space<vmem>>) dst(%dma_wait3A_178 : memref<10112xf32, #tpu.memory_space<vmem_shared>>)
    %dma_wait3A_179 = arith.constant 1 : i32
    %dma_wait3A_180 = arith.constant 79 : i32
    %dma_wait3A_181 = arith.constant 0 : i32
    %dma_wait3A_182 = arith.constant 0 : i32
    %dma_wait3A_183 = tpu.memref_slice %arg20[%dma_wait3A_179, %dma_wait3A_181, %dma_wait3A_182] : memref<3x128x16xf32, #tpu.memory_space<vmem>> -> memref<1x128x16xf32, #tpu.memory_space<vmem>>
    %dma_wait3A_184 = tpu.memref_squeeze %dma_wait3A_183 : memref<1x128x16xf32, #tpu.memory_space<vmem>> -> memref<128x16xf32, #tpu.memory_space<vmem>>
    %dma_wait3A_185 = arith.constant 0 : i32
    %dma_wait3A_186 = tpu.memref_slice %arg16[%dma_wait3A_180, %dma_wait3A_185] : memref<81x128xi32, #tpu.memory_space<vmem>> -> memref<1x128xi32, #tpu.memory_space<vmem>>
    %dma_wait3A_187 = tpu.memref_squeeze %dma_wait3A_186 : memref<1x128xi32, #tpu.memory_space<vmem>> -> memref<128xi32, #tpu.memory_space<vmem>>
    %dma_wait3A_188 = arith.constant 0 : i32
    %dma_wait3A_189 = arith.constant 0 : i32
    %dma_wait3A_190 = tpu.memref_slice %arg21[%dma_wait3A_188, %dma_wait3A_189] : memref<10112x16xf32, #tpu.memory_space<vmem_shared>> -> memref<10112x16xf32, #tpu.memory_space<vmem_shared>>
    tpu.wait_indirect_dma semaphore(%arg24 : memref<!tpu.dma_semaphore, #tpu.memory_space<semaphore_mem>>) src(%dma_wait3A_184 : memref<128x16xf32, #tpu.memory_space<vmem>>) dst(%dma_wait3A_190 : memref<10112x16xf32, #tpu.memory_space<vmem_shared>>)
    %dma_wait3A_191 = arith.constant 79 : i32
    %dma_wait3A_192 = arith.constant 10112 : i32
    %dma_wait3A_193 = tpu.memref_slice %arg18[%dma_wait3A_192] : memref<10384xf32, #tpu.memory_space<vmem>> -> memref<128xf32, #tpu.memory_space<vmem>>
    %dma_wait3A_194 = arith.constant 0 : i32
    %dma_wait3A_195 = tpu.memref_slice %arg16[%dma_wait3A_191, %dma_wait3A_194] : memref<81x128xi32, #tpu.memory_space<vmem>> -> memref<1x128xi32, #tpu.memory_space<vmem>>
    %dma_wait3A_196 = tpu.memref_squeeze %dma_wait3A_195 : memref<1x128xi32, #tpu.memory_space<vmem>> -> memref<128xi32, #tpu.memory_space<vmem>>
    %dma_wait3A_197 = arith.constant 0 : i32
    %dma_wait3A_198 = tpu.memref_slice %arg22[%dma_wait3A_197] : memref<10112xf32, #tpu.memory_space<vmem_shared>> -> memref<10112xf32, #tpu.memory_space<vmem_shared>>
    tpu.wait_indirect_dma semaphore(%arg24 : memref<!tpu.dma_semaphore, #tpu.memory_space<semaphore_mem>>) src(%dma_wait3A_193 : memref<128xf32, #tpu.memory_space<vmem>>) dst(%dma_wait3A_198 : memref<10112xf32, #tpu.memory_space<vmem_shared>>)
    %dma_wait3A_199 = arith.constant 2 : i32
    %dma_wait3A_200 = arith.constant 80 : i32
    %dma_wait3A_201 = arith.constant 0 : i32
    %dma_wait3A_202 = arith.constant 0 : i32
    %dma_wait3A_203 = tpu.memref_slice %arg20[%dma_wait3A_199, %dma_wait3A_201, %dma_wait3A_202] : memref<3x128x16xf32, #tpu.memory_space<vmem>> -> memref<1x128x16xf32, #tpu.memory_space<vmem>>
    %dma_wait3A_204 = tpu.memref_squeeze %dma_wait3A_203 : memref<1x128x16xf32, #tpu.memory_space<vmem>> -> memref<128x16xf32, #tpu.memory_space<vmem>>
    %dma_wait3A_205 = arith.constant 0 : i32
    %dma_wait3A_206 = tpu.memref_slice %arg16[%dma_wait3A_200, %dma_wait3A_205] : memref<81x128xi32, #tpu.memory_space<vmem>> -> memref<1x128xi32, #tpu.memory_space<vmem>>
    %dma_wait3A_207 = tpu.memref_squeeze %dma_wait3A_206 : memref<1x128xi32, #tpu.memory_space<vmem>> -> memref<128xi32, #tpu.memory_space<vmem>>
    %dma_wait3A_208 = arith.constant 0 : i32
    %dma_wait3A_209 = arith.constant 0 : i32
    %dma_wait3A_210 = tpu.memref_slice %arg21[%dma_wait3A_208, %dma_wait3A_209] : memref<10112x16xf32, #tpu.memory_space<vmem_shared>> -> memref<10112x16xf32, #tpu.memory_space<vmem_shared>>
    tpu.wait_indirect_dma semaphore(%arg24 : memref<!tpu.dma_semaphore, #tpu.memory_space<semaphore_mem>>) src(%dma_wait3A_204 : memref<128x16xf32, #tpu.memory_space<vmem>>) dst(%dma_wait3A_210 : memref<10112x16xf32, #tpu.memory_space<vmem_shared>>)
    %dma_wait3A_211 = arith.constant 80 : i32
    %dma_wait3A_212 = arith.constant 10240 : i32
    %dma_wait3A_213 = tpu.memref_slice %arg18[%dma_wait3A_212] : memref<10384xf32, #tpu.memory_space<vmem>> -> memref<128xf32, #tpu.memory_space<vmem>>
    %dma_wait3A_214 = arith.constant 0 : i32
    %dma_wait3A_215 = tpu.memref_slice %arg16[%dma_wait3A_211, %dma_wait3A_214] : memref<81x128xi32, #tpu.memory_space<vmem>> -> memref<1x128xi32, #tpu.memory_space<vmem>>
    %dma_wait3A_216 = tpu.memref_squeeze %dma_wait3A_215 : memref<1x128xi32, #tpu.memory_space<vmem>> -> memref<128xi32, #tpu.memory_space<vmem>>
    %dma_wait3A_217 = arith.constant 0 : i32
    %dma_wait3A_218 = tpu.memref_slice %arg22[%dma_wait3A_217] : memref<10112xf32, #tpu.memory_space<vmem_shared>> -> memref<10112xf32, #tpu.memory_space<vmem_shared>>
    tpu.wait_indirect_dma semaphore(%arg24 : memref<!tpu.dma_semaphore, #tpu.memory_space<semaphore_mem>>) src(%dma_wait3A_213 : memref<128xf32, #tpu.memory_space<vmem>>) dst(%dma_wait3A_218 : memref<10112xf32, #tpu.memory_space<vmem_shared>>)
    %barrier3A_219 = arith.constant 0 : index
    tpu.barrier barrier_id(%barrier3A_219)
    "tpu.region"() ({
      %run_scoped3A_225 = tpu.sem_alloc : memref<!tpu.dma_semaphore, #tpu.memory_space<semaphore_mem>>
      %dma_start3A_226 = arith.constant 0 : i32
      %dma_start3A_227 = tpu.memref_slice %arg12[%arg0, %mul3A_2, %dma_start3A_226] : memref<2x10112x16xf32, #tpu.memory_space<hbm>> -> memref<1x632x16xf32, #tpu.memory_space<hbm>>
      %dma_start3A_228 = tpu.memref_squeeze %dma_start3A_227 : memref<1x632x16xf32, #tpu.memory_space<hbm>> -> memref<632x16xf32, #tpu.memory_space<hbm>>
      %dma_start3A_229 = arith.constant 0 : i32
      %dma_start3A_230 = tpu.memref_slice %arg21[%mul3A_2, %dma_start3A_229] : memref<10112x16xf32, #tpu.memory_space<vmem_shared>> -> memref<632x16xf32, #tpu.memory_space<vmem_shared>>
      tpu.enqueue_dma source(%dma_start3A_230 : memref<632x16xf32, #tpu.memory_space<vmem_shared>>) target(%dma_start3A_228 : memref<632x16xf32, #tpu.memory_space<hbm>>) target_semaphore(%run_scoped3A_225 : memref<!tpu.dma_semaphore, #tpu.memory_space<semaphore_mem>>)
      %dma_wait3A_231 = arith.constant 0 : i32
      %dma_wait3A_232 = tpu.memref_slice %arg12[%arg0, %mul3A_2, %dma_wait3A_231] : memref<2x10112x16xf32, #tpu.memory_space<hbm>> -> memref<1x632x16xf32, #tpu.memory_space<hbm>>
      %dma_wait3A_233 = tpu.memref_squeeze %dma_wait3A_232 : memref<1x632x16xf32, #tpu.memory_space<hbm>> -> memref<632x16xf32, #tpu.memory_space<hbm>>
      %dma_wait3A_234 = arith.constant 0 : i32
      %dma_wait3A_235 = tpu.memref_slice %arg21[%mul3A_2, %dma_wait3A_234] : memref<10112x16xf32, #tpu.memory_space<vmem_shared>> -> memref<632x16xf32, #tpu.memory_space<vmem_shared>>
      tpu.wait_dma2 semaphore(%run_scoped3A_225 : memref<!tpu.dma_semaphore, #tpu.memory_space<semaphore_mem>>) src(%dma_wait3A_235 : memref<632x16xf32, #tpu.memory_space<vmem_shared>>) dst(%dma_wait3A_233 : memref<632x16xf32, #tpu.memory_space<hbm>>)
      tpu.yield
    }) : () -> ()
    %mul3A_220 = arith.constant 10112 : i32
    %mul3A_221 = arith.muli %arg0, %mul3A_220 : i32
    %mul3A_222 = arith.constant 632 : i32
    %mul3A_223 = arith.muli %arg1, %mul3A_222 : i32
    %add3A_224 = arith.addi %mul3A_221, %mul3A_223 : i32
    "tpu.region"() ({
      %run_scoped3A_225 = tpu.sem_alloc : memref<!tpu.dma_semaphore, #tpu.memory_space<semaphore_mem>>
      %dma_start3A_226 = tpu.memref_slice %arg13[%add3A_224] : memref<20224xf32, #tpu.memory_space<hbm>> -> memref<632xf32, #tpu.memory_space<hbm>>
      %dma_start3A_227 = tpu.memref_slice %arg22[%mul3A_2] : memref<10112xf32, #tpu.memory_space<vmem_shared>> -> memref<632xf32, #tpu.memory_space<vmem_shared>>
      tpu.enqueue_dma source(%dma_start3A_227 : memref<632xf32, #tpu.memory_space<vmem_shared>>) target(%dma_start3A_226 : memref<632xf32, #tpu.memory_space<hbm>>) target_semaphore(%run_scoped3A_225 : memref<!tpu.dma_semaphore, #tpu.memory_space<semaphore_mem>>)
      %dma_wait3A_228 = tpu.memref_slice %arg13[%add3A_224] : memref<20224xf32, #tpu.memory_space<hbm>> -> memref<632xf32, #tpu.memory_space<hbm>>
      %dma_wait3A_229 = tpu.memref_slice %arg22[%mul3A_2] : memref<10112xf32, #tpu.memory_space<vmem_shared>> -> memref<632xf32, #tpu.memory_space<vmem_shared>>
      tpu.wait_dma2 semaphore(%run_scoped3A_225 : memref<!tpu.dma_semaphore, #tpu.memory_space<semaphore_mem>>) src(%dma_wait3A_229 : memref<632xf32, #tpu.memory_space<vmem_shared>>) dst(%dma_wait3A_228 : memref<632xf32, #tpu.memory_space<hbm>>)
      tpu.yield
    }) : () -> ()
    return
  }
}

module attributes {stable_mosaic.version = 14 : i64} {
  func.func @_tc1(%arg0: memref<10000x128xf32, #tpu.memory_space<vmem>>, %arg1: memref<128x16xf32, #tpu.memory_space<vmem>>, %arg2: memref<16x2xf32, #tpu.memory_space<vmem>>, %arg3: memref<2x40xf32, #tpu.memory_space<vmem>>, %arg4: memref<16x40xf32, #tpu.memory_space<vmem>>, %arg5: memref<10112x16xf32, #tpu.memory_space<vmem>>, %arg6: memref<10112x2xf32, #tpu.memory_space<vmem>>, %arg7: memref<2x16xf32, #tpu.memory_space<vmem>>) attributes {dimension_semantics = [], scalar_prefetch = 0 : i64, scratch_operands = 0 : i64, tpu.core_type = #tpu.core_type<tc>} {
    %get3A = arith.constant 0 : index
    %get3A_0 = arith.constant 0 : index
    %get3A_1 = vector.load %arg0[%get3A, %get3A_0] : memref<10000x128xf32, #tpu.memory_space<vmem>>, vector<10000x128xf32>
    %get3A_2 = arith.constant 0 : index
    %get3A_3 = arith.constant 0 : index
    %get3A_4 = vector.load %arg1[%get3A_2, %get3A_3] : memref<128x16xf32, #tpu.memory_space<vmem>>, vector<128x16xf32>
    %dot_general3A = arith.constant dense<0.000000e+00> : vector<10000x16xf32>
    %dot_general3A_5 = tpu.matmul %get3A_1, %get3A_4, %dot_general3A {dimension_numbers = #tpu.dot_dimension_numbers<[1], [0], [0], [1], [0, 0, 1, 1], [], []>, transpose_lhs_hint = false} : vector<10000x128xf32>, vector<128x16xf32>, vector<10000x16xf32> -> vector<10000x16xf32>
    %swap3A = arith.constant 0 : index
    %swap3A_6 = arith.constant 0 : index
    %swap3A_7 = vector.load %arg5[%swap3A, %swap3A_6] : memref<10112x16xf32, #tpu.memory_space<vmem>>, vector<10000x16xf32>
    tpu.vector_store %arg5[%swap3A, %swap3A_6], %dot_general3A_5 {strides = array<i32>} : memref<10112x16xf32, #tpu.memory_space<vmem>>, vector<10000x16xf32>,
    %broadcast_in_dim3A = arith.constant 0.000000e+00 : f32
    %broadcast_in_dim3A_8 = vector.broadcast %broadcast_in_dim3A : f32 to vector<112x16xf32>
    %swap3A_9 = arith.constant 10000 : index
    %swap3A_10 = arith.constant 0 : index
    %swap3A_11 = vector.load %arg5[%swap3A_9, %swap3A_10] : memref<10112x16xf32, #tpu.memory_space<vmem>>, vector<112x16xf32>
    tpu.vector_store %arg5[%swap3A_9, %swap3A_10], %broadcast_in_dim3A_8 {strides = array<i32>} : memref<10112x16xf32, #tpu.memory_space<vmem>>, vector<112x16xf32>,
    %get3A_12 = arith.constant 0 : index
    %get3A_13 = arith.constant 0 : index
    %get3A_14 = vector.load %arg2[%get3A_12, %get3A_13] : memref<16x2xf32, #tpu.memory_space<vmem>>, vector<16x2xf32>
    %dot_general3A_15 = arith.constant dense<0.000000e+00> : vector<10000x2xf32>
    %dot_general3A_16 = tpu.matmul %dot_general3A_5, %get3A_14, %dot_general3A_15 {dimension_numbers = #tpu.dot_dimension_numbers<[1], [0], [0], [1], [0, 0, 1, 1], [], []>, transpose_lhs_hint = false} : vector<10000x16xf32>, vector<16x2xf32>, vector<10000x2xf32> -> vector<10000x2xf32>
    %swap3A_17 = arith.constant 0 : index
    %swap3A_18 = arith.constant 0 : index
    %swap3A_19 = vector.load %arg6[%swap3A_17, %swap3A_18] : memref<10112x2xf32, #tpu.memory_space<vmem>>, vector<10000x2xf32>
    tpu.vector_store %arg6[%swap3A_17, %swap3A_18], %dot_general3A_16 {strides = array<i32>} : memref<10112x2xf32, #tpu.memory_space<vmem>>, vector<10000x2xf32>,
    %broadcast_in_dim3A_20 = arith.constant 0.000000e+00 : f32
    %broadcast_in_dim3A_21 = vector.broadcast %broadcast_in_dim3A_20 : f32 to vector<112x2xf32>
    %swap3A_22 = arith.constant 10000 : index
    %swap3A_23 = arith.constant 0 : index
    %swap3A_24 = vector.load %arg6[%swap3A_22, %swap3A_23] : memref<10112x2xf32, #tpu.memory_space<vmem>>, vector<112x2xf32>
    tpu.vector_store %arg6[%swap3A_22, %swap3A_23], %broadcast_in_dim3A_21 {strides = array<i32>} : memref<10112x2xf32, #tpu.memory_space<vmem>>, vector<112x2xf32>,
    %get3A_25 = arith.constant 0 : index
    %get3A_26 = arith.constant 0 : index
    %get3A_27 = vector.load %arg3[%get3A_25, %get3A_26] : memref<2x40xf32, #tpu.memory_space<vmem>>, vector<2x40xf32>
    %get3A_28 = arith.constant 0 : index
    %get3A_29 = arith.constant 0 : index
    %get3A_30 = vector.load %arg4[%get3A_28, %get3A_29] : memref<16x40xf32, #tpu.memory_space<vmem>>, vector<16x40xf32>
    %dot_general3A_31 = arith.constant dense<0.000000e+00> : vector<2x16xf32>
    %dot_general3A_32 = tpu.matmul %get3A_27, %get3A_30, %dot_general3A_31 {dimension_numbers = #tpu.dot_dimension_numbers<[1], [1], [0], [0], [0, 0, 1, 0], [], []>, transpose_lhs_hint = false} : vector<2x40xf32>, vector<16x40xf32>, vector<2x16xf32> -> vector<2x16xf32>
    %swap3A_33 = arith.constant 0 : index
    %swap3A_34 = arith.constant 0 : index
    %swap3A_35 = vector.load %arg7[%swap3A_33, %swap3A_34] : memref<2x16xf32, #tpu.memory_space<vmem>>, vector<2x16xf32>
    tpu.vector_store %arg7[%swap3A_33, %swap3A_34], %dot_general3A_32 {strides = array<i32>} : memref<2x16xf32, #tpu.memory_space<vmem>>, vector<2x16xf32>,
    return
  }
}

module attributes {stable_mosaic.version = 14 : i64} {
  func.func @_tc3(%arg0: memref<2x10112x16xf32, #tpu.memory_space<vmem>>, %arg1: memref<2x10112x1xf32, #tpu.memory_space<vmem>>, %arg2: memref<16x40xf32, #tpu.memory_space<vmem>>, %arg3: memref<1x40xf32, #tpu.memory_space<vmem>>, %arg4: memref<10000x40xf32, #tpu.memory_space<vmem>>) attributes {dimension_semantics = [], scalar_prefetch = 0 : i64, scratch_operands = 0 : i64, tpu.core_type = #tpu.core_type<tc>} {
    %get3A = arith.constant 0 : index
    %get3A_0 = arith.constant 0 : index
    %get3A_1 = arith.constant 0 : index
    %get3A_2 = vector.load %arg0[%get3A, %get3A_0, %get3A_1] : memref<2x10112x16xf32, #tpu.memory_space<vmem>>, vector<1x10112x16xf32>
    %get3A_3 = vector.shape_cast %get3A_2 : vector<1x10112x16xf32> to vector<10112x16xf32>
    %get3A_4 = arith.constant 1 : index
    %get3A_5 = arith.constant 0 : index
    %get3A_6 = arith.constant 0 : index
    %get3A_7 = vector.load %arg0[%get3A_4, %get3A_5, %get3A_6] : memref<2x10112x16xf32, #tpu.memory_space<vmem>>, vector<1x10112x16xf32>
    %get3A_8 = vector.shape_cast %get3A_7 : vector<1x10112x16xf32> to vector<10112x16xf32>
    %add3A = arith.addf %get3A_3, %get3A_8 : vector<10112x16xf32>
    %get3A_9 = arith.constant 0 : index
    %get3A_10 = arith.constant 0 : index
    %get3A_11 = arith.constant 0 : index
    %get3A_12 = vector.load %arg1[%get3A_9, %get3A_10, %get3A_11] : memref<2x10112x1xf32, #tpu.memory_space<vmem>>, vector<1x10112x1xf32>
    %get3A_13 = vector.shape_cast %get3A_12 : vector<1x10112x1xf32> to vector<10112x1xf32>
    %get3A_14 = arith.constant 1 : index
    %get3A_15 = arith.constant 0 : index
    %get3A_16 = arith.constant 0 : index
    %get3A_17 = vector.load %arg1[%get3A_14, %get3A_15, %get3A_16] : memref<2x10112x1xf32, #tpu.memory_space<vmem>>, vector<1x10112x1xf32>
    %get3A_18 = vector.shape_cast %get3A_17 : vector<1x10112x1xf32> to vector<10112x1xf32>
    %add3A_19 = arith.addf %get3A_13, %get3A_18 : vector<10112x1xf32>
    %eq3A = arith.constant 0.000000e+00 : f32
    %eq3A_20 = vector.broadcast %eq3A : f32 to vector<10112x1xf32>
    %eq3A_21 = arith.cmpf oeq, %add3A_19, %eq3A_20 : vector<10112x1xf32>
    %jit3A = arith.constant 1.000000e+00 : f32
    %broadcast_in_dim3A = vector.broadcast %jit3A : f32 to vector<10112x1xf32>
    %select_n3A = arith.select %eq3A_21, %broadcast_in_dim3A, %add3A_19 : vector<10112x1xi1>, vector<10112x1xf32>
    %div3A = vector.broadcast %select_n3A : vector<10112x1xf32> to vector<10112x16xf32>
    %div3A_22 = arith.divf %add3A, %div3A : vector<10112x16xf32>
    %slice3A = vector.extract_strided_slice %div3A_22 {offsets = [0, 0], sizes = [10000, 16], strides = [1, 1]} : vector<10112x16xf32> to vector<10000x16xf32>
    %get3A_23 = arith.constant 0 : index
    %get3A_24 = arith.constant 0 : index
    %get3A_25 = vector.load %arg2[%get3A_23, %get3A_24] : memref<16x40xf32, #tpu.memory_space<vmem>>, vector<16x40xf32>
    %dot_general3A = arith.constant dense<0.000000e+00> : vector<10000x40xf32>
    %dot_general3A_26 = tpu.matmul %slice3A, %get3A_25, %dot_general3A {dimension_numbers = #tpu.dot_dimension_numbers<[1], [0], [0], [1], [0, 0, 1, 1], [], []>, transpose_lhs_hint = false} : vector<10000x16xf32>, vector<16x40xf32>, vector<10000x40xf32> -> vector<10000x40xf32>
    %get3A_27 = arith.constant 0 : index
    %get3A_28 = arith.constant 0 : index
    %get3A_29 = vector.load %arg3[%get3A_27, %get3A_28] : memref<1x40xf32, #tpu.memory_space<vmem>>, vector<1x40xf32>
    %add3A_30 = vector.broadcast %get3A_29 : vector<1x40xf32> to vector<10000x40xf32>
    %add3A_31 = arith.addf %dot_general3A_26, %add3A_30 : vector<10000x40xf32>
    %reduce_max3A = arith.constant dense<0xFF800000> : vector<10000xf32>
    %reduce_max3A_32 = vector.multi_reduction <maximumf>, %add3A_31, %reduce_max3A [1] : vector<10000x40xf32> to vector<10000xf32>
    %broadcast_in_dim3A_33 = vector.shape_cast %reduce_max3A_32 : vector<10000xf32> to vector<10000x1xf32>
    %sub3A = vector.broadcast %broadcast_in_dim3A_33 : vector<10000x1xf32> to vector<10000x40xf32>
    %sub3A_34 = arith.subf %add3A_31, %sub3A : vector<10000x40xf32>
    %exp3A = math.exp %sub3A_34 : vector<10000x40xf32>
    %reduce_sum3A = arith.constant dense<0.000000e+00> : vector<10000xf32>
    %reduce_sum3A_35 = vector.multi_reduction <add>, %exp3A, %reduce_sum3A [1] : vector<10000x40xf32> to vector<10000xf32>
    %broadcast_in_dim3A_36 = vector.shape_cast %reduce_sum3A_35 : vector<10000xf32> to vector<10000x1xf32>
    %log3A = math.log %broadcast_in_dim3A_36 : vector<10000x1xf32>
    %sub3A_37 = vector.broadcast %broadcast_in_dim3A_33 : vector<10000x1xf32> to vector<10000x40xf32>
    %sub3A_38 = arith.subf %add3A_31, %sub3A_37 : vector<10000x40xf32>
    %sub3A_39 = vector.broadcast %log3A : vector<10000x1xf32> to vector<10000x40xf32>
    %sub3A_40 = arith.subf %sub3A_38, %sub3A_39 : vector<10000x40xf32>
    %swap3A = arith.constant 0 : index
    %swap3A_41 = arith.constant 0 : index
    %swap3A_42 = vector.load %arg4[%swap3A, %swap3A_41] : memref<10000x40xf32, #tpu.memory_space<vmem>>, vector<10000x40xf32>
    tpu.vector_store %arg4[%swap3A, %swap3A_41], %sub3A_40 {strides = array<i32>} : memref<10000x40xf32, #tpu.memory_space<vmem>>, vector<10000x40xf32>,
    return
  }
}

</mosaic_0001>

<sc_bundles>
// kernel: kernel.5.cloned.1.call-start
scs
__scs_entry_jumppad:
0x0: {  	(pc) =	sbr.rel $0x88, $3  }
0x1: {  	(tag) =	ssettag $0x0;
	lr =	simm.s32 $0x1  }
0x2: {  	[smem:$0x3F97] =	sst lr;
	_ =	strace $0xD0000000  }
0x3: {  	_ = 	snop  }
0x4: {  	_ = 	snop  }
0x5: {  	_ = 	snop  }
0x6: {  	_ = 	snop  }
0x7: {  	_ = 	snop  }
__scs_overlays_trampoline_lowered:
0x8: {  	[smem:$0x3FA6] =	sst s0  }
0x9: {  	[smem:$0x3FA7] =	sst s1  }
0xa: {  	[smem:$0x3FA8] =	sst s2  }
0xb: {  	[smem:$0x3FA9] =	sst s3  }
0xc: {  	[smem:$0x3FAA] =	sst s4  }
0xd: {  	[smem:$0x3FAB] =	sst s5  }
0xe: {  	[smem:$0x3FAC] =	sst s6  }
0xf: {  	[smem:$0x3FAD] =	sst s7  }
0x10: {  	[smem:$0x3FAE] =	sst s8  }
0x11: {  	[smem:$0x3FAF] =	sst s9;
	s0 =	simm.s32 @!p0 $0x0  }
0x12: {  	s1 =	sld [smem:$0x3F95];
	s0 =	simm.s32 @p0 $0x1  }
0x13: {  	[smem:$0x3FB0] =	sst s0;
	s0 =	simm.s32 @!p1 $0x0  }
0x14: {  	s2 =	sld [smem:$0x3F94];
	s0 =	simm.s32 @p1 $0x1  }
0x15: {  	[smem:$0x3FB1] =	sst s0;
	s0 =	simm.s32 @!p2 $0x0  }
0x16: {  	s3 =	sld [smem:$0x3FDB];
	s0 =	simm.s32 @p2 $0x1  }
0x17: {  	s4 =	simm.s32 $0x1BF5;
	[smem:$0x3FB3] =	sst s0  }
0x18: {  	s0 =	sld [smem:$0x3F96];
	_ =	swait.ge [sflag:s4], $0x0  }
0x19: {  	s7 =	sld [smem:$0x3F97]  }
0x1a: {  	s8 =	sadd.s32 $0xFFFFE003, lr  }
0x1b: {  	s9 =	sadd.s32 $0xFFFFFEF7, lr;
	s5 =	simm.s32 $0xFFFFFFFF;
	p2 =	slt.u32 s8, $0xFFFFF086  }
0x1c: {  	p1 =	slt.u32 s9, $0xF7A;
	s5 =	simm.s32 @!p2 $0x0  }
0x1d: {  	s5 =	simm.s32 @p1 $0x1;
	p0 =	seq.s32 s7, s2  }
0x1e: {  	s7 =	smul.u32 @!p0 $0xF7A, s2;
	p2 =	seq.s32 @!p0 s5, $0x0  }
0x1f: {  	s9 =	smul.u32 $0xF7A, s1;
	s8 =	simm.s32 @!p0 $0x1BF5;
	p2 =	por !p2, p0  }
0x20: {  	[sflag:s8] =	ssyncset.s32 @!p0 $0xFFFFF086;
	s6 =	sadd.s32 @!p0 s3, s7;
	s7 =	simm.s32 @!p0 $0x108  }
0x21: {  	s3 =	sadd.s32 s3, s9;
	s6 =	sadd.s32 @!p0 $0x88, s6;
	s7 =	simm.s32 @p2 $0x1082  }
0x22: {  	[simem:s7], [sflag:s8] =	dma.local @!p0 [hbm:s6], $0xF7A  }
0x23: {  	s9 =	sor.u32 $0xD0000000, s2;
	s6 =	simm.s32 $0x108;
	_ =	swait.ge @!p0 [sflag:s8], $0x0  }
0x24: {  	s3 =	sadd.s32 $0x88, s3;
	s6 =	simm.s32 @!p1 $0x1082;
	[sflag:s4] =	ssyncset.s32 $0xFFFFF086  }
0x25: {  	[simem:s6], [sflag:s4] =	dma.local [hbm:s3], $0xF7A  }
0x26: {  	[smem:$0x3F97] =	sst s1;
	(tag) =	ssettag s2;
	_ =	strace s9  }
0x27: {  	s1 =	sld [smem:$0x3FA7]  }
0x28: {  	s2 =	sld [smem:$0x3FA8]  }
0x29: {  	s4 =	sld [smem:$0x3FAA]  }
0x2a: {  	p0 =	seq.s32 s5, $0x0;
	s5 =	sld [smem:$0x3FAB]  }
0x2b: {  	s6 =	sld [smem:$0x3FAC]  }
0x2c: {  	s7 =	sld [smem:$0x3FAD]  }
0x2d: {  	s3 =	simm.s32 $0x108;
	s8 =	sld [smem:$0x3FAE]  }
0x2e: {  	s3 =	simm.s32 @!p0 $0x1082;
	s9 =	sld [smem:$0x3FAF]  }
0x2f: {  	lr =	sadd.s32 s0, s3;
	s0 =	sld [smem:$0x3FA6]  }
0x30: {  	s3 =	sld [smem:$0x3FA9]  }
0x31: {  	[smem:$0x3FB2] =	sst s10  }
0x32: {  	s10 =	sld [smem:$0x3FB0];
	_ =	sdelay $0x3  }
0x33: {  	p0 =	seq.s32 s10, $0x1;
	s10 =	sld [smem:$0x3FB2];
	_ =	sdelay $0x3  }
0x34: {  	[smem:$0x3FB2] =	sst s10  }
0x35: {  	s10 =	sld [smem:$0x3FB1];
	_ =	sdelay $0x3  }
0x36: {  	p1 =	seq.s32 s10, $0x1;
	s10 =	sld [smem:$0x3FB2];
	_ =	sdelay $0x3  }
0x37: {  	[smem:$0x3FB2] =	sst s10  }
0x38: {  	s10 =	sld [smem:$0x3FB3]  }
0x39: {  	_ = 	snop;
	(pc) =	sbr.ind lr, $3  }
0x3a: {  	_ = 	snop  }
0x3b: {  	_ = 	snop  }
0x3c: {  	p2 =	seq.s32 s10, $0x1;
	s10 =	sld [smem:$0x3FB2]  }
0x3d: {  	_ =	shalt  }
0x3e: {  	_ =	shalt  }
0x3f: {  	_ =	shalt  }
0x40: {  	_ =	shalt  }
0x41: {  	_ =	shalt  }
0x42: {  	_ =	shalt  }
0x43: {  	_ =	shalt  }
0x44: {  	_ =	shalt  }
0x45: {  	_ =	shalt  }
0x46: {  	_ =	shalt  }
0x47: {  	_ =	shalt  }
0x48: {  	_ =	shalt  }
0x49: {  	_ =	shalt  }
0x4a: {  	_ =	shalt  }
0x4b: {  	_ =	shalt  }
0x4c: {  	_ =	shalt  }
0x4d: {  	_ =	shalt  }
0x4e: {  	_ =	shalt  }
0x4f: {  	_ =	shalt  }
0x50: {  	_ =	shalt  }
0x51: {  	_ =	shalt  }
0x52: {  	_ =	shalt  }
0x53: {  	_ =	shalt  }
0x54: {  	_ =	shalt  }
0x55: {  	_ =	shalt  }
0x56: {  	_ =	shalt  }
0x57: {  	_ =	shalt  }
0x58: {  	_ =	shalt  }
0x59: {  	_ =	shalt  }
0x5a: {  	_ =	shalt  }
0x5b: {  	_ =	shalt  }
0x5c: {  	_ =	shalt  }
0x5d: {  	_ =	shalt  }
0x5e: {  	_ =	shalt  }
0x5f: {  	_ =	shalt  }
0x60: {  	_ =	shalt  }
0x61: {  	_ =	shalt  }
0x62: {  	_ =	shalt  }
0x63: {  	_ =	shalt  }
0x64: {  	_ =	shalt  }
0x65: {  	_ =	shalt  }
0x66: {  	_ =	shalt  }
0x67: {  	_ =	shalt  }
0x68: {  	_ =	shalt  }
0x69: {  	_ =	shalt  }
0x6a: {  	_ =	shalt  }
0x6b: {  	_ =	shalt  }
0x6c: {  	_ =	shalt  }
0x6d: {  	_ =	shalt  }
0x6e: {  	_ =	shalt  }
0x6f: {  	_ =	shalt  }
0x70: {  	_ =	shalt  }
0x71: {  	_ =	shalt  }
0x72: {  	_ =	shalt  }
0x73: {  	_ =	shalt  }
0x74: {  	_ =	shalt  }
0x75: {  	_ =	shalt  }
0x76: {  	_ =	shalt  }
0x77: {  	_ =	shalt  }
0x78: {  	_ =	shalt  }
0x79: {  	_ =	shalt  }
0x7a: {  	_ =	shalt  }
0x7b: {  	_ =	shalt  }
0x7c: {  	_ =	shalt  }
0x7d: {  	_ =	shalt  }
0x7e: {  	_ =	shalt  }
0x7f: {  	_ =	shalt  }
0x80: {  	_ =	shalt  }
0x81: {  	_ =	shalt  }
0x82: {  	_ =	shalt  }
0x83: {  	_ =	shalt  }
0x84: {  	_ =	shalt  }
0x85: {  	_ =	shalt  }
0x86: {  	_ =	shalt  }
0x87: {  	_ =	shalt  }
.Lfunc_end0:
.L_simem_size_0:
called_computation_lowered:
.L_overlay_start_0:
0x88: {  	s2 =	sld [smem:$0x3FD9]  }
0x89: {  	s3 =	sld [smem:$0x3FFE];
	_ =	sdelay $0x1  }
0x8a: {  	s1 =	srdreg.scid  }
0x8b: {  	s0 =	sand.u32 $0x1, s1  }
0x8c: {  	s17 =	sshll.u32 s0, $0xA;
	s2 =	sadd.s32 s3, s2  }
0x8d: {  	s2 =	sadd.s32 s2, s17  }
0x8e: {  	[smem:$0x3FBE] =	sst s2  }
0x8f: {  	_ = 	snop  }
0x90: {  	s2 =	sld [smem:$0x3FC4]  }
0x91: {  	s18 =	sld [smem:$0x3FD0];
	(tm) =	ssettm $0x1  }
0x92: {  	s4 =	sld [smem:$0x3FFB];
	_ =	sdelay $0x3  }
0x93: {  	_ =	strace s4  }
0x94: {  	s4 =	sld [smem:$0x3FFC];
	_ =	sdelay $0x3  }
0x95: {  	_ =	strace s4  }
0x96: {  	s4 =	sld [smem:$0x3FFD];
	_ =	sdelay $0x3  }
0x97: {  	_ =	strace s4  }
0x98: {  	_ =	strace $0x8FFFFFFF  }
0x99: {  	s19 =	sld [smem:$0x3FDB];
	_ =	sdelay $0x1  }
0x9a: {  	s5 =	simm.s32 $_scs_section_size  }
0x9b: {  	s6 =	simm.s32 $_size__tile_overlayer_lowered;
	s7 =	simm.s32 $_tile_overlayer_lowered  }
0x9c: {  	s22 =	simm.s32 $0x1BFF;
	s21 =	sshll.u32 s7, $0x1;
	s4 =	sadd.s32 s5, s19  }
0x9d: {  	s8 =	simm.s32 $0x0;
	s20 =	sshll.u32 s6, $0x1;
	s6 =	sadd.s32 s21, s4  }
0x9e: {  	[timem:s8], [sflag:s22] =	dma.local [hbm:s6], s20  }
0x9f: {  	_ =	swait.ge [sflag:s22], s20  }
0xa0: {  	s5 =	ssub.s32 $0x0, s20;
	[sflag:s22] =	ssyncset.done $0x0  }
0xa1: {  	[sflag:s22] =	ssyncadd.s32 s5;
	_ =	sdelay $0x1  }
0xa2: {  	s23 =	simm.s32 $0x1B8B  }
0xa3: {  	_ =	swait.ge [sflag:s23], $0x1  }
0xa4: {  	[sflag:s23] =	ssyncset.done $0x0  }
0xa5: {  	s25 =	simm.s32 $0x1B8E;
	s24 =	sld [smem:$0x3FFE];
	[sflag:s23] =	ssyncadd.s32 $0xFFFFFFFF  }
0xa6: {  	s26 =	simm.s32 $execute0_lowered;
	[smem:$0x3FD2] =	sst s25  }
0xa7: {  	s6 =	sshll.u32 s26, $0x1;
	_ =	strace $0x80000046;
	[dreg:$0x1] =	wrdreg $0xFFFFFFFF  }
0xa8: {  	s28 =	simm.s32 $_size_execute0_lowered;
	s4 =	sadd.s32 s4, s6;
	[dreg:$0x0] =	wrdreg $0x0  }
0xa9: {  	s6 =	sshll.u32 s28, $0x1;
	[dreg:$0x2] =	wrdreg s4  }
0xaa: {  	[dreg:$0x3] =	wrdreg s6  }
0xab: {  	[dreg:$0x4] =	wrdreg $0xC0  }
0xac: {  	_ =	task [dreg:s8], $0x5FFFF  }
0xad: {  	[dreg:$0x1] =	wrdreg $0xFFFFFFFF  }
0xae: {  	[dreg:$0x0] =	wrdreg $0x60  }
0xaf: {  	[dreg:$0x2] =	wrdreg s18  }
0xb0: {  	[dreg:$0x3] =	wrdreg s24  }
0xb1: {  	[dreg:$0x4] =	wrdreg s2  }
0xb2: {  	[dreg:$0x5] =	wrdreg $0xF0900  }
0xb3: {  	[dreg:$0x6] =	wrdreg $0x118100  }
0xb4: {  	[dreg:$0x7] =	wrdreg $0x1BDA80  }
0xb5: {  	[dreg:$0x8] =	wrdreg $0x9  }
0xb6: {  	_ =	task.clear_ibuf [dreg:s8], $0x9FFFF;
	_ =	strace $0x90000046  }
0xb7: {  	s29 =	simm.s32 $0x9;
	_ =	strace $0x80000049  }
0xb8: {  	_ =	swait.ge [sflag:s29], $0x1  }
0xb9: {  	[sflag:s29] =	ssyncadd.s32 $0xFFFFFFFF  }
0xba: {  	_ =	strace $0x90000049  }
0xbb: {  	_ =	sfence  }
0xbc: {  	s30 =	sld [smem:$0x0];
	_ =	sdelay $0x2  }
0xbd: {  	s31 =	sshll.u32 s1, $0xD;
	s1 =	sshrl.u32 s1, $0x2  }
0xbe: {  	s3 =	sand.u32 $0x4000, s31;
	s1 =	sadd.s32 s1, s30  }
0xbf: {  	s0 =	sor.u32 s3, s0;
	s1 =	sshll.u32 s1, $0x11  }
0xc0: {  	s0 =	sor.u32 s1, s0  }
0xc1: {  	s0 =	sadd.s32 $0x8F2B, s0  }
0xc2: {  	[sflag:s0] =	ssyncadd.remote.s32 $0x1  }
0xc3: {  	_ =	sfence.sel $0xFFFF  }
0xc4: {  	[dreg:$0x0] =	wrdreg $0xFFFFFFFF;
	(pc) =	sbr.abs _section_cstart, $3  }
0xc5: {  	[dreg:$0x1] =	wrdreg $0xFFFFFFFF  }
0xc6: {  	_ =	task.clear_ibuf [dreg:s8], $0x2FFFF;
	_ =	strace $0x9FFFFFFF  }
0xc7: {  	(tm) =	ssettm $0x7FFFFFFF  }
tec
execute0_lowered:
.L_overlay_start_1:
0x0: {  	(tag) =	ssettag $0x1  }
0x1: {  	s0 =	rddreg [dreg:$0x0]  }
0x2: {  	s1 =	rddreg [dreg:$0x1]  }
0x3: {  	s2 =	rddreg [dreg:$0x3]  }
0x4: {  	s3 =	srdreg.scid;
	s4 =	rddreg [dreg:$0x4]  }
0x5: {  	s20 =	stileid.u32;
	s22 =	rddreg [dreg:$0x5]  }
0x6: {  	s30 =	simm.s32 $0xC890;
	s5 =	sand.u32 $0x1, s3;
	s10 =	smul.u32 $0x2780, s20  }
0x7: {  	s6 =	sshll.u32 s20, $0x1;
	s8 =	sadd.s32 $0xE00, s1;
	s9 =	smul.u32 $0x278, s20  }
0x8: {  	s11 =	sadd.s32 $0x1800, s1;
	s12 =	sadd.s32 $0x10C00, s1;
	s16 =	sadd.s32 $0x11400, s1  }
0x9: {  	s17 =	sadd.s32 $0x1B200, s1;
	s23 =	sand.u32 $0x3, s3;
	s13 =	smul.u32 $0x27800, s5  }
0xa: {  	s7 =	sor.u32 s5, s6;
	s6 =	simm.s32 $0x0;
	s15 =	smul.u32 $0x2780, s5  }
0xb: {  	s5 =	ssub.s32 $0x2, s5;
	s7 =	smul.u32 $0x510, s7;
	[smem:$0x7FF] =	sst s6  }
0xc: {  	s26 =	sshrl.u32 s5, $0x1;
	_ =	strace $0x80000047;
	[dreg:$0x7] =	wrdreg s8  }
0xd: {  	s28 =	sshrl.u32 s9, $0x3;
	s8 =	sadd.s32 $0x1A00, s1;
	[dreg:$0x8] =	wrdreg s11  }
0xe: {  	s11 =	sadd.s32 $0x10E00, s1;
	s13 =	sadd.s32 s10, s13;
	s15 =	sadd.s32 s9, s15  }
0xf: {  	s5 =	ssub.s32 s5, s26;
	s14 =	sadd.s32 s7, s1;
	s18 =	sshrl.u32 s13, $0x3  }
0x10: {  	s15 =	sshrl.u32 s15, $0x3;
	s13 =	sadd.s32 $0x1BC00, s1;
	s0 =	sadd.s32 s0, s7  }
0x11: {  	s7 =	sadd.s32 s10, s2;
	s10 =	sshrl.u32 s10, $0x3;
	[dreg:$0x9] =	wrdreg s0  }
0x12: {  	s19 =	sadd.s32 s18, s1;
	s29 =	sadd.s32 $0x6A00, s14;
	[dreg:$0xc] =	wrdreg s7  }
0x13: {  	s21 =	sadd.s32 s15, s1;
	s31 =	sadd.s32 s17, s15;
	[dreg:$0xa] =	wrdreg s29  }
0x14: {  	s17 =	sadd.s32 s17, s28;
	s15 =	sadd.s32 s16, s18;
	[dreg:$0xb] =	wrdreg s31  }
0x15: {  	s14 =	smul.u32 $0x4F0, s20;
	s0 =	sadd.s32 s13, s10;
	[dreg:$0xd] =	wrdreg s15  }
0x16: {  	s20 =	sadd.s32 s16, s10;
	s18 =	sshrl.u32 s3, $0x2;
	[dreg:$0xe] =	wrdreg s0  }
0x17: {  	s28 =	smax.u32 s5, $0x1;
	s5 =	simm.s32 $0x5100;
	[dreg:$0xf] =	wrdreg s18  }
0x18: {  	s10 =	simm.s32 $0x1;
	s25 =	sadd.s32 $0x20C00, s19;
	[dreg:$0x14] =	wrdreg s28  }
0x19: {  	s7 =	simm.s32 $0x2;
	s26 =	sadd.s32 $0x2AA00, s21;
	[dreg:$0x12] =	wrdreg s25  }
0x1a: {  	s16 =	simm.s32 $0x0;
	s29 =	sadd.s32 s9, s4;
	[dreg:$0x13] =	wrdreg s26  }
0x1b: {  	s0 =	sxor.u32 $0x5, s23;
	s31 =	sadd.s32 $0x4F00, s20;
	[dreg:$0x16] =	wrdreg s29  }
0x1c: {  	v1 =	vlaneseq.u32;
	s3 =	sadd.s32 $0x4F0, s17;
	s24 =	sadd.s32 s14, s22;
	[dreg:$0x17] =	wrdreg s31  }
0x1d: {  	v0 =	vmul.u32 $0x2, v1;
	s15 =	simm.s32 $0x195F8;
	s1 =	sadd.s32 $0x5100, s14;
	[dreg:$0x10] =	wrdreg s24  }
0x1e: {  	s0 =	sshll.u32 s0, $0xE;
	s14 =	simm.s32 $0x3;
	[dreg:$0x11] =	wrdreg s1  }
0x1f: {  	v1 =	vmul.u32 $0x10, v1;
	v2 =	vor.u32 $0x1, v0;
	[dreg:$0x15] =	wrdreg s0;
	s1 =	simm.s32 $0x4;
	s0 =	simm.s32 $0x80  }
.LBB2_1:
0x20: {  	s18 =	rddreg [dreg:$0x9]  }
0x21: {  	[tilespmem:s6], [sflag:$0x4] =	stream.linear.gather [hbm4b:s18+s6], $0x2880, $0x38;
	[tilespmem:$0x1C298] =	vst v63  }
0x22: {  	_ =	swait.ge [sflag:s1], $0x2880  }
0x23: {  	[sflag:s1] =	ssyncset.done $0x0  }
0x24: {  	s19 =	simm.s32 $0x2880;
	s26 =	rddreg [dreg:$0xa];
	[sflag:s1] =	ssyncadd.s32 $0xFFFFD780  }
0x25: {  	[tilespmem:s19], [sflag:$0x4] =	stream.linear.gather [hbm4b:s26+s6], $0x2880, $0x38;
	[tilespmem:$0x1C298] =	vst v63  }
0x26: {  	_ =	swait.ge [sflag:s1], $0x2880  }
0x27: {  	[sflag:s1] =	ssyncset.done $0x0  }
0x28: {  	s28 =	rddreg [dreg:$0x7];
	[sflag:s1] =	ssyncadd.s32 $0xFFFFD780  }
0x29: {  	[tilespmem:s5], [sflag:$0x4] =	stream.linear.gather [hbm4b:s28+s6], $0x4F00, $0x38;
	[tilespmem:$0x1C298] =	vst v63  }
0x2a: {  	s29 =	stileid.u32;
	_ =	swait.ge [sflag:s1], $0x4F00  }
0x2b: {  	s22 =	sshll.u32 s29, $0x6;
	[sflag:s1] =	ssyncset.done $0x0;
	s31 =	rddreg [dreg:$0xc]  }
0x2c: {  	s18 =	sor.u32 $0x1C04, s22;
	[sflag:s1] =	ssyncadd.s32 $0xFFFFB100;
	s19 =	sshrl.u32 s31, $0x3  }
0x2d: {  	[spmem:s19], [sflag:s18] =	dma.local [hbm:s11], $0x4F0  }
0x2e: {  	_ =	swait.ge [sflag:s1], $0x4F0  }
0x2f: {  	[sflag:s1] =	ssyncset.done $0x0;
	s21 =	rddreg [dreg:$0x16]  }
0x30: {  	[sflag:s1] =	ssyncadd.s32 $0xFFFFFB10;
	s21 =	sshrl.u32 s21, $0x3  }
0x31: {  	[spmem:s21], [sflag:s18] =	dma.local [hbm:s12], $0x4F  }
0x32: {  	_ =	swait.ge [sflag:s1], $0x4F  }
0x33: {  	[sflag:s1] =	ssyncset.done $0x0  }
0x34: {  	s23 =	simm.s32 $0x0;
	[sflag:s1] =	ssyncadd.s32 $0xFFFFFFB1  }
0x35: {  	v3 =	vld [tilespmem:s23+$0x2880]  }
0x36: {  	v4 =	vld [tilespmem:s23+$0x0];
	_ =	sdelay $0x4  }
0x37: {  	v3 =	vshll.u32 v3, $0x1;
	v4 =	vshll.u32 v4, $0x1  }
0x38: {  	v3 =	vor.u32 $0x1, v3;
	_ =	sdelay $0x3  }
0x39: {  	v4 =	vld.idx.msk [tilespmem:v4+s5+$0x0], $0xffff  }
0x3a: {  	v3 =	vld.idx.msk [tilespmem:v3+s5+$0x0], $0xffff;
	_ =	sdelay $0x4  }
0x3b: {  	v3 =	vadd.f32 v3, v4;
	_ =	sdelay $0x1  }
0x3c: {  	v4 =	vmul.f32 $2.000000030e-01, v3  }
0x3d: {  	vm0 =	vge.f32 v3, $0.0e+00  }
0x3e: {  	v3 =	vsel vm0, v3, v4  }
0x3f: {  	v3 =	vmul.f32 $1.442695020e+00, v3;
	_ =	sdelay $0x1  }
0x40: {  	v5 =	vld [tilespmem:s23+$0x10];
	(erf) = vpow2.f32 v3  }
0x41: {  	v6 =	vld [tilespmem:s23+$0x2890];
	_ =	sdelay $0x4  }
0x42: {  	v6 =	vshll.u32 v6, $0x1;
	v5 =	vshll.u32 v5, $0x1  }
0x43: {  	v6 =	vor.u32 $0x1, v6;
	_ =	sdelay $0x1  }
0x44: {  	v17 =	vpop (erf)  }
0x45: {  	[tilespmem:s23+$0xA000] =	vst v17  }
0x46: {  	v5 =	vld.idx.msk [tilespmem:v5+s5+$0x0], $0xffff  }
0x47: {  	v6 =	vld.idx.msk [tilespmem:v6+s5+$0x0], $0xffff;
	_ =	sdelay $0x4  }
0x48: {  	v5 =	vadd.f32 v6, v5;
	_ =	sdelay $0x1  }
0x49: {  	v6 =	vmul.f32 $2.000000030e-01, v5  }
0x4a: {  	vm9 =	vge.f32 v5, $0.0e+00  }
0x4b: {  	v5 =	vsel vm9, v5, v6  }
0x4c: {  	v5 =	vmul.f32 $1.442695020e+00, v5;
	_ =	sdelay $0x1  }
0x4d: {  	v7 =	vld [tilespmem:s23+$0x28A0];
	(erf) = vpow2.f32 v5  }
0x4e: {  	v4 =	vld [tilespmem:s23+$0x20];
	_ =	sdelay $0x4  }
0x4f: {  	v4 =	vshll.u32 v4, $0x1;
	v5 =	vshll.u32 v7, $0x1  }
0x50: {  	v5 =	vor.u32 $0x1, v5;
	_ =	sdelay $0x1  }
0x51: {  	v6 =	vpop (erf)  }
0x52: {  	[tilespmem:s23+$0xA010] =	vst v6  }
0x53: {  	v4 =	vld.idx.msk [tilespmem:v4+s5+$0x0], $0xffff  }
0x54: {  	v5 =	vld.idx.msk [tilespmem:v5+s5+$0x0], $0xffff;
	_ =	sdelay $0x4  }
0x55: {  	v4 =	vadd.f32 v5, v4;
	_ =	sdelay $0x1  }
0x56: {  	v5 =	vmul.f32 $2.000000030e-01, v4  }
0x57: {  	vm10 =	vge.f32 v4, $0.0e+00  }
0x58: {  	v4 =	vsel vm10, v4, v5  }
0x59: {  	v4 =	vmul.f32 $1.442695020e+00, v4;
	_ =	sdelay $0x1  }
0x5a: {  	v8 =	vld [tilespmem:s23+$0x30];
	(erf) = vpow2.f32 v4  }
0x5b: {  	v3 =	vld [tilespmem:s23+$0x28B0];
	_ =	sdelay $0x4  }
0x5c: {  	v3 =	vshll.u32 v3, $0x1;
	v4 =	vshll.u32 v8, $0x1  }
0x5d: {  	v3 =	vor.u32 $0x1, v3;
	_ =	sdelay $0x1  }
0x5e: {  	v5 =	vpop (erf)  }
0x5f: {  	[tilespmem:s23+$0xA020] =	vst v5  }
0x60: {  	v4 =	vld.idx.msk [tilespmem:v4+s5+$0x0], $0xffff  }
0x61: {  	v3 =	vld.idx.msk [tilespmem:v3+s5+$0x0], $0xffff;
	_ =	sdelay $0x4  }
0x62: {  	v3 =	vadd.f32 v3, v4;
	_ =	sdelay $0x1  }
0x63: {  	v4 =	vmul.f32 $2.000000030e-01, v3  }
0x64: {  	vm11 =	vge.f32 v3, $0.0e+00  }
0x65: {  	v3 =	vsel vm11, v3, v4  }
0x66: {  	v3 =	vmul.f32 $1.442695020e+00, v3;
	_ =	sdelay $0x1  }
0x67: {  	v9 =	vld [tilespmem:s23+$0x40];
	(erf) = vpow2.f32 v3  }
0x68: {  	v10 =	vld [tilespmem:s23+$0x28C0];
	_ =	sdelay $0x4  }
0x69: {  	v4 =	vshll.u32 v9, $0x1;
	v3 =	vshll.u32 v10, $0x1  }
0x6a: {  	v3 =	vor.u32 $0x1, v3;
	_ =	sdelay $0x1  }
0x6b: {  	v5 =	vpop (erf)  }
0x6c: {  	[tilespmem:s23+$0xA030] =	vst v5  }
0x6d: {  	v4 =	vld.idx.msk [tilespmem:v4+s5+$0x0], $0xffff  }
0x6e: {  	v3 =	vld.idx.msk [tilespmem:v3+s5+$0x0], $0xffff;
	_ =	sdelay $0x4  }
0x6f: {  	v3 =	vadd.f32 v3, v4;
	_ =	sdelay $0x1  }
0x70: {  	v4 =	vmul.f32 $2.000000030e-01, v3  }
0x71: {  	vm12 =	vge.f32 v3, $0.0e+00  }
0x72: {  	v3 =	vsel vm12, v3, v4  }
0x73: {  	v3 =	vmul.f32 $1.442695020e+00, v3;
	_ =	sdelay $0x1  }
0x74: {  	v11 =	vld [tilespmem:s23+$0x50];
	(erf) = vpow2.f32 v3  }
0x75: {  	v12 =	vld [tilespmem:s23+$0x28D0];
	_ =	sdelay $0x4  }
0x76: {  	v4 =	vshll.u32 v11, $0x1;
	v3 =	vshll.u32 v12, $0x1  }
0x77: {  	v3 =	vor.u32 $0x1, v3;
	_ =	sdelay $0x1  }
0x78: {  	v5 =	vpop (erf)  }
0x79: {  	[tilespmem:s23+$0xA040] =	vst v5  }
0x7a: {  	v4 =	vld.idx.msk [tilespmem:v4+s5+$0x0], $0xffff  }
0x7b: {  	v3 =	vld.idx.msk [tilespmem:v3+s5+$0x0], $0xffff;
	_ =	sdelay $0x4  }
0x7c: {  	v3 =	vadd.f32 v3, v4;
	_ =	sdelay $0x1  }
0x7d: {  	v4 =	vmul.f32 $2.000000030e-01, v3  }
0x7e: {  	vm13 =	vge.f32 v3, $0.0e+00  }
0x7f: {  	v3 =	vsel vm13, v3, v4  }
0x80: {  	v3 =	vmul.f32 $1.442695020e+00, v3;
	_ =	sdelay $0x1  }
0x81: {  	v13 =	vld [tilespmem:s23+$0x60];
	(erf) = vpow2.f32 v3  }
0x82: {  	v14 =	vld [tilespmem:s23+$0x28E0];
	_ =	sdelay $0x4  }
0x83: {  	v4 =	vshll.u32 v13, $0x1;
	v3 =	vshll.u32 v14, $0x1  }
0x84: {  	v3 =	vor.u32 $0x1, v3;
	_ =	sdelay $0x1  }
0x85: {  	v5 =	vpop (erf)  }
0x86: {  	[tilespmem:s23+$0xA050] =	vst v5  }
0x87: {  	v4 =	vld.idx.msk [tilespmem:v4+s5+$0x0], $0xffff  }
0x88: {  	v3 =	vld.idx.msk [tilespmem:v3+s5+$0x0], $0xffff;
	_ =	sdelay $0x4  }
0x89: {  	v3 =	vadd.f32 v3, v4;
	_ =	sdelay $0x1  }
0x8a: {  	v4 =	vmul.f32 $2.000000030e-01, v3  }
0x8b: {  	vm14 =	vge.f32 v3, $0.0e+00  }
0x8c: {  	v3 =	vsel vm14, v3, v4  }
0x8d: {  	v3 =	vmul.f32 $1.442695020e+00, v3;
	_ =	sdelay $0x1  }
0x8e: {  	v15 =	vld [tilespmem:s23+$0x28F0];
	(erf) = vpow2.f32 v3  }
0x8f: {  	v16 =	vld [tilespmem:s23+$0x70];
	_ =	sdelay $0x4  }
0x90: {  	v4 =	vshll.u32 v16, $0x1;
	v3 =	vshll.u32 v15, $0x1  }
0x91: {  	v3 =	vor.u32 $0x1, v3;
	_ =	sdelay $0x1  }
0x92: {  	v5 =	vpop (erf)  }
0x93: {  	[tilespmem:s23+$0xA060] =	vst v5  }
0x94: {  	v4 =	vld.idx.msk [tilespmem:v4+s5+$0x0], $0xffff  }
0x95: {  	v3 =	vld.idx.msk [tilespmem:v3+s5+$0x0], $0xffff;
	_ =	sdelay $0x4  }
0x96: {  	v3 =	vadd.f32 v3, v4;
	_ =	sdelay $0x1  }
0x97: {  	v4 =	vmul.f32 $2.000000030e-01, v3  }
0x98: {  	vm15 =	vge.f32 v3, $0.0e+00  }
0x99: {  	v3 =	vsel vm15, v3, v4  }
0x9a: {  	v3 =	vmul.f32 $1.442695020e+00, v3  }
0x9b: {  	s26 =	simm.s32 $0x80  }
0x9c: {  	v4 =	vld [tilespmem:s26+$0x2880];
	(erf) = vpow2.f32 v3  }
0x9d: {  	s24 =	simm.s32 $0x400;
	v3 =	vld [tilespmem:s26+$0x0]  }
.LBB2_2:
0x9e: {  	p0 =	sne.s32 s24, $0xA000;
	v11 =	vld [tilespmem:s26+$0x10];
	s25 =	smov.u32 s24;
	s24 =	sadd.s32 $0x200, s24  }
0x9f: {  	v5 =	vld [tilespmem:s26+$0x2890]  }
0xa0: {  	v12 =	vld [tilespmem:s26+$0x20]  }
0xa1: {  	v4 =	vshll.u32 v4, $0x1;
	v6 =	vld [tilespmem:s26+$0x28A0]  }
0xa2: {  	v3 =	vshll.u32 v3, $0x1;
	v4 =	vor.u32 $0x1, v4;
	v13 =	vld [tilespmem:s26+$0x30]  }
0xa3: {  	v8 =	vld [tilespmem:s26+$0x28B0]  }
0xa4: {  	v14 =	vshll.u32 v5, $0x1;
	v9 =	vld [tilespmem:s26+$0x40]  }
0xa5: {  	v5 =	vld [tilespmem:s26+$0x28C0];
	v10 =	vpop (erf)  }
0xa6: {  	v15 =	vshll.u32 v6, $0x1;
	v7 =	vld [tilespmem:s26+$0x50];
	[tilespmem:s23+$0xA070] =	vst v10;
	s23 =	smov.u32 s26  }
0xa7: {  	v4 =	vld.idx.msk [tilespmem:v4+s5+$0x0], $0xffff  }
0xa8: {  	v6 =	vld.idx.msk [tilespmem:v3+s5+$0x0], $0xffff;
	v16 =	vshll.u32 v8, $0x1  }
0xa9: {  	v8 =	vld [tilespmem:s23+$0x28D0]  }
0xaa: {  	v10 =	vshll.u32 v5, $0x1;
	v5 =	vld [tilespmem:s23+$0x60]  }
0xab: {  	v17 =	vld [tilespmem:s23+$0x28E0]  }
0xac: {  	v18 =	vld [tilespmem:s23+$0x28F0]  }
0xad: {  	v3 =	vld [tilespmem:s23+$0x70]  }
0xae: {  	v19 =	vadd.f32 v4, v6;
	v8 =	vshll.u32 v8, $0x1;
	_ =	sdelay $0x1  }
0xaf: {  	v20 =	vmul.f32 $2.000000030e-01, v19;
	v6 =	vshll.u32 v17, $0x1  }
0xb0: {  	vm0 =	vge.f32 v19, $0.0e+00;
	v4 =	vshll.u32 v18, $0x1  }
0xb1: {  	v17 =	vsel vm0, v19, v20  }
0xb2: {  	v17 =	vmul.f32 $1.442695020e+00, v17;
	_ =	sdelay $0x1  }
0xb3: {  	(erf) = vpow2.f32 v17;
	_ =	sdelay $0x5  }
0xb4: {  	v11 =	vshll.u32 v11, $0x1  }
0xb5: {  	v14 =	vor.u32 $0x1, v14;
	_ =	sdelay $0x1  }
0xb6: {  	v17 =	vpop (erf)  }
0xb7: {  	[tilespmem:s23+$0xA000] =	vst v17  }
0xb8: {  	v11 =	vld.idx.msk [tilespmem:v11+s5+$0x0], $0xffff  }
0xb9: {  	v14 =	vld.idx.msk [tilespmem:v14+s5+$0x0], $0xffff;
	_ =	sdelay $0x5  }
0xba: {  	v11 =	vadd.f32 v14, v11;
	_ =	sdelay $0x1  }
0xbb: {  	v14 =	vmul.f32 $2.000000030e-01, v11  }
0xbc: {  	vm0 =	vge.f32 v11, $0.0e+00  }
0xbd: {  	v11 =	vsel vm0, v11, v14  }
0xbe: {  	v11 =	vmul.f32 $1.442695020e+00, v11;
	_ =	sdelay $0x1  }
0xbf: {  	(erf) = vpow2.f32 v11;
	_ =	sdelay $0x5  }
0xc0: {  	v11 =	vshll.u32 v12, $0x1  }
0xc1: {  	v12 =	vor.u32 $0x1, v15;
	_ =	sdelay $0x1  }
0xc2: {  	v14 =	vpop (erf)  }
0xc3: {  	[tilespmem:s23+$0xA010] =	vst v14  }
0xc4: {  	v11 =	vld.idx.msk [tilespmem:v11+s5+$0x0], $0xffff  }
0xc5: {  	v12 =	vld.idx.msk [tilespmem:v12+s5+$0x0], $0xffff;
	_ =	sdelay $0x5  }
0xc6: {  	v11 =	vadd.f32 v12, v11;
	_ =	sdelay $0x1  }
0xc7: {  	v12 =	vmul.f32 $2.000000030e-01, v11  }
0xc8: {  	vm0 =	vge.f32 v11, $0.0e+00  }
0xc9: {  	v11 =	vsel vm0, v11, v12  }
0xca: {  	v11 =	vmul.f32 $1.442695020e+00, v11;
	_ =	sdelay $0x1  }
0xcb: {  	(erf) = vpow2.f32 v11;
	_ =	sdelay $0x5  }
0xcc: {  	v11 =	vshll.u32 v13, $0x1  }
0xcd: {  	v12 =	vor.u32 $0x1, v16;
	_ =	sdelay $0x1  }
0xce: {  	v13 =	vpop (erf)  }
0xcf: {  	[tilespmem:s23+$0xA020] =	vst v13  }
0xd0: {  	v11 =	vld.idx.msk [tilespmem:v11+s5+$0x0], $0xffff  }
0xd1: {  	v12 =	vld.idx.msk [tilespmem:v12+s5+$0x0], $0xffff;
	_ =	sdelay $0x5  }
0xd2: {  	v11 =	vadd.f32 v12, v11;
	_ =	sdelay $0x1  }
0xd3: {  	v12 =	vmul.f32 $2.000000030e-01, v11  }
0xd4: {  	vm0 =	vge.f32 v11, $0.0e+00  }
0xd5: {  	v11 =	vsel vm0, v11, v12  }
0xd6: {  	v11 =	vmul.f32 $1.442695020e+00, v11;
	_ =	sdelay $0x1  }
0xd7: {  	(erf) = vpow2.f32 v11;
	_ =	sdelay $0x5  }
0xd8: {  	v9 =	vshll.u32 v9, $0x1  }
0xd9: {  	v10 =	vor.u32 $0x1, v10;
	_ =	sdelay $0x1  }
0xda: {  	v11 =	vpop (erf)  }
0xdb: {  	[tilespmem:s23+$0xA030] =	vst v11  }
0xdc: {  	v9 =	vld.idx.msk [tilespmem:v9+s5+$0x0], $0xffff  }
0xdd: {  	v10 =	vld.idx.msk [tilespmem:v10+s5+$0x0], $0xffff;
	_ =	sdelay $0x5  }
0xde: {  	v9 =	vadd.f32 v10, v9;
	_ =	sdelay $0x1  }
0xdf: {  	v10 =	vmul.f32 $2.000000030e-01, v9  }
0xe0: {  	vm0 =	vge.f32 v9, $0.0e+00  }
0xe1: {  	v9 =	vsel vm0, v9, v10  }
0xe2: {  	v9 =	vmul.f32 $1.442695020e+00, v9;
	_ =	sdelay $0x1  }
0xe3: {  	(erf) = vpow2.f32 v9;
	_ =	sdelay $0x5  }
0xe4: {  	v7 =	vshll.u32 v7, $0x1  }
0xe5: {  	v8 =	vor.u32 $0x1, v8;
	_ =	sdelay $0x1  }
0xe6: {  	v9 =	vpop (erf)  }
0xe7: {  	[tilespmem:s23+$0xA040] =	vst v9  }
0xe8: {  	v7 =	vld.idx.msk [tilespmem:v7+s5+$0x0], $0xffff  }
0xe9: {  	v8 =	vld.idx.msk [tilespmem:v8+s5+$0x0], $0xffff;
	_ =	sdelay $0x5  }
0xea: {  	v7 =	vadd.f32 v8, v7;
	_ =	sdelay $0x1  }
0xeb: {  	v8 =	vmul.f32 $2.000000030e-01, v7  }
0xec: {  	vm0 =	vge.f32 v7, $0.0e+00  }
0xed: {  	v7 =	vsel vm0, v7, v8  }
0xee: {  	v7 =	vmul.f32 $1.442695020e+00, v7;
	_ =	sdelay $0x1  }
0xef: {  	(erf) = vpow2.f32 v7;
	_ =	sdelay $0x5  }
0xf0: {  	v5 =	vshll.u32 v5, $0x1  }
0xf1: {  	v6 =	vor.u32 $0x1, v6;
	_ =	sdelay $0x1  }
0xf2: {  	v7 =	vpop (erf)  }
0xf3: {  	[tilespmem:s23+$0xA050] =	vst v7  }
0xf4: {  	v5 =	vld.idx.msk [tilespmem:v5+s5+$0x0], $0xffff  }
0xf5: {  	v6 =	vld.idx.msk [tilespmem:v6+s5+$0x0], $0xffff;
	_ =	sdelay $0x5  }
0xf6: {  	v5 =	vadd.f32 v6, v5;
	_ =	sdelay $0x1  }
0xf7: {  	v6 =	vmul.f32 $2.000000030e-01, v5  }
0xf8: {  	vm0 =	vge.f32 v5, $0.0e+00  }
0xf9: {  	v5 =	vsel vm0, v5, v6  }
0xfa: {  	v5 =	vmul.f32 $1.442695020e+00, v5;
	_ =	sdelay $0x1  }
0xfb: {  	(erf) = vpow2.f32 v5;
	_ =	sdelay $0x5  }
0xfc: {  	v3 =	vshll.u32 v3, $0x1;
	v4 =	vor.u32 $0x1, v4;
	_ =	sdelay $0x2  }
0xfd: {  	v5 =	vpop (erf)  }
0xfe: {  	[tilespmem:s23+$0xA060] =	vst v5  }
0xff: {  	v3 =	vld.idx.msk [tilespmem:v3+s5+$0x0], $0xffff  }
0x100: {  	v4 =	vld.idx.msk [tilespmem:v4+s5+$0x0], $0xffff;
	_ =	sdelay $0x5  }
0x101: {  	v3 =	vadd.f32 v4, v3;
	_ =	sdelay $0x1  }
0x102: {  	vm0 =	vge.f32 v3, $0.0e+00;
	v4 =	vmul.f32 $2.000000030e-01, v3;
	_ =	sdelay $0x1  }
.Ltmp0:
0x103: {  	v3 =	vsel vm0, v3, v4;
	(pc) =	sbr.rel @p0 .LBB2_2-.Ltmp0, $4  }
0x104: {  	v3 =	vmul.f32 $1.442695020e+00, v3  }
0x105: {  	s26 =	sshra.s32 s25, $0x2  }
0x106: {  	v4 =	vld [tilespmem:s26+$0x2880];
	(erf) = vpow2.f32 v3  }
0x107: {  	v3 =	vld [tilespmem:s26+$0x0]  }
0x108: {  	v5 =	vld [tilespmem:s26+$0x10]  }
0x109: {  	v6 =	vld [tilespmem:s26+$0x2890]  }
0x10a: {  	v7 =	vld [tilespmem:s26+$0x20]  }
0x10b: {  	v8 =	vld [tilespmem:s26+$0x28A0];
	v4 =	vshll.u32 v4, $0x1  }
0x10c: {  	v9 =	vld [tilespmem:s26+$0x30];
	v4 =	vor.u32 $0x1, v4  }
0x10d: {  	v10 =	vld [tilespmem:s26+$0x28B0];
	v3 =	vshll.u32 v3, $0x1  }
0x10e: {  	v11 =	vld [tilespmem:s26+$0x40]  }
0x10f: {  	v12 =	vld [tilespmem:s26+$0x28C0];
	v13 =	vpop (erf)  }
0x110: {  	v14 =	vld [tilespmem:s26+$0x50];
	[tilespmem:s23+$0xA070] =	vst v13  }
0x111: {  	v4 =	vld.idx.msk [tilespmem:v4+s5+$0x0], $0xffff  }
0x112: {  	v3 =	vld.idx.msk [tilespmem:v3+s5+$0x0], $0xffff;
	_ =	sdelay $0x4  }
0x113: {  	v3 =	vadd.f32 v4, v3;
	_ =	sdelay $0x1  }
0x114: {  	v4 =	vmul.f32 $2.000000030e-01, v3  }
0x115: {  	vm0 =	vge.f32 v3, $0.0e+00  }
0x116: {  	v3 =	vsel vm0, v3, v4  }
0x117: {  	v3 =	vmul.f32 $1.442695020e+00, v3;
	_ =	sdelay $0x1  }
0x118: {  	(erf) = vpow2.f32 v3;
	_ =	sdelay $0x5  }
0x119: {  	v47 =	vshll.u32 v6, $0x1;
	v5 =	vshll.u32 v5, $0x1  }
0x11a: {  	v4 =	vor.u32 $0x1, v47;
	_ =	sdelay $0x1  }
0x11b: {  	v17 =	vpop (erf)  }
0x11c: {  	[tilespmem:s26+$0xA000] =	vst v17  }
0x11d: {  	v5 =	vld.idx.msk [tilespmem:v5+s5+$0x0], $0xffff  }
0x11e: {  	v4 =	vld.idx.msk [tilespmem:v4+s5+$0x0], $0xffff;
	_ =	sdelay $0x4  }
0x11f: {  	v4 =	vadd.f32 v4, v5;
	_ =	sdelay $0x1  }
0x120: {  	v5 =	vmul.f32 $2.000000030e-01, v4  }
0x121: {  	vm9 =	vge.f32 v4, $0.0e+00  }
0x122: {  	v4 =	vsel vm9, v4, v5  }
0x123: {  	v4 =	vmul.f32 $1.442695020e+00, v4;
	_ =	sdelay $0x1  }
0x124: {  	(erf) = vpow2.f32 v4;
	_ =	sdelay $0x5  }
0x125: {  	v49 =	vshll.u32 v8, $0x1;
	v50 =	vshll.u32 v7, $0x1  }
0x126: {  	v4 =	vor.u32 $0x1, v49;
	_ =	sdelay $0x1  }
0x127: {  	v51 =	vpop (erf)  }
0x128: {  	[tilespmem:s26+$0xA010] =	vst v51  }
0x129: {  	v5 =	vld.idx.msk [tilespmem:v50+s5+$0x0], $0xffff  }
0x12a: {  	v4 =	vld.idx.msk [tilespmem:v4+s5+$0x0], $0xffff;
	_ =	sdelay $0x4  }
0x12b: {  	v4 =	vadd.f32 v4, v5;
	_ =	sdelay $0x1  }
0x12c: {  	v5 =	vmul.f32 $2.000000030e-01, v4  }
0x12d: {  	vm10 =	vge.f32 v4, $0.0e+00  }
0x12e: {  	v4 =	vsel vm10, v4, v5  }
0x12f: {  	v4 =	vmul.f32 $1.442695020e+00, v4;
	_ =	sdelay $0x1  }
0x130: {  	(erf) = vpow2.f32 v4;
	_ =	sdelay $0x5  }
0x131: {  	v52 =	vshll.u32 v10, $0x1;
	v53 =	vshll.u32 v9, $0x1  }
0x132: {  	v4 =	vor.u32 $0x1, v52;
	_ =	sdelay $0x1  }
0x133: {  	v54 =	vpop (erf)  }
0x134: {  	[tilespmem:s26+$0xA020] =	vst v54  }
0x135: {  	v5 =	vld.idx.msk [tilespmem:v53+s5+$0x0], $0xffff  }
0x136: {  	v4 =	vld.idx.msk [tilespmem:v4+s5+$0x0], $0xffff;
	_ =	sdelay $0x4  }
0x137: {  	v4 =	vadd.f32 v4, v5;
	_ =	sdelay $0x1  }
0x138: {  	v5 =	vmul.f32 $2.000000030e-01, v4  }
0x139: {  	vm11 =	vge.f32 v4, $0.0e+00  }
0x13a: {  	v4 =	vsel vm11, v4, v5  }
0x13b: {  	v4 =	vmul.f32 $1.442695020e+00, v4;
	_ =	sdelay $0x1  }
0x13c: {  	(erf) = vpow2.f32 v4;
	_ =	sdelay $0x5  }
0x13d: {  	v55 =	vshll.u32 v12, $0x1;
	v56 =	vshll.u32 v11, $0x1  }
0x13e: {  	v4 =	vor.u32 $0x1, v55;
	_ =	sdelay $0x1  }
0x13f: {  	v57 =	vpop (erf)  }
0x140: {  	[tilespmem:s26+$0xA030] =	vst v57  }
0x141: {  	v5 =	vld.idx.msk [tilespmem:v56+s5+$0x0], $0xffff  }
0x142: {  	v4 =	vld.idx.msk [tilespmem:v4+s5+$0x0], $0xffff;
	_ =	sdelay $0x4  }
0x143: {  	v4 =	vadd.f32 v4, v5;
	_ =	sdelay $0x1  }
0x144: {  	v5 =	vmul.f32 $2.000000030e-01, v4  }
0x145: {  	vm12 =	vge.f32 v4, $0.0e+00  }
0x146: {  	v4 =	vsel vm12, v4, v5  }
0x147: {  	v4 =	vmul.f32 $1.442695020e+00, v4;
	_ =	sdelay $0x1  }
0x148: {  	(erf) = vpow2.f32 v4  }
0x149: {  	v3 =	vld [tilespmem:s26+$0x28D0];
	_ =	sdelay $0x4  }
0x14a: {  	v58 =	vshll.u32 v14, $0x1;
	v3 =	vshll.u32 v3, $0x1  }
0x14b: {  	v3 =	vor.u32 $0x1, v3;
	_ =	sdelay $0x1  }
0x14c: {  	v59 =	vpop (erf)  }
0x14d: {  	[tilespmem:s26+$0xA040] =	vst v59  }
0x14e: {  	v4 =	vld.idx.msk [tilespmem:v58+s5+$0x0], $0xffff  }
0x14f: {  	v3 =	vld.idx.msk [tilespmem:v3+s5+$0x0], $0xffff;
	_ =	sdelay $0x4  }
0x150: {  	v3 =	vadd.f32 v3, v4;
	_ =	sdelay $0x1  }
0x151: {  	v4 =	vmul.f32 $2.000000030e-01, v3  }
0x152: {  	vm13 =	vge.f32 v3, $0.0e+00  }
0x153: {  	v3 =	vsel vm13, v3, v4  }
0x154: {  	v3 =	vmul.f32 $1.442695020e+00, v3;
	_ =	sdelay $0x1  }
0x155: {  	v48 =	vld [tilespmem:s26+$0x60];
	(erf) = vpow2.f32 v3  }
0x156: {  	v13 =	vld [tilespmem:s26+$0x28E0];
	_ =	sdelay $0x4  }
0x157: {  	v60 =	vshll.u32 v48, $0x1;
	v3 =	vshll.u32 v13, $0x1  }
0x158: {  	v3 =	vor.u32 $0x1, v3;
	_ =	sdelay $0x1  }
0x159: {  	v61 =	vpop (erf)  }
0x15a: {  	[tilespmem:s26+$0xA050] =	vst v61  }
0x15b: {  	v4 =	vld.idx.msk [tilespmem:v60+s5+$0x0], $0xffff  }
0x15c: {  	v3 =	vld.idx.msk [tilespmem:v3+s5+$0x0], $0xffff;
	_ =	sdelay $0x4  }
0x15d: {  	v3 =	vadd.f32 v3, v4;
	_ =	sdelay $0x1  }
0x15e: {  	v4 =	vmul.f32 $2.000000030e-01, v3  }
0x15f: {  	vm14 =	vge.f32 v3, $0.0e+00  }
0x160: {  	v3 =	vsel vm14, v3, v4  }
0x161: {  	v3 =	vmul.f32 $1.442695020e+00, v3;
	_ =	sdelay $0x1  }
0x162: {  	v15 =	vld [tilespmem:s26+$0x28F0];
	(erf) = vpow2.f32 v3  }
0x163: {  	v16 =	vld [tilespmem:s26+$0x70];
	_ =	sdelay $0x4  }
0x164: {  	v62 =	vshll.u32 v16, $0x1;
	v3 =	vshll.u32 v15, $0x1  }
0x165: {  	v3 =	vor.u32 $0x1, v3;
	_ =	sdelay $0x1  }
0x166: {  	v63 =	vpop (erf)  }
0x167: {  	[tilespmem:s26+$0xA060] =	vst v63  }
0x168: {  	v4 =	vld.idx.msk [tilespmem:v62+s5+$0x0], $0xffff  }
0x169: {  	v3 =	vld.idx.msk [tilespmem:v3+s5+$0x0], $0xffff;
	_ =	sdelay $0x4  }
0x16a: {  	v3 =	vadd.f32 v3, v4;
	_ =	sdelay $0x1  }
0x16b: {  	v4 =	vmul.f32 $2.000000030e-01, v3  }
0x16c: {  	vm15 =	vge.f32 v3, $0.0e+00  }
0x16d: {  	v3 =	vsel vm15, v3, v4  }
0x16e: {  	v3 =	vmul.f32 $1.442695020e+00, v3;
	_ =	sdelay $0x1  }
0x16f: {  	(erf) = vpow2.f32 v3;
	_ =	sdelay $0x8  }
0x170: {  	v3 =	vpop (erf)  }
0x171: {  	[tilespmem:s26+$0xA070] =	vst v3  }
0x172: {  	s23 =	simm.s32 $0x0;
	[bflag:$0x0] =	sbarrier.arrive $0xFFFF  }
0x173: {  	[tilespmem:s30], [sflag:$0x1] =	stream.indirect.gather [hbm4b:s8+s0], $0x10, s23, s0, $0xb8;
	[tilespmem:$0x1C298] =	vst v63  }
0x174: {  	s24 =	simm.s32 $0xD890;
	p0 =	por $0x0, $0x0;
	s30 =	simm.s32 $0xA000  }
.LBB2_4:
0x175: {  	p1 =	seq.s32 s23, $0x50  }
0x176: {  	s25 =	sadd.s32 @!p1 $0x1, s23  }
0x177: {  	s26 =	sshll.u32 @!p1 s25, $0xB  }
0x178: {  	s28 =	smulhi.u32 $0xAAAAAAAB, s23;
	s25 =	sshll.u32 @!p1 s25, $0x7;
	s26 =	sand.u32 @!p1 $0x800, s26  }
0x179: {  	s29 =	simm.s32 @!p1 $0x80;
	s25 =	sand.u32 @!p1 $0x3FFFFF80, s25;
	s26 =	sadd.s32 @!p1 $0xC890, s26  }
0x17a: {  	[tilespmem:s26], [sflag:$0x1] =	stream.indirect.gather @!p1 [hbm4b:s8+s29], $0x10, s25, s29, $0xb8;
	[tilespmem:$0x1C298] =	vst v63  }
0x17b: {  	s25 =	sshrl.u32 s28, $0x1  }
0x17c: {  	p1 =	slt.u32 s23, $0x3;
	_ =	swait.ge [sflag:s10], $0x800;
	s31 =	smul.u32 $0xFFFFA000, s25  }
0x17d: {  	s29 =	simm.s32 $0x1;
	s28 =	simm.s32 @!p1 $0x2;
	[sflag:s10] =	ssyncset.done $0x0  }
0x17e: {  	s29 =	simm.s32 @!p0 $0x0;
	[sflag:s10] =	ssyncadd.s32 $0xFFFFF800;
	s26 =	sshra.s32 s31, $0x2  }
0x17f: {  	_ =	swait.ge @!p1 [sflag:s28], $0x800;
	s31 =	sadd.s32 s26, s24;
	s26 =	sshll.u32 s29, $0xB  }
0x180: {  	s25 =	smul.u32 $0x3, s25;
	[sflag:s28] =	ssyncset.done @!p1 $0x0;
	s29 =	sadd.s32 $0xC890, s26  }
0x181: {  	[sflag:s28] =	ssyncadd.s32 @!p1 $0xFFFFF800;
	v4 =	vmov s29  }
0x182: {  	s25 =	ssub.s32 s23, s25;
	_ =	swait.ge @!p1 [sflag:s28], $0x80  }
0x183: {  	s25 =	sshll.u32 s25, $0xB;
	[sflag:s28] =	ssyncset.done @!p1 $0x0  }
0x184: {  	s26 =	sadd.s32 $0xD890, s25;
	[sflag:s28] =	ssyncadd.s32 @!p1 $0xFFFFFF80  }
0x185: {  	v3 =	vmov s31;
	s25 =	smov.u32 s30;
	s29 =	simm.s32 $0x40;
	s28 =	simm.s32 $0x0;
	v5 =	vld.msk [tilespmem:s30+$0x0 ss:$0x0], $0xffff  }
.LBB2_5:
0x186: {  	p1 =	sne.s32 s29, $0x1FC0;
	v6 =	vld.idx.msk [tilespmem:v4+s28+$0x0 ss:$0x1], $0xffff;
	_ =	sdelay $0x4  }
.Ltmp1:
0x187: {  	(pc) =	sbr.rel @p1 .LBB2_5-.Ltmp1, $3  }
0x188: {  	v5 =	vmul.f32 v5, v6;
	_ =	sdelay $0x1  }
0x189: {  	s25 =	sadd.s32 $0x1, s25;
	[tilespmem:v3+s28+$0x0 ss:$0x1] =	vst.idx.msk $0xffff, v5  }
0x18a: {  	s28 =	sshra.s32 s29, $0x2;
	s29 =	sadd.s32 $0x40, s29;
	v5 =	vld.msk [tilespmem:s25+$0x0 ss:$0x0], $0xffff  }
0x18b: {  	_ =	sdelay $0x3  }
0x18c: {  	v4 =	vld.idx.msk [tilespmem:v4+s28+$0x0 ss:$0x1], $0xffff;
	_ =	sdelay $0x3  }
0x18d: {  	s25 =	sshll.u32 s23, $0x7;
	s23 =	sadd.s32 $0x1, s23  }
0x18e: {  	p1 =	sne.s32 s23, $0x51;
	v4 =	vmul.f32 v5, v4  }
.Ltmp2:
0x18f: {  	_ = 	snop;
	(pc) =	sbr.rel @p1 .LBB2_4-.Ltmp2, $4  }
0x190: {  	s24 =	sadd.s32 $0x800, s24;
	s31 =	sadd.s32 $0x2880, s25;
	[tilespmem:v3+s28+$0x0 ss:$0x1] =	vst.idx.msk $0xffff, v4  }
0x191: {  	[spmem:s2] =	stream.indirect.scatter.add.f32 [tilespmem:s26], [sflag:$0x2], $0x10, s31, s0, $0xb8;
	[tilespmem:$0x1C298] =	vst v63  }
0x192: {  	p0 =	por !p0, !p0;
	s30 =	sadd.s32 $0x80, s30;
	s25 =	sadd.s32 $0xA000, s25  }
0x193: {  	[spmem:s4] =	stream.indirect.scatter.add.f32 [tilespmem:s25], [sflag:$0x2], $0x1, s31, s0, $0xb8;
	[tilespmem:$0x1C298] =	vst v63  }
0x194: {  	_ =	swait.ge [sflag:s7], $0x800  }
0x195: {  	[sflag:s7] =	ssyncset.done $0x0  }
0x196: {  	[sflag:s7] =	ssyncadd.s32 $0xFFFFF800  }
0x197: {  	_ =	swait.ge [sflag:s7], $0x80  }
0x198: {  	[sflag:s7] =	ssyncset.done $0x0  }
0x199: {  	[sflag:s7] =	ssyncadd.s32 $0xFFFFFF80  }
0x19a: {  	_ =	swait.ge [sflag:s7], $0x800  }
0x19b: {  	[sflag:s7] =	ssyncset.done $0x0  }
0x19c: {  	[sflag:s7] =	ssyncadd.s32 $0xFFFFF800  }
0x19d: {  	_ =	swait.ge [sflag:s7], $0x80  }
0x19e: {  	[sflag:s7] =	ssyncset.done $0x0  }
0x19f: {  	[sflag:s7] =	ssyncadd.s32 $0xFFFFFF80  }
0x1a0: {  	_ =	swait.ge [sflag:s7], $0x800  }
0x1a1: {  	[sflag:s7] =	ssyncset.done $0x0  }
0x1a2: {  	[sflag:s7] =	ssyncadd.s32 $0xFFFFF800  }
0x1a3: {  	_ =	swait.ge [sflag:s7], $0x80  }
0x1a4: {  	[sflag:s7] =	ssyncset.done $0x0  }
0x1a5: {  	[sflag:s7] =	ssyncadd.s32 $0xFFFFFF80  }
0x1a6: {  	[bflag:$0x0] =	sbarrier.arrive $0xFFFF  }
0x1a7: {  	s23 =	rddreg [dreg:$0xd]  }
0x1a8: {  	[hbm:s23], [sflag:s18] =	dma.local [spmem:s19], $0x4F0  }
0x1a9: {  	_ =	swait.ge [sflag:s1], $0x4F0  }
0x1aa: {  	[sflag:s1] =	ssyncset.done $0x0  }
0x1ab: {  	s25 =	rddreg [dreg:$0xb];
	[sflag:s1] =	ssyncadd.s32 $0xFFFFFB10  }
0x1ac: {  	[hbm:s25], [sflag:s18] =	dma.local [spmem:s21], $0x4F  }
0x1ad: {  	_ =	swait.ge [sflag:s1], $0x4F  }
0x1ae: {  	[sflag:s1] =	ssyncset.done $0x0  }
0x1af: {  	[sflag:s1] =	ssyncadd.s32 $0xFFFFFFB1  }
0x1b0: {  	[bflag:$0x0] =	sbarrier.arrive $0xFFFF  }
0x1b1: {  	s26 =	simm.s32 $0x100000;
	_ =	strace $0x80000048  }
0x1b2: {  	s23 =	simm.s32 $0x0;
	[smem:s26], [sflag:$0x0] =	smem.add.s32 $0x0  }
0x1b3: {  	_ =	swait.done [sflag:s23]  }
0x1b4: {  	s24 =	ssyncread [sflag:$0x0];
	_ =	sdelay $0x1  }
0x1b5: {  	s25 =	rddreg [dreg:$0xf]  }
0x1b6: {  	s28 =	rddreg [dreg:$0x15];
	s24 =	sadd.s32 s25, s24  }
0x1b7: {  	s22 =	sor.u32 s28, s22;
	s24 =	sshll.u32 s24, $0x11  }
0x1b8: {  	[sflag:s23] =	ssyncset.s32 $0x0;
	s22 =	sor.u32 s24, s22  }
0x1b9: {  	[sflag:s23] =	ssyncset.done $0x0;
	s22 =	sor.u32 $0x1C03, s22  }
0x1ba: {  	[sflag:s22] =	ssyncadd.remote.s32 $0x1  }
0x1bb: {  	_ =	swait.ge [sflag:s14], $0x1  }
0x1bc: {  	[sflag:s14] =	ssyncset.done $0x0  }
0x1bd: {  	[sflag:s14] =	ssyncadd.s32 $0xFFFFFFFF  }
0x1be: {  	s29 =	simm.s32 $0x11A88;
	_ =	strace $0x90000048  }
0x1bf: {  	[tilespmem:s29], [sflag:$0x4] =	stream.linear.gather [hbm4b:s20+s23], $0x2780, $0x38;
	[tilespmem:$0x1C298] =	vst v63  }
0x1c0: {  	_ =	swait.ge [sflag:s1], $0x2780  }
0x1c1: {  	[sflag:s1] =	ssyncset.done $0x0  }
0x1c2: {  	s31 =	simm.s32 $0x14208;
	s30 =	rddreg [dreg:$0x17];
	[sflag:s1] =	ssyncadd.s32 $0xFFFFD880  }
0x1c3: {  	[tilespmem:s31], [sflag:$0x4] =	stream.linear.gather [hbm4b:s30+s23], $0x2780, $0x38;
	[tilespmem:$0x1C298] =	vst v63  }
0x1c4: {  	_ =	swait.ge [sflag:s1], $0x2780  }
0x1c5: {  	[sflag:s1] =	ssyncset.done $0x0  }
0x1c6: {  	s25 =	simm.s32 $0x16988;
	[sflag:s1] =	ssyncadd.s32 $0xFFFFD880  }
0x1c7: {  	[tilespmem:s25], [sflag:$0x4] =	stream.linear.gather [hbm4b:s17+s23], $0x278, $0x38;
	[tilespmem:$0x1C298] =	vst v63  }
0x1c8: {  	_ =	swait.ge [sflag:s1], $0x278  }
0x1c9: {  	[sflag:s1] =	ssyncset.done $0x0  }
0x1ca: {  	s26 =	simm.s32 $0x16C00;
	[sflag:s1] =	ssyncadd.s32 $0xFFFFFD88  }
0x1cb: {  	[tilespmem:s26], [sflag:$0x4] =	stream.linear.gather [hbm4b:s3+s23], $0x278, $0x38;
	[tilespmem:$0x1C298] =	vst v63  }
0x1cc: {  	_ =	swait.ge [sflag:s1], $0x278  }
0x1cd: {  	[sflag:s1] =	ssyncset.done $0x0  }
0x1ce: {  	[sflag:s1] =	ssyncadd.s32 $0xFFFFFD88  }
0x1cf: {  	s29 =	simm.s32 $0x1BD98;
	s28 =	rddreg [dreg:$0x2]  }
0x1d0: {  	[tilespmem:s29], [sflag:$0x4] =	stream.linear.gather [hbm4b:s28+s23], $0x10, $0x38;
	[tilespmem:$0x1C298] =	vst v63  }
0x1d1: {  	_ =	swait.ge [sflag:s1], $0x10  }
0x1d2: {  	[sflag:s1] =	ssyncset.done $0x0  }
0x1d3: {  	s31 =	simm.s32 $0x1BD78;
	s30 =	rddreg [dreg:$0x8];
	[sflag:s1] =	ssyncadd.s32 $0xFFFFFFF0  }
0x1d4: {  	[tilespmem:s31], [sflag:$0x4] =	stream.linear.gather [hbm4b:s30+s23], $0x20, $0x38;
	[tilespmem:$0x1C298] =	vst v63  }
0x1d5: {  	_ =	swait.ge [sflag:s1], $0x20  }
0x1d6: {  	[sflag:s1] =	ssyncset.done $0x0  }
0x1d7: {  	[sflag:s1] =	ssyncadd.s32 $0xFFFFFFE0  }
0x1d8: {  	v34 =	vld [tilespmem:$0x1BD78]  }
0x1d9: {  	v35 =	vld [tilespmem:$0x1BD88];
	_ =	sdelay $0x4  }
0x1da: {  	v3 =	vbroadcast v34, $0x0;
	v4 =	vbroadcast v35, $0x0  }
0x1db: {  	v5 =	vbroadcast v34, $0x1;
	v6 =	vbroadcast v35, $0x1  }
0x1dc: {  	v7 =	vbroadcast v34, $0x2;
	v8 =	vbroadcast v35, $0x2  }
0x1dd: {  	v9 =	vbroadcast v34, $0x3;
	v10 =	vbroadcast v35, $0x3  }
0x1de: {  	v11 =	vbroadcast v34, $0x4;
	v12 =	vbroadcast v35, $0x4  }
0x1df: {  	v13 =	vbroadcast v34, $0x5;
	v14 =	vbroadcast v35, $0x5  }
0x1e0: {  	v15 =	vbroadcast v34, $0x6;
	v16 =	vbroadcast v35, $0x6  }
0x1e1: {  	v17 =	vbroadcast v34, $0x7;
	v18 =	vbroadcast v35, $0x7  }
0x1e2: {  	v19 =	vbroadcast v34, $0x8;
	v20 =	vbroadcast v35, $0x8  }
0x1e3: {  	v21 =	vbroadcast v34, $0x9;
	v22 =	vbroadcast v35, $0x9  }
0x1e4: {  	v23 =	vbroadcast v34, $0xA;
	v24 =	vbroadcast v35, $0xA  }
0x1e5: {  	v25 =	vbroadcast v34, $0xB;
	v26 =	vbroadcast v35, $0xB  }
0x1e6: {  	v27 =	vbroadcast v34, $0xC;
	v28 =	vbroadcast v35, $0xC  }
0x1e7: {  	v29 =	vbroadcast v34, $0xD;
	v30 =	vbroadcast v35, $0xD  }
0x1e8: {  	v31 =	vbroadcast v34, $0xE;
	v32 =	vbroadcast v35, $0xE  }
0x1e9: {  	v33 =	vld [tilespmem:$0x1BD98];
	v34 =	vbroadcast v34, $0xF;
	v35 =	vbroadcast v35, $0xF  }
.LBB2_8:
0x1ea: {  	s22 =	smin.u32 s23, $0x268  }
0x1eb: {  	v36 =	vld [tilespmem:s22+$0x16988]  }
0x1ec: {  	v37 =	vld [tilespmem:s22+$0x16C00];
	_ =	sdelay $0x4  }
0x1ed: {  	v36 =	vadd.f32 v37, v36;
	_ =	sdelay $0x1  }
0x1ee: {  	vm0 =	veq.f32 v36, $0.0e+00  }
0x1ef: {  	v36 =	vsel vm0, $0x3F800000, v36  }
0x1f0: {  	(erf) = vrcp.f32 v36  }
0x1f1: {  	s24 =	sshll.u32 s22, $0x4  }
0x1f2: {  	v53 =	vld [tilespmem:s24+$0x11A88]  }
0x1f3: {  	v54 =	vld [tilespmem:s24+$0x14208]  }
0x1f4: {  	v38 =	vld [tilespmem:s24+$0x11A98]  }
0x1f5: {  	v39 =	vld [tilespmem:s24+$0x14218]  }
0x1f6: {  	v40 =	vld [tilespmem:s24+$0x11AA8]  }
0x1f7: {  	v42 =	vld [tilespmem:s24+$0x14228]  }
0x1f8: {  	v43 =	vld [tilespmem:s24+$0x11AB8]  }
0x1f9: {  	v44 =	vld [tilespmem:s24+$0x14238];
	v41 =	vpop (erf)  }
0x1fa: {  	v58 =	vld [tilespmem:s24+$0x11AC8];
	v36 =	vadd.f32 v54, v53;
	v55 =	vbroadcast v41, $0x0  }
0x1fb: {  	v45 =	vld [tilespmem:s24+$0x14248]  }
0x1fc: {  	v59 =	vld [tilespmem:s24+$0x11AD8];
	v56 =	vadd.f32 v39, v38;
	v57 =	vbroadcast v41, $0x1;
	v36 =	vmul.f32 v55, v36  }
0x1fd: {  	v46 =	vld [tilespmem:s24+$0x14258];
	v40 =	vadd.f32 v42, v40  }
0x1fe: {  	v47 =	vld [tilespmem:s24+$0x11AE8];
	v52 =	vbroadcast v41, $0x2;
	v37 =	vmul.f32 v56, v57;
	v36 =	vadd.f32 v36, v33  }
0x1ff: {  	v48 =	vld [tilespmem:s24+$0x11AF8];
	v53 =	vadd.f32 v44, v43;
	v54 =	vbroadcast v41, $0x3  }
0x200: {  	v49 =	vld [tilespmem:s24+$0x14278];
	v40 =	vmul.f32 v40, v52;
	v37 =	vadd.f32 v37, v33;
	v36 =	vmax.f32 v36, $0.0e+00  }
0x201: {  	v51 =	vld [tilespmem:s24+$0x11B08];
	v39 =	vadd.f32 v45, v58;
	v60 =	vbroadcast v41, $0x4;
	[tilespmem:s24+$0x16E78] =	vst v36  }
0x202: {  	v58 =	vld [tilespmem:s24+$0x14288];
	v63 =	vmul.f32 v53, v54;
	v62 =	vadd.f32 v40, v33;
	v61 =	vmax.f32 v37, $0.0e+00;
	[tilespmem:s24+$0x195F8] =	vst v36  }
0x203: {  	v38 =	vadd.f32 v46, v59;
	v50 =	vbroadcast v41, $0x5;
	v55 =	vld [tilespmem:s24+$0x14268];
	[tilespmem:s24+$0x16E88] =	vst v61  }
0x204: {  	v39 =	vmul.f32 v39, v60;
	v57 =	vadd.f32 v63, v33;
	v56 =	vmax.f32 v62, $0.0e+00;
	[tilespmem:s24+$0x19608] =	vst v61  }
0x205: {  	v59 =	vld [tilespmem:s24+$0x11B18];
	v38 =	vmul.f32 v38, v50;
	v53 =	vadd.f32 v49, v48;
	[tilespmem:s24+$0x16E98] =	vst v56  }
0x206: {  	v54 =	vbroadcast v41, $0x7;
	v39 =	vadd.f32 v39, v33;
	v63 =	vld [tilespmem:s24+$0x14298];
	v60 =	vmax.f32 v57, $0.0e+00;
	[tilespmem:s24+$0x19618] =	vst v56  }
0x207: {  	v38 =	vadd.f32 v38, v33;
	v40 =	vadd.f32 v58, v51;
	v58 =	vld [tilespmem:s24+$0x142B8];
	v62 =	vbroadcast v41, $0x6;
	[tilespmem:s24+$0x16EA8] =	vst v60  }
0x208: {  	v39 =	vmax.f32 v39, $0.0e+00;
	v37 =	vmul.f32 v53, v54;
	v61 =	vadd.f32 v55, v47;
	v47 =	vld [tilespmem:s24+$0x11B28];
	[tilespmem:s24+$0x19628] =	vst v60  }
0x209: {  	v55 =	vld [tilespmem:s24+$0x142A8];
	[tilespmem:s24+$0x16EB8] =	vst v39;
	v56 =	vbroadcast v41, $0x8  }
0x20a: {  	v57 =	vld [tilespmem:s24+$0x11B38];
	v38 =	vmax.f32 v38, $0.0e+00;
	[tilespmem:s24+$0x19638] =	vst v39;
	v37 =	vadd.f32 v37, v33;
	v52 =	vmul.f32 v61, v62  }
0x20b: {  	[tilespmem:s24+$0x16EC8] =	vst v38;
	v60 =	vbroadcast v41, $0x9;
	v40 =	vmul.f32 v40, v56;
	v61 =	vld [tilespmem:s24+$0x11B48]  }
0x20c: {  	[tilespmem:s24+$0x19648] =	vst v38;
	v59 =	vadd.f32 v63, v59;
	v62 =	vld [tilespmem:s24+$0x142C8];
	v49 =	vmax.f32 v37, $0.0e+00;
	v36 =	vadd.f32 v52, v33  }
0x20d: {  	v51 =	vbroadcast v41, $0xA;
	v63 =	vld [tilespmem:s24+$0x11B58];
	v40 =	vadd.f32 v40, v33;
	[tilespmem:s24+$0x16EE8] =	vst v49  }
0x20e: {  	v42 =	vmul.f32 v59, v60;
	v52 =	vld [tilespmem:s24+$0x142D8];
	[tilespmem:s24+$0x19668] =	vst v49;
	v50 =	vadd.f32 v55, v47;
	v36 =	vmax.f32 v36, $0.0e+00  }
0x20f: {  	v56 =	vld [tilespmem:s24+$0x11B68];
	v54 =	vadd.f32 v58, v57;
	v55 =	vbroadcast v41, $0xB;
	[tilespmem:s24+$0x16ED8] =	vst v36  }
0x210: {  	v58 =	vld [tilespmem:s24+$0x142E8];
	v40 =	vmax.f32 v40, $0.0e+00;
	v42 =	vadd.f32 v42, v33;
	[tilespmem:s24+$0x19658] =	vst v36;
	v53 =	vmul.f32 v50, v51  }
0x211: {  	v57 =	vbroadcast v41, $0xC;
	[tilespmem:s24+$0x16EF8] =	vst v40;
	v38 =	vadd.f32 v62, v61  }
0x212: {  	v60 =	vld [tilespmem:s24+$0x11B78];
	[tilespmem:s24+$0x19678] =	vst v40;
	v37 =	vmul.f32 v54, v55;
	v59 =	vmax.f32 v42, $0.0e+00;
	v36 =	vadd.f32 v53, v33  }
0x213: {  	v62 =	vbroadcast v41, $0xD;
	[tilespmem:s24+$0x16F08] =	vst v59;
	v61 =	vadd.f32 v52, v63;
	v63 =	vld [tilespmem:s24+$0x142F8]  }
0x214: {  	v38 =	vmul.f32 v38, v57;
	[tilespmem:s24+$0x19688] =	vst v59;
	v37 =	vadd.f32 v37, v33;
	v36 =	vmax.f32 v36, $0.0e+00  }
0x215: {  	v50 =	vbroadcast v41, $0xE;
	v49 =	vadd.f32 v58, v56;
	[tilespmem:s24+$0x16F18] =	vst v36  }
0x216: {  	v38 =	vadd.f32 v38, v33;
	v46 =	vmul.f32 v61, v62;
	v48 =	vmax.f32 v37, $0.0e+00;
	[tilespmem:s24+$0x19698] =	vst v36  }
0x217: {  	v53 =	vbroadcast v41, $0xF;
	v51 =	vmul.f32 v49, v50;
	[tilespmem:s24+$0x16F28] =	vst v48  }
0x218: {  	[tilespmem:s24+$0x196A8] =	vst v48;
	v38 =	vmax.f32 v38, $0.0e+00;
	v40 =	vadd.f32 v46, v33;
	v52 =	vadd.f32 v63, v60  }
0x219: {  	v54 =	vmov s22;
	[tilespmem:s24+$0x16F38] =	vst v38  }
0x21a: {  	v36 =	vadd.f32 v51, v33;
	[tilespmem:s24+$0x196B8] =	vst v38;
	v40 =	vmax.f32 v40, $0.0e+00;
	v37 =	vmul.f32 v52, v53  }
0x21b: {  	v38 =	vshll.u32 v54, $0x4;
	[tilespmem:s24+$0x16F48] =	vst v40  }
0x21c: {  	v36 =	vmax.f32 v36, $0.0e+00;
	v38 =	vadd.s32 v1, v38;
	[tilespmem:s24+$0x196C8] =	vst v40;
	v37 =	vadd.f32 v37, v33  }
0x21d: {  	[tilespmem:s24+$0x16F58] =	vst v36  }
0x21e: {  	[tilespmem:s24+$0x196D8] =	vst v36;
	v56 =	vor.u32 $0x1, v38;
	v55 =	vmax.f32 v37, $0.0e+00  }
0x21f: {  	[tilespmem:s24+$0x16F68] =	vst v55  }
0x220: {  	v57 =	vor.u32 $0x2, v38;
	[tilespmem:s24+$0x196E8] =	vst v55  }
0x221: {  	v58 =	vld.idx.msk [tilespmem:v38+s15+$0x0], $0xffff  }
0x222: {  	v59 =	vor.u32 $0x3, v38  }
0x223: {  	v37 =	vld.idx.msk [tilespmem:v56+s15+$0x0], $0xffff  }
0x224: {  	v60 =	vor.u32 $0x4, v38  }
0x225: {  	v36 =	vld.idx.msk [tilespmem:v57+s15+$0x0], $0xffff  }
0x226: {  	v62 =	vor.u32 $0x5, v38;
	v61 =	vmul.f32 v58, v3  }
0x227: {  	v40 =	vld.idx.msk [tilespmem:v59+s15+$0x0], $0xffff;
	v39 =	vmul.f32 v58, v4  }
0x228: {  	v48 =	vor.u32 $0x6, v38;
	v63 =	vmul.f32 v37, v5;
	v42 =	vadd.f32 $0.0e+00, v61  }
0x229: {  	v41 =	vld.idx.msk [tilespmem:v60+s15+$0x0], $0xffff;
	v37 =	vmul.f32 v37, v6;
	v39 =	vadd.f32 $0.0e+00, v39  }
0x22a: {  	v50 =	vor.u32 $0x7, v38;
	v49 =	vmul.f32 v36, v7;
	v42 =	vadd.f32 v63, v42  }
0x22b: {  	v51 =	vld.idx.msk [tilespmem:v62+s15+$0x0], $0xffff;
	v36 =	vmul.f32 v36, v8;
	v37 =	vadd.f32 v37, v39  }
0x22c: {  	v53 =	vor.u32 $0x8, v38;
	v52 =	vmul.f32 v40, v9;
	v42 =	vadd.f32 v49, v42  }
0x22d: {  	v55 =	vld.idx.msk [tilespmem:v48+s15+$0x0], $0xffff;
	v54 =	vmul.f32 v40, v10;
	v36 =	vadd.f32 v36, v37  }
0x22e: {  	v57 =	vor.u32 $0x9, v38;
	v56 =	vmul.f32 v41, v11;
	v42 =	vadd.f32 v52, v42  }
0x22f: {  	v59 =	vld.idx.msk [tilespmem:v50+s15+$0x0], $0xffff;
	v58 =	vmul.f32 v41, v12;
	v36 =	vadd.f32 v54, v36  }
0x230: {  	v60 =	vmul.f32 v51, v13;
	v61 =	vor.u32 $0xA, v38;
	v42 =	vadd.f32 v56, v42  }
0x231: {  	v62 =	vmul.f32 v51, v14;
	v63 =	vld.idx.msk [tilespmem:v53+s15+$0x0], $0xffff;
	v36 =	vadd.f32 v58, v36  }
0x232: {  	v48 =	vmul.f32 v55, v15;
	v49 =	vor.u32 $0xB, v38;
	v42 =	vadd.f32 v60, v42  }
0x233: {  	v50 =	vmul.f32 v55, v16;
	v51 =	vld.idx.msk [tilespmem:v57+s15+$0x0], $0xffff;
	v36 =	vadd.f32 v62, v36  }
0x234: {  	v53 =	vor.u32 $0xC, v38;
	v52 =	vmul.f32 v59, v17;
	v42 =	vadd.f32 v48, v42  }
0x235: {  	v55 =	vld.idx.msk [tilespmem:v61+s15+$0x0], $0xffff;
	v54 =	vmul.f32 v59, v18;
	v36 =	vadd.f32 v50, v36  }
0x236: {  	v57 =	vor.u32 $0xD, v38;
	v56 =	vmul.f32 v63, v19;
	v42 =	vadd.f32 v52, v42  }
0x237: {  	v58 =	vmul.f32 v63, v20;
	v59 =	vld.idx.msk [tilespmem:v49+s15+$0x0], $0xffff;
	v36 =	vadd.f32 v54, v36  }
0x238: {  	v61 =	vor.u32 $0xE, v38;
	v60 =	vmul.f32 v51, v21;
	v42 =	vadd.f32 v56, v42  }
0x239: {  	v63 =	vld.idx.msk [tilespmem:v53+s15+$0x0], $0xffff;
	v62 =	vmul.f32 v51, v22;
	v36 =	vadd.f32 v58, v36  }
0x23a: {  	v38 =	vor.u32 $0xF, v38;
	v45 =	vmul.f32 v55, v23;
	v42 =	vadd.f32 v60, v42  }
0x23b: {  	v47 =	vmul.f32 v55, v24;
	v48 =	vld.idx.msk [tilespmem:v57+s15+$0x0], $0xffff;
	v36 =	vadd.f32 v62, v36  }
0x23c: {  	v49 =	vmul.f32 v59, v25;
	v42 =	vadd.f32 v45, v42  }
0x23d: {  	v51 =	vld.idx.msk [tilespmem:v61+s15+$0x0], $0xffff;
	v50 =	vmul.f32 v59, v26;
	v36 =	vadd.f32 v47, v36  }
0x23e: {  	v52 =	vmul.f32 v63, v27;
	v42 =	vadd.f32 v49, v42  }
0x23f: {  	v38 =	vld.idx.msk [tilespmem:v38+s15+$0x0], $0xffff;
	v53 =	vmul.f32 v63, v28;
	v36 =	vadd.f32 v50, v36  }
0x240: {  	v55 =	vmul.f32 v48, v29;
	v54 =	vadd.f32 v52, v42  }
0x241: {  	s22 =	sadd.s32 s9, s22;
	v56 =	vmul.f32 v48, v30;
	v36 =	vadd.f32 v53, v36  }
0x242: {  	s22 =	sshll.u32 s22, $0x1;
	v57 =	vmul.f32 v51, v31;
	v40 =	vadd.f32 v55, v54  }
0x243: {  	v59 =	vadd.s32 s22, v0;
	v58 =	vmul.f32 v51, v32;
	v36 =	vadd.f32 v56, v36  }
0x244: {  	p0 =	sne.s32 s23, $0x270;
	v61 =	vadd.s32 s22, v2;
	v60 =	vmul.f32 v38, v34;
	v40 =	vadd.f32 v57, v40  }
.Ltmp3:
0x245: {  	v62 =	vmul.f32 v38, v35;
	v36 =	vadd.f32 v58, v36;
	(pc) =	sbr.rel @p0 .LBB2_8-.Ltmp3, $4  }
0x246: {  	v63 =	vadd.f32 v60, v40  }
0x247: {  	v36 =	vadd.f32 v62, v36  }
0x248: {  	[tilespmem:v59+s5+$0x0] =	vst.idx.msk $0xffff, v63  }
0x249: {  	s23 =	sadd.s32 $0x10, s23;
	[tilespmem:v61+s5+$0x0] =	vst.idx.msk $0xffff, v36  }
0x24a: {  	s22 =	simm.s32 $0x0;
	s23 =	rddreg [dreg:$0xe];
	s24 =	simm.s32 $0x16E78  }
0x24b: {  	[hbm4b:s23+s22] =	stream.linear.scatter [tilespmem:s24], [sflag:$0x4], $0x2780, $0x38;
	[tilespmem:$0x1C298] =	vst v63  }
0x24c: {  	_ =	swait.ge [sflag:s1], $0x2780  }
0x24d: {  	[sflag:s1] =	ssyncset.done $0x0;
	s28 =	rddreg [dreg:$0x10]  }
0x24e: {  	s29 =	rddreg [dreg:$0x11];
	[sflag:s1] =	ssyncadd.s32 $0xFFFFD880  }
0x24f: {  	[spmem:s28] =	stream.linear.scatter [tilespmem:s29], [sflag:$0x4], $0x4F0, $0x38;
	[tilespmem:$0x1C298] =	vst v63  }
0x250: {  	_ =	swait.ge [sflag:s1], $0x4F0  }
0x251: {  	[sflag:s1] =	ssyncset.done $0x0  }
0x252: {  	[sflag:s1] =	ssyncadd.s32 $0xFFFFFB10  }
0x253: {  	[bflag:$0x0] =	sbarrier.arrive $0xFFFF  }
0x254: {  	s31 =	rddreg [dreg:$0x5]  }
0x255: {  	[tilespmem:s5], [sflag:$0x4] =	stream.linear.gather [spmem:s31], $0x4F00, $0x38;
	[tilespmem:$0x1C298] =	vst v63  }
0x256: {  	_ =	swait.ge [sflag:s1], $0x4F00  }
0x257: {  	[sflag:s1] =	ssyncset.done $0x0  }
0x258: {  	[sflag:s1] =	ssyncadd.s32 $0xFFFFB100  }
0x259: {  	[spmem:s19], [sflag:s18] =	dma.local [hbm:s11], $0x4F0  }
0x25a: {  	_ =	swait.ge [sflag:s1], $0x4F0  }
0x25b: {  	[sflag:s1] =	ssyncset.done $0x0  }
0x25c: {  	[sflag:s1] =	ssyncadd.s32 $0xFFFFFB10  }
0x25d: {  	[spmem:s21], [sflag:s18] =	dma.local [hbm:s12], $0x4F  }
0x25e: {  	_ =	swait.ge [sflag:s1], $0x4F  }
0x25f: {  	[sflag:s1] =	ssyncset.done $0x0  }
0x260: {  	s22 =	simm.s32 $0x0;
	[sflag:s1] =	ssyncadd.s32 $0xFFFFFFB1  }
0x261: {  	v3 =	vld [tilespmem:s22+$0x2880]  }
0x262: {  	v4 =	vld [tilespmem:s22+$0x0];
	_ =	sdelay $0x4  }
0x263: {  	v3 =	vshll.u32 v3, $0x1;
	v4 =	vshll.u32 v4, $0x1  }
0x264: {  	v3 =	vor.u32 $0x1, v3;
	_ =	sdelay $0x3  }
0x265: {  	v4 =	vld.idx.msk [tilespmem:v4+s5+$0x0], $0xffff  }
0x266: {  	v3 =	vld.idx.msk [tilespmem:v3+s5+$0x0], $0xffff;
	_ =	sdelay $0x4  }
0x267: {  	v3 =	vadd.f32 v3, v4;
	_ =	sdelay $0x1  }
0x268: {  	v4 =	vmul.f32 $2.000000030e-01, v3  }
0x269: {  	vm0 =	vge.f32 v3, $0.0e+00  }
0x26a: {  	v3 =	vsel vm0, v3, v4  }
0x26b: {  	v3 =	vmul.f32 $1.442695020e+00, v3;
	_ =	sdelay $0x1  }
0x26c: {  	v5 =	vld [tilespmem:s22+$0x10];
	(erf) = vpow2.f32 v3  }
0x26d: {  	v6 =	vld [tilespmem:s22+$0x2890];
	_ =	sdelay $0x4  }
0x26e: {  	v6 =	vshll.u32 v6, $0x1;
	v5 =	vshll.u32 v5, $0x1  }
0x26f: {  	v6 =	vor.u32 $0x1, v6;
	_ =	sdelay $0x1  }
0x270: {  	v17 =	vpop (erf)  }
0x271: {  	[tilespmem:s22+$0xA000] =	vst v17  }
0x272: {  	v5 =	vld.idx.msk [tilespmem:v5+s5+$0x0], $0xffff  }
0x273: {  	v6 =	vld.idx.msk [tilespmem:v6+s5+$0x0], $0xffff;
	_ =	sdelay $0x4  }
0x274: {  	v5 =	vadd.f32 v6, v5;
	_ =	sdelay $0x1  }
0x275: {  	v6 =	vmul.f32 $2.000000030e-01, v5  }
0x276: {  	vm9 =	vge.f32 v5, $0.0e+00  }
0x277: {  	v5 =	vsel vm9, v5, v6  }
0x278: {  	v5 =	vmul.f32 $1.442695020e+00, v5;
	_ =	sdelay $0x1  }
0x279: {  	v7 =	vld [tilespmem:s22+$0x28A0];
	(erf) = vpow2.f32 v5  }
0x27a: {  	v4 =	vld [tilespmem:s22+$0x20];
	_ =	sdelay $0x4  }
0x27b: {  	v4 =	vshll.u32 v4, $0x1;
	v5 =	vshll.u32 v7, $0x1  }
0x27c: {  	v5 =	vor.u32 $0x1, v5;
	_ =	sdelay $0x1  }
0x27d: {  	v6 =	vpop (erf)  }
0x27e: {  	[tilespmem:s22+$0xA010] =	vst v6  }
0x27f: {  	v4 =	vld.idx.msk [tilespmem:v4+s5+$0x0], $0xffff  }
0x280: {  	v5 =	vld.idx.msk [tilespmem:v5+s5+$0x0], $0xffff;
	_ =	sdelay $0x4  }
0x281: {  	v4 =	vadd.f32 v5, v4;
	_ =	sdelay $0x1  }
0x282: {  	v5 =	vmul.f32 $2.000000030e-01, v4  }
0x283: {  	vm10 =	vge.f32 v4, $0.0e+00  }
0x284: {  	v4 =	vsel vm10, v4, v5  }
0x285: {  	v4 =	vmul.f32 $1.442695020e+00, v4;
	_ =	sdelay $0x1  }
0x286: {  	v8 =	vld [tilespmem:s22+$0x30];
	(erf) = vpow2.f32 v4  }
0x287: {  	v3 =	vld [tilespmem:s22+$0x28B0];
	_ =	sdelay $0x4  }
0x288: {  	v3 =	vshll.u32 v3, $0x1;
	v4 =	vshll.u32 v8, $0x1  }
0x289: {  	v3 =	vor.u32 $0x1, v3;
	_ =	sdelay $0x1  }
0x28a: {  	v5 =	vpop (erf)  }
0x28b: {  	[tilespmem:s22+$0xA020] =	vst v5  }
0x28c: {  	v4 =	vld.idx.msk [tilespmem:v4+s5+$0x0], $0xffff  }
0x28d: {  	v3 =	vld.idx.msk [tilespmem:v3+s5+$0x0], $0xffff;
	_ =	sdelay $0x4  }
0x28e: {  	v3 =	vadd.f32 v3, v4;
	_ =	sdelay $0x1  }
0x28f: {  	v4 =	vmul.f32 $2.000000030e-01, v3  }
0x290: {  	vm11 =	vge.f32 v3, $0.0e+00  }
0x291: {  	v3 =	vsel vm11, v3, v4  }
0x292: {  	v3 =	vmul.f32 $1.442695020e+00, v3;
	_ =	sdelay $0x1  }
0x293: {  	v9 =	vld [tilespmem:s22+$0x40];
	(erf) = vpow2.f32 v3  }
0x294: {  	v10 =	vld [tilespmem:s22+$0x28C0];
	_ =	sdelay $0x4  }
0x295: {  	v4 =	vshll.u32 v9, $0x1;
	v3 =	vshll.u32 v10, $0x1  }
0x296: {  	v3 =	vor.u32 $0x1, v3;
	_ =	sdelay $0x1  }
0x297: {  	v5 =	vpop (erf)  }
0x298: {  	[tilespmem:s22+$0xA030] =	vst v5  }
0x299: {  	v4 =	vld.idx.msk [tilespmem:v4+s5+$0x0], $0xffff  }
0x29a: {  	v3 =	vld.idx.msk [tilespmem:v3+s5+$0x0], $0xffff;
	_ =	sdelay $0x4  }
0x29b: {  	v3 =	vadd.f32 v3, v4;
	_ =	sdelay $0x1  }
0x29c: {  	v4 =	vmul.f32 $2.000000030e-01, v3  }
0x29d: {  	vm12 =	vge.f32 v3, $0.0e+00  }
0x29e: {  	v3 =	vsel vm12, v3, v4  }
0x29f: {  	v3 =	vmul.f32 $1.442695020e+00, v3;
	_ =	sdelay $0x1  }
0x2a0: {  	v11 =	vld [tilespmem:s22+$0x50];
	(erf) = vpow2.f32 v3  }
0x2a1: {  	v12 =	vld [tilespmem:s22+$0x28D0];
	_ =	sdelay $0x4  }
0x2a2: {  	v4 =	vshll.u32 v11, $0x1;
	v3 =	vshll.u32 v12, $0x1  }
0x2a3: {  	v3 =	vor.u32 $0x1, v3;
	_ =	sdelay $0x1  }
0x2a4: {  	v5 =	vpop (erf)  }
0x2a5: {  	[tilespmem:s22+$0xA040] =	vst v5  }
0x2a6: {  	v4 =	vld.idx.msk [tilespmem:v4+s5+$0x0], $0xffff  }
0x2a7: {  	v3 =	vld.idx.msk [tilespmem:v3+s5+$0x0], $0xffff;
	_ =	sdelay $0x4  }
0x2a8: {  	v3 =	vadd.f32 v3, v4;
	_ =	sdelay $0x1  }
0x2a9: {  	v4 =	vmul.f32 $2.000000030e-01, v3  }
0x2aa: {  	vm13 =	vge.f32 v3, $0.0e+00  }
0x2ab: {  	v3 =	vsel vm13, v3, v4  }
0x2ac: {  	v3 =	vmul.f32 $1.442695020e+00, v3;
	_ =	sdelay $0x1  }
0x2ad: {  	v13 =	vld [tilespmem:s22+$0x60];
	(erf) = vpow2.f32 v3  }
0x2ae: {  	v14 =	vld [tilespmem:s22+$0x28E0];
	_ =	sdelay $0x4  }
0x2af: {  	v4 =	vshll.u32 v13, $0x1;
	v3 =	vshll.u32 v14, $0x1  }
0x2b0: {  	v3 =	vor.u32 $0x1, v3;
	_ =	sdelay $0x1  }
0x2b1: {  	v5 =	vpop (erf)  }
0x2b2: {  	[tilespmem:s22+$0xA050] =	vst v5  }
0x2b3: {  	v4 =	vld.idx.msk [tilespmem:v4+s5+$0x0], $0xffff  }
0x2b4: {  	v3 =	vld.idx.msk [tilespmem:v3+s5+$0x0], $0xffff;
	_ =	sdelay $0x4  }
0x2b5: {  	v3 =	vadd.f32 v3, v4;
	_ =	sdelay $0x1  }
0x2b6: {  	v4 =	vmul.f32 $2.000000030e-01, v3  }
0x2b7: {  	vm14 =	vge.f32 v3, $0.0e+00  }
0x2b8: {  	v3 =	vsel vm14, v3, v4  }
0x2b9: {  	v3 =	vmul.f32 $1.442695020e+00, v3;
	_ =	sdelay $0x1  }
0x2ba: {  	v15 =	vld [tilespmem:s22+$0x28F0];
	(erf) = vpow2.f32 v3  }
0x2bb: {  	v16 =	vld [tilespmem:s22+$0x70];
	_ =	sdelay $0x4  }
0x2bc: {  	v4 =	vshll.u32 v16, $0x1;
	v3 =	vshll.u32 v15, $0x1  }
0x2bd: {  	v3 =	vor.u32 $0x1, v3;
	_ =	sdelay $0x1  }
0x2be: {  	v5 =	vpop (erf)  }
0x2bf: {  	[tilespmem:s22+$0xA060] =	vst v5  }
0x2c0: {  	v4 =	vld.idx.msk [tilespmem:v4+s5+$0x0], $0xffff  }
0x2c1: {  	v3 =	vld.idx.msk [tilespmem:v3+s5+$0x0], $0xffff;
	_ =	sdelay $0x4  }
0x2c2: {  	v3 =	vadd.f32 v3, v4;
	_ =	sdelay $0x1  }
0x2c3: {  	v4 =	vmul.f32 $2.000000030e-01, v3  }
0x2c4: {  	vm15 =	vge.f32 v3, $0.0e+00  }
0x2c5: {  	v3 =	vsel vm15, v3, v4  }
0x2c6: {  	v3 =	vmul.f32 $1.442695020e+00, v3  }
0x2c7: {  	s25 =	simm.s32 $0x80  }
0x2c8: {  	v4 =	vld [tilespmem:s25+$0x2880];
	(erf) = vpow2.f32 v3  }
0x2c9: {  	s30 =	simm.s32 $0xC890;
	s23 =	simm.s32 $0x400;
	v3 =	vld [tilespmem:s25+$0x0]  }
.LBB2_10:
0x2ca: {  	p0 =	sne.s32 s23, $0xA000;
	v11 =	vld [tilespmem:s25+$0x10];
	s24 =	smov.u32 s23;
	s23 =	sadd.s32 $0x200, s23  }
0x2cb: {  	v5 =	vld [tilespmem:s25+$0x2890]  }
0x2cc: {  	v12 =	vld [tilespmem:s25+$0x20]  }
0x2cd: {  	v4 =	vshll.u32 v4, $0x1;
	v6 =	vld [tilespmem:s25+$0x28A0]  }
0x2ce: {  	v3 =	vshll.u32 v3, $0x1;
	v4 =	vor.u32 $0x1, v4;
	v13 =	vld [tilespmem:s25+$0x30]  }
0x2cf: {  	v8 =	vld [tilespmem:s25+$0x28B0]  }
0x2d0: {  	v14 =	vshll.u32 v5, $0x1;
	v9 =	vld [tilespmem:s25+$0x40]  }
0x2d1: {  	v5 =	vld [tilespmem:s25+$0x28C0];
	v10 =	vpop (erf)  }
0x2d2: {  	v15 =	vshll.u32 v6, $0x1;
	v7 =	vld [tilespmem:s25+$0x50];
	[tilespmem:s22+$0xA070] =	vst v10;
	s22 =	smov.u32 s25  }
0x2d3: {  	v4 =	vld.idx.msk [tilespmem:v4+s5+$0x0], $0xffff  }
0x2d4: {  	v6 =	vld.idx.msk [tilespmem:v3+s5+$0x0], $0xffff;
	v16 =	vshll.u32 v8, $0x1  }
0x2d5: {  	v8 =	vld [tilespmem:s22+$0x28D0]  }
0x2d6: {  	v10 =	vshll.u32 v5, $0x1;
	v5 =	vld [tilespmem:s22+$0x60]  }
0x2d7: {  	v17 =	vld [tilespmem:s22+$0x28E0]  }
0x2d8: {  	v18 =	vld [tilespmem:s22+$0x28F0]  }
0x2d9: {  	v3 =	vld [tilespmem:s22+$0x70]  }
0x2da: {  	v19 =	vadd.f32 v4, v6;
	v8 =	vshll.u32 v8, $0x1;
	_ =	sdelay $0x1  }
0x2db: {  	v20 =	vmul.f32 $2.000000030e-01, v19;
	v6 =	vshll.u32 v17, $0x1  }
0x2dc: {  	vm0 =	vge.f32 v19, $0.0e+00;
	v4 =	vshll.u32 v18, $0x1  }
0x2dd: {  	v17 =	vsel vm0, v19, v20  }
0x2de: {  	v17 =	vmul.f32 $1.442695020e+00, v17;
	_ =	sdelay $0x1  }
0x2df: {  	(erf) = vpow2.f32 v17;
	_ =	sdelay $0x5  }
0x2e0: {  	v11 =	vshll.u32 v11, $0x1  }
0x2e1: {  	v14 =	vor.u32 $0x1, v14;
	_ =	sdelay $0x1  }
0x2e2: {  	v17 =	vpop (erf)  }
0x2e3: {  	[tilespmem:s22+$0xA000] =	vst v17  }
0x2e4: {  	v11 =	vld.idx.msk [tilespmem:v11+s5+$0x0], $0xffff  }
0x2e5: {  	v14 =	vld.idx.msk [tilespmem:v14+s5+$0x0], $0xffff;
	_ =	sdelay $0x5  }
0x2e6: {  	v11 =	vadd.f32 v14, v11;
	_ =	sdelay $0x1  }
0x2e7: {  	v14 =	vmul.f32 $2.000000030e-01, v11  }
0x2e8: {  	vm0 =	vge.f32 v11, $0.0e+00  }
0x2e9: {  	v11 =	vsel vm0, v11, v14  }
0x2ea: {  	v11 =	vmul.f32 $1.442695020e+00, v11;
	_ =	sdelay $0x1  }
0x2eb: {  	(erf) = vpow2.f32 v11;
	_ =	sdelay $0x5  }
0x2ec: {  	v11 =	vshll.u32 v12, $0x1  }
0x2ed: {  	v12 =	vor.u32 $0x1, v15;
	_ =	sdelay $0x1  }
0x2ee: {  	v14 =	vpop (erf)  }
0x2ef: {  	[tilespmem:s22+$0xA010] =	vst v14  }
0x2f0: {  	v11 =	vld.idx.msk [tilespmem:v11+s5+$0x0], $0xffff  }
0x2f1: {  	v12 =	vld.idx.msk [tilespmem:v12+s5+$0x0], $0xffff;
	_ =	sdelay $0x5  }
0x2f2: {  	v11 =	vadd.f32 v12, v11;
	_ =	sdelay $0x1  }
0x2f3: {  	v12 =	vmul.f32 $2.000000030e-01, v11  }
0x2f4: {  	vm0 =	vge.f32 v11, $0.0e+00  }
0x2f5: {  	v11 =	vsel vm0, v11, v12  }
0x2f6: {  	v11 =	vmul.f32 $1.442695020e+00, v11;
	_ =	sdelay $0x1  }
0x2f7: {  	(erf) = vpow2.f32 v11;
	_ =	sdelay $0x5  }
0x2f8: {  	v11 =	vshll.u32 v13, $0x1  }
0x2f9: {  	v12 =	vor.u32 $0x1, v16;
	_ =	sdelay $0x1  }
0x2fa: {  	v13 =	vpop (erf)  }
0x2fb: {  	[tilespmem:s22+$0xA020] =	vst v13  }
0x2fc: {  	v11 =	vld.idx.msk [tilespmem:v11+s5+$0x0], $0xffff  }
0x2fd: {  	v12 =	vld.idx.msk [tilespmem:v12+s5+$0x0], $0xffff;
	_ =	sdelay $0x5  }
0x2fe: {  	v11 =	vadd.f32 v12, v11;
	_ =	sdelay $0x1  }
0x2ff: {  	v12 =	vmul.f32 $2.000000030e-01, v11  }
0x300: {  	vm0 =	vge.f32 v11, $0.0e+00  }
0x301: {  	v11 =	vsel vm0, v11, v12  }
0x302: {  	v11 =	vmul.f32 $1.442695020e+00, v11;
	_ =	sdelay $0x1  }
0x303: {  	(erf) = vpow2.f32 v11;
	_ =	sdelay $0x5  }
0x304: {  	v9 =	vshll.u32 v9, $0x1  }
0x305: {  	v10 =	vor.u32 $0x1, v10;
	_ =	sdelay $0x1  }
0x306: {  	v11 =	vpop (erf)  }
0x307: {  	[tilespmem:s22+$0xA030] =	vst v11  }
0x308: {  	v9 =	vld.idx.msk [tilespmem:v9+s5+$0x0], $0xffff  }
0x309: {  	v10 =	vld.idx.msk [tilespmem:v10+s5+$0x0], $0xffff;
	_ =	sdelay $0x5  }
0x30a: {  	v9 =	vadd.f32 v10, v9;
	_ =	sdelay $0x1  }
0x30b: {  	v10 =	vmul.f32 $2.000000030e-01, v9  }
0x30c: {  	vm0 =	vge.f32 v9, $0.0e+00  }
0x30d: {  	v9 =	vsel vm0, v9, v10  }
0x30e: {  	v9 =	vmul.f32 $1.442695020e+00, v9;
	_ =	sdelay $0x1  }
0x30f: {  	(erf) = vpow2.f32 v9;
	_ =	sdelay $0x5  }
0x310: {  	v7 =	vshll.u32 v7, $0x1  }
0x311: {  	v8 =	vor.u32 $0x1, v8;
	_ =	sdelay $0x1  }
0x312: {  	v9 =	vpop (erf)  }
0x313: {  	[tilespmem:s22+$0xA040] =	vst v9  }
0x314: {  	v7 =	vld.idx.msk [tilespmem:v7+s5+$0x0], $0xffff  }
0x315: {  	v8 =	vld.idx.msk [tilespmem:v8+s5+$0x0], $0xffff;
	_ =	sdelay $0x5  }
0x316: {  	v7 =	vadd.f32 v8, v7;
	_ =	sdelay $0x1  }
0x317: {  	v8 =	vmul.f32 $2.000000030e-01, v7  }
0x318: {  	vm0 =	vge.f32 v7, $0.0e+00  }
0x319: {  	v7 =	vsel vm0, v7, v8  }
0x31a: {  	v7 =	vmul.f32 $1.442695020e+00, v7;
	_ =	sdelay $0x1  }
0x31b: {  	(erf) = vpow2.f32 v7;
	_ =	sdelay $0x5  }
0x31c: {  	v5 =	vshll.u32 v5, $0x1  }
0x31d: {  	v6 =	vor.u32 $0x1, v6;
	_ =	sdelay $0x1  }
0x31e: {  	v7 =	vpop (erf)  }
0x31f: {  	[tilespmem:s22+$0xA050] =	vst v7  }
0x320: {  	v5 =	vld.idx.msk [tilespmem:v5+s5+$0x0], $0xffff  }
0x321: {  	v6 =	vld.idx.msk [tilespmem:v6+s5+$0x0], $0xffff;
	_ =	sdelay $0x5  }
0x322: {  	v5 =	vadd.f32 v6, v5;
	_ =	sdelay $0x1  }
0x323: {  	v6 =	vmul.f32 $2.000000030e-01, v5  }
0x324: {  	vm0 =	vge.f32 v5, $0.0e+00  }
0x325: {  	v5 =	vsel vm0, v5, v6  }
0x326: {  	v5 =	vmul.f32 $1.442695020e+00, v5;
	_ =	sdelay $0x1  }
0x327: {  	(erf) = vpow2.f32 v5;
	_ =	sdelay $0x5  }
0x328: {  	v3 =	vshll.u32 v3, $0x1;
	v4 =	vor.u32 $0x1, v4;
	_ =	sdelay $0x2  }
0x329: {  	v5 =	vpop (erf)  }
0x32a: {  	[tilespmem:s22+$0xA060] =	vst v5  }
0x32b: {  	v3 =	vld.idx.msk [tilespmem:v3+s5+$0x0], $0xffff  }
0x32c: {  	v4 =	vld.idx.msk [tilespmem:v4+s5+$0x0], $0xffff;
	_ =	sdelay $0x5  }
0x32d: {  	v3 =	vadd.f32 v4, v3;
	_ =	sdelay $0x1  }
0x32e: {  	vm0 =	vge.f32 v3, $0.0e+00;
	v4 =	vmul.f32 $2.000000030e-01, v3;
	_ =	sdelay $0x1  }
.Ltmp4:
0x32f: {  	v3 =	vsel vm0, v3, v4;
	(pc) =	sbr.rel @p0 .LBB2_10-.Ltmp4, $4  }
0x330: {  	v3 =	vmul.f32 $1.442695020e+00, v3  }
0x331: {  	s25 =	sshra.s32 s24, $0x2  }
0x332: {  	v4 =	vld [tilespmem:s25+$0x2880];
	(erf) = vpow2.f32 v3  }
0x333: {  	v3 =	vld [tilespmem:s25+$0x0]  }
0x334: {  	v5 =	vld [tilespmem:s25+$0x10]  }
0x335: {  	v6 =	vld [tilespmem:s25+$0x2890]  }
0x336: {  	v7 =	vld [tilespmem:s25+$0x20]  }
0x337: {  	v8 =	vld [tilespmem:s25+$0x28A0];
	v4 =	vshll.u32 v4, $0x1  }
0x338: {  	v9 =	vld [tilespmem:s25+$0x30];
	v4 =	vor.u32 $0x1, v4  }
0x339: {  	v10 =	vld [tilespmem:s25+$0x28B0];
	v3 =	vshll.u32 v3, $0x1  }
0x33a: {  	v11 =	vld [tilespmem:s25+$0x40]  }
0x33b: {  	v12 =	vld [tilespmem:s25+$0x28C0];
	v13 =	vpop (erf)  }
0x33c: {  	v14 =	vld [tilespmem:s25+$0x50];
	[tilespmem:s22+$0xA070] =	vst v13  }
0x33d: {  	v4 =	vld.idx.msk [tilespmem:v4+s5+$0x0], $0xffff  }
0x33e: {  	v3 =	vld.idx.msk [tilespmem:v3+s5+$0x0], $0xffff;
	_ =	sdelay $0x4  }
0x33f: {  	v3 =	vadd.f32 v4, v3;
	_ =	sdelay $0x1  }
0x340: {  	v4 =	vmul.f32 $2.000000030e-01, v3  }
0x341: {  	vm0 =	vge.f32 v3, $0.0e+00  }
0x342: {  	v3 =	vsel vm0, v3, v4  }
0x343: {  	v3 =	vmul.f32 $1.442695020e+00, v3;
	_ =	sdelay $0x1  }
0x344: {  	(erf) = vpow2.f32 v3;
	_ =	sdelay $0x5  }
0x345: {  	v47 =	vshll.u32 v6, $0x1;
	v5 =	vshll.u32 v5, $0x1  }
0x346: {  	v4 =	vor.u32 $0x1, v47;
	_ =	sdelay $0x1  }
0x347: {  	v17 =	vpop (erf)  }
0x348: {  	[tilespmem:s25+$0xA000] =	vst v17  }
0x349: {  	v5 =	vld.idx.msk [tilespmem:v5+s5+$0x0], $0xffff  }
0x34a: {  	v4 =	vld.idx.msk [tilespmem:v4+s5+$0x0], $0xffff;
	_ =	sdelay $0x4  }
0x34b: {  	v4 =	vadd.f32 v4, v5;
	_ =	sdelay $0x1  }
0x34c: {  	v5 =	vmul.f32 $2.000000030e-01, v4  }
0x34d: {  	vm9 =	vge.f32 v4, $0.0e+00  }
0x34e: {  	v4 =	vsel vm9, v4, v5  }
0x34f: {  	v4 =	vmul.f32 $1.442695020e+00, v4;
	_ =	sdelay $0x1  }
0x350: {  	(erf) = vpow2.f32 v4;
	_ =	sdelay $0x5  }
0x351: {  	v49 =	vshll.u32 v8, $0x1;
	v50 =	vshll.u32 v7, $0x1  }
0x352: {  	v4 =	vor.u32 $0x1, v49;
	_ =	sdelay $0x1  }
0x353: {  	v51 =	vpop (erf)  }
0x354: {  	[tilespmem:s25+$0xA010] =	vst v51  }
0x355: {  	v5 =	vld.idx.msk [tilespmem:v50+s5+$0x0], $0xffff  }
0x356: {  	v4 =	vld.idx.msk [tilespmem:v4+s5+$0x0], $0xffff;
	_ =	sdelay $0x4  }
0x357: {  	v4 =	vadd.f32 v4, v5;
	_ =	sdelay $0x1  }
0x358: {  	v5 =	vmul.f32 $2.000000030e-01, v4  }
0x359: {  	vm10 =	vge.f32 v4, $0.0e+00  }
0x35a: {  	v4 =	vsel vm10, v4, v5  }
0x35b: {  	v4 =	vmul.f32 $1.442695020e+00, v4;
	_ =	sdelay $0x1  }
0x35c: {  	(erf) = vpow2.f32 v4;
	_ =	sdelay $0x5  }
0x35d: {  	v52 =	vshll.u32 v10, $0x1;
	v53 =	vshll.u32 v9, $0x1  }
0x35e: {  	v4 =	vor.u32 $0x1, v52;
	_ =	sdelay $0x1  }
0x35f: {  	v54 =	vpop (erf)  }
0x360: {  	[tilespmem:s25+$0xA020] =	vst v54  }
0x361: {  	v5 =	vld.idx.msk [tilespmem:v53+s5+$0x0], $0xffff  }
0x362: {  	v4 =	vld.idx.msk [tilespmem:v4+s5+$0x0], $0xffff;
	_ =	sdelay $0x4  }
0x363: {  	v4 =	vadd.f32 v4, v5;
	_ =	sdelay $0x1  }
0x364: {  	v5 =	vmul.f32 $2.000000030e-01, v4  }
0x365: {  	vm11 =	vge.f32 v4, $0.0e+00  }
0x366: {  	v4 =	vsel vm11, v4, v5  }
0x367: {  	v4 =	vmul.f32 $1.442695020e+00, v4;
	_ =	sdelay $0x1  }
0x368: {  	(erf) = vpow2.f32 v4;
	_ =	sdelay $0x5  }
0x369: {  	v55 =	vshll.u32 v12, $0x1;
	v56 =	vshll.u32 v11, $0x1  }
0x36a: {  	v4 =	vor.u32 $0x1, v55;
	_ =	sdelay $0x1  }
0x36b: {  	v57 =	vpop (erf)  }
0x36c: {  	[tilespmem:s25+$0xA030] =	vst v57  }
0x36d: {  	v5 =	vld.idx.msk [tilespmem:v56+s5+$0x0], $0xffff  }
0x36e: {  	v4 =	vld.idx.msk [tilespmem:v4+s5+$0x0], $0xffff;
	_ =	sdelay $0x4  }
0x36f: {  	v4 =	vadd.f32 v4, v5;
	_ =	sdelay $0x1  }
0x370: {  	v5 =	vmul.f32 $2.000000030e-01, v4  }
0x371: {  	vm12 =	vge.f32 v4, $0.0e+00  }
0x372: {  	v4 =	vsel vm12, v4, v5  }
0x373: {  	v4 =	vmul.f32 $1.442695020e+00, v4;
	_ =	sdelay $0x1  }
0x374: {  	(erf) = vpow2.f32 v4  }
0x375: {  	v3 =	vld [tilespmem:s25+$0x28D0];
	_ =	sdelay $0x4  }
0x376: {  	v58 =	vshll.u32 v14, $0x1;
	v3 =	vshll.u32 v3, $0x1  }
0x377: {  	v3 =	vor.u32 $0x1, v3;
	_ =	sdelay $0x1  }
0x378: {  	v59 =	vpop (erf)  }
0x379: {  	[tilespmem:s25+$0xA040] =	vst v59  }
0x37a: {  	v4 =	vld.idx.msk [tilespmem:v58+s5+$0x0], $0xffff  }
0x37b: {  	v3 =	vld.idx.msk [tilespmem:v3+s5+$0x0], $0xffff;
	_ =	sdelay $0x4  }
0x37c: {  	v3 =	vadd.f32 v3, v4;
	_ =	sdelay $0x1  }
0x37d: {  	v4 =	vmul.f32 $2.000000030e-01, v3  }
0x37e: {  	vm13 =	vge.f32 v3, $0.0e+00  }
0x37f: {  	v3 =	vsel vm13, v3, v4  }
0x380: {  	v3 =	vmul.f32 $1.442695020e+00, v3;
	_ =	sdelay $0x1  }
0x381: {  	v48 =	vld [tilespmem:s25+$0x60];
	(erf) = vpow2.f32 v3  }
0x382: {  	v13 =	vld [tilespmem:s25+$0x28E0];
	_ =	sdelay $0x4  }
0x383: {  	v60 =	vshll.u32 v48, $0x1;
	v3 =	vshll.u32 v13, $0x1  }
0x384: {  	v3 =	vor.u32 $0x1, v3;
	_ =	sdelay $0x1  }
0x385: {  	v61 =	vpop (erf)  }
0x386: {  	[tilespmem:s25+$0xA050] =	vst v61  }
0x387: {  	v4 =	vld.idx.msk [tilespmem:v60+s5+$0x0], $0xffff  }
0x388: {  	v3 =	vld.idx.msk [tilespmem:v3+s5+$0x0], $0xffff;
	_ =	sdelay $0x4  }
0x389: {  	v3 =	vadd.f32 v3, v4;
	_ =	sdelay $0x1  }
0x38a: {  	v4 =	vmul.f32 $2.000000030e-01, v3  }
0x38b: {  	vm14 =	vge.f32 v3, $0.0e+00  }
0x38c: {  	v3 =	vsel vm14, v3, v4  }
0x38d: {  	v3 =	vmul.f32 $1.442695020e+00, v3;
	_ =	sdelay $0x1  }
0x38e: {  	v15 =	vld [tilespmem:s25+$0x28F0];
	(erf) = vpow2.f32 v3  }
0x38f: {  	v16 =	vld [tilespmem:s25+$0x70];
	_ =	sdelay $0x4  }
0x390: {  	v62 =	vshll.u32 v16, $0x1;
	v3 =	vshll.u32 v15, $0x1  }
0x391: {  	v3 =	vor.u32 $0x1, v3;
	_ =	sdelay $0x1  }
0x392: {  	v63 =	vpop (erf)  }
0x393: {  	[tilespmem:s25+$0xA060] =	vst v63  }
0x394: {  	v4 =	vld.idx.msk [tilespmem:v62+s5+$0x0], $0xffff  }
0x395: {  	v3 =	vld.idx.msk [tilespmem:v3+s5+$0x0], $0xffff;
	_ =	sdelay $0x4  }
0x396: {  	v3 =	vadd.f32 v3, v4;
	_ =	sdelay $0x1  }
0x397: {  	v4 =	vmul.f32 $2.000000030e-01, v3  }
0x398: {  	vm15 =	vge.f32 v3, $0.0e+00  }
0x399: {  	v3 =	vsel vm15, v3, v4  }
0x39a: {  	v3 =	vmul.f32 $1.442695020e+00, v3;
	_ =	sdelay $0x1  }
0x39b: {  	(erf) = vpow2.f32 v3;
	_ =	sdelay $0x8  }
0x39c: {  	v3 =	vpop (erf)  }
0x39d: {  	s23 =	simm.s32 $0xD890;
	p0 =	por $0x0, $0x0;
	[tilespmem:s25+$0xA070] =	vst v3  }
0x39e: {  	s24 =	simm.s32 $0xA000;
	s22 =	simm.s32 $0x0;
	[bflag:$0x0] =	sbarrier.arrive $0xFFFF  }
0x39f: {  	[tilespmem:s30], [sflag:$0x1] =	stream.indirect.gather [hbm4b:s13+s0], $0x10, s22, s0, $0xb8;
	[tilespmem:$0x1C298] =	vst v63  }
.LBB2_12:
0x3a0: {  	p1 =	seq.s32 s22, $0x50  }
0x3a1: {  	s25 =	sadd.s32 @!p1 $0x1, s22  }
0x3a2: {  	s26 =	sshll.u32 @!p1 s25, $0xB  }
0x3a3: {  	s28 =	smulhi.u32 $0xAAAAAAAB, s22;
	s25 =	sshll.u32 @!p1 s25, $0x7;
	s26 =	sand.u32 @!p1 $0x800, s26  }
0x3a4: {  	s29 =	simm.s32 @!p1 $0x80;
	s25 =	sand.u32 @!p1 $0x3FFFFF80, s25;
	s26 =	sadd.s32 @!p1 $0xC890, s26  }
0x3a5: {  	[tilespmem:s26], [sflag:$0x1] =	stream.indirect.gather @!p1 [hbm4b:s13+s29], $0x10, s25, s29, $0xb8;
	[tilespmem:$0x1C298] =	vst v63  }
0x3a6: {  	s25 =	sshrl.u32 s28, $0x1;
	_ =	swait.ge [sflag:s10], $0x800  }
0x3a7: {  	p1 =	slt.u32 s22, $0x3;
	s29 =	simm.s32 $0x1;
	[sflag:s10] =	ssyncset.done $0x0  }
0x3a8: {  	s28 =	simm.s32 @!p1 $0x2;
	s29 =	simm.s32 @!p0 $0x0;
	[sflag:s10] =	ssyncadd.s32 $0xFFFFF800  }
0x3a9: {  	s29 =	sshll.u32 s29, $0xB;
	_ =	swait.ge @!p1 [sflag:s28], $0x800  }
0x3aa: {  	s31 =	smul.u32 $0xFFFFA000, s25;
	s29 =	sadd.s32 $0xC890, s29;
	[sflag:s28] =	ssyncset.done @!p1 $0x0  }
0x3ab: {  	s25 =	smul.u32 $0x3, s25;
	v4 =	vmov s29;
	[sflag:s28] =	ssyncadd.s32 @!p1 $0xFFFFF800  }
0x3ac: {  	s26 =	sshra.s32 s31, $0x2;
	_ =	swait.ge @!p1 [sflag:s28], $0x80  }
0x3ad: {  	s25 =	ssub.s32 s22, s25;
	s26 =	sadd.s32 s26, s23;
	[sflag:s28] =	ssyncset.done @!p1 $0x0  }
0x3ae: {  	s25 =	sshll.u32 s25, $0xB;
	s29 =	smov.u32 s24;
	[sflag:s28] =	ssyncadd.s32 @!p1 $0xFFFFFF80  }
0x3af: {  	s25 =	sadd.s32 $0xD890, s25;
	v3 =	vmov s26;
	s26 =	simm.s32 $0x0;
	s28 =	simm.s32 $0x40;
	v5 =	vld.msk [tilespmem:s24+$0x0 ss:$0x0], $0xffff  }
.LBB2_13:
0x3b0: {  	p1 =	sne.s32 s28, $0x1FC0;
	v6 =	vld.idx.msk [tilespmem:v4+s26+$0x0 ss:$0x1], $0xffff;
	_ =	sdelay $0x4  }
.Ltmp5:
0x3b1: {  	(pc) =	sbr.rel @p1 .LBB2_13-.Ltmp5, $3  }
0x3b2: {  	v5 =	vmul.f32 v5, v6;
	_ =	sdelay $0x1  }
0x3b3: {  	s29 =	sadd.s32 $0x1, s29;
	[tilespmem:v3+s26+$0x0 ss:$0x1] =	vst.idx.msk $0xffff, v5  }
0x3b4: {  	s26 =	sshra.s32 s28, $0x2;
	s28 =	sadd.s32 $0x40, s28;
	v5 =	vld.msk [tilespmem:s29+$0x0 ss:$0x0], $0xffff  }
0x3b5: {  	_ =	sdelay $0x3  }
0x3b6: {  	v4 =	vld.idx.msk [tilespmem:v4+s26+$0x0 ss:$0x1], $0xffff;
	_ =	sdelay $0x3  }
0x3b7: {  	s28 =	sshll.u32 s22, $0x7;
	s22 =	sadd.s32 $0x1, s22  }
0x3b8: {  	p1 =	sne.s32 s22, $0x51;
	v4 =	vmul.f32 v5, v4  }
.Ltmp6:
0x3b9: {  	_ = 	snop;
	(pc) =	sbr.rel @p1 .LBB2_12-.Ltmp6, $4  }
0x3ba: {  	s23 =	sadd.s32 $0x800, s23;
	s29 =	sadd.s32 $0x2880, s28;
	[tilespmem:v3+s26+$0x0 ss:$0x1] =	vst.idx.msk $0xffff, v4  }
0x3bb: {  	[spmem:s2] =	stream.indirect.scatter.add.f32 [tilespmem:s25], [sflag:$0x2], $0x10, s29, s0, $0xb8;
	[tilespmem:$0x1C298] =	vst v63  }
0x3bc: {  	p0 =	por !p0, !p0;
	s24 =	sadd.s32 $0x80, s24;
	s31 =	sadd.s32 $0xA000, s28  }
0x3bd: {  	[spmem:s4] =	stream.indirect.scatter.add.f32 [tilespmem:s31], [sflag:$0x2], $0x1, s29, s0, $0xb8;
	[tilespmem:$0x1C298] =	vst v63  }
0x3be: {  	_ =	swait.ge [sflag:s7], $0x800  }
0x3bf: {  	[sflag:s7] =	ssyncset.done $0x0  }
0x3c0: {  	[sflag:s7] =	ssyncadd.s32 $0xFFFFF800  }
0x3c1: {  	_ =	swait.ge [sflag:s7], $0x80  }
0x3c2: {  	[sflag:s7] =	ssyncset.done $0x0  }
0x3c3: {  	[sflag:s7] =	ssyncadd.s32 $0xFFFFFF80  }
0x3c4: {  	_ =	swait.ge [sflag:s7], $0x800  }
0x3c5: {  	[sflag:s7] =	ssyncset.done $0x0  }
0x3c6: {  	[sflag:s7] =	ssyncadd.s32 $0xFFFFF800  }
0x3c7: {  	_ =	swait.ge [sflag:s7], $0x80  }
0x3c8: {  	[sflag:s7] =	ssyncset.done $0x0  }
0x3c9: {  	[sflag:s7] =	ssyncadd.s32 $0xFFFFFF80  }
0x3ca: {  	_ =	swait.ge [sflag:s7], $0x800  }
0x3cb: {  	[sflag:s7] =	ssyncset.done $0x0  }
0x3cc: {  	[sflag:s7] =	ssyncadd.s32 $0xFFFFF800  }
0x3cd: {  	_ =	swait.ge [sflag:s7], $0x80  }
0x3ce: {  	[sflag:s7] =	ssyncset.done $0x0  }
0x3cf: {  	[sflag:s7] =	ssyncadd.s32 $0xFFFFFF80  }
0x3d0: {  	[bflag:$0x0] =	sbarrier.arrive $0xFFFF  }
0x3d1: {  	s22 =	rddreg [dreg:$0x12]  }
0x3d2: {  	[hbm:s22], [sflag:s18] =	dma.local [spmem:s19], $0x4F0  }
0x3d3: {  	_ =	swait.ge [sflag:s1], $0x4F0  }
0x3d4: {  	[sflag:s1] =	ssyncset.done $0x0  }
0x3d5: {  	s29 =	rddreg [dreg:$0x13];
	[sflag:s1] =	ssyncadd.s32 $0xFFFFFB10  }
0x3d6: {  	[hbm:s29], [sflag:s18] =	dma.local [spmem:s21], $0x4F  }
0x3d7: {  	_ =	swait.ge [sflag:s1], $0x4F  }
0x3d8: {  	s16 =	sadd.s32 $0x1, s16;
	s31 =	rddreg [dreg:$0x14]  }
0x3d9: {  	p0 =	sne.s32 s16, s31  }
.Ltmp7:
0x3da: {  	_ = 	snop;
	(pc) =	sbr.rel @p0 .LBB2_1-.Ltmp7, $3  }
0x3db: {  	_ =	sdelay $0x1  }
0x3dc: {  	[sflag:s1] =	ssyncset.done $0x0  }
0x3dd: {  	[sflag:s1] =	ssyncadd.s32 $0xFFFFFFB1  }
0x3de: {  	_ =	sfence.sel $0x180000  }
0x3df: {  	[bflag:$0x0] =	sbarrier.arrive $0xFFFF  }
0x3e0: {  	_ =	strace $0x90000047  }
0x3e1: {  	s0 =	stileid.u32;
	[bflag:$0x2] =	sbarrier.arrive $0xFFFF  }
0x3e2: {  	p0 =	sne.s32 s0, $0x0;
	s0 =	rddreg [dreg:$0x6]  }
0x3e3: {  	s0 =	sadd.s32 @!p0 $0x100000, s0  }
0x3e4: {  	[sflag:s0] =	ssyncadd.tile.s32 @!p0 $0x1;
	_ =	shalt  }
.Lfunc_end2:
_tile_overlayer_lowered:
.L_overlay_start_2:
0x3e5: {  	(tag) =	ssettag $0x2  }
0x3e6: {  	s0 =	rddreg [dreg:$0x0];
	s2 =	stileid.u32  }
0x3e7: {  	s1 =	rddreg [dreg:$0x1];
	p0 =	sne.s32 s2, $0x0  }
0x3e8: {  	s3 =	rddreg [dreg:$0x2];
	[bflag:$0x3] =	sbarrier.arrive $0xFFFF;
	s2 =	simm.s32 @!p0 $0x1C04  }
0x3e9: {  	[timem:s3], [sflag:s2] =	dma.local @!p0 [hbm:s0], s1  }
0x3ea: {  	s0 =	simm.s32 @!p0 $0x4  }
0x3eb: {  	_ =	swait.ge @!p0 [sflag:s0], s1  }
0x3ec: {  	s1 =	ssub.s32 @!p0 $0x0, s1;
	[sflag:s0] =	ssyncset.done @!p0 $0x0  }
0x3ed: {  	[sflag:s0] =	ssyncadd.s32 @!p0 s1  }
0x3ee: {  	[bflag:$0x3] =	sbarrier.arrive $0xFFFF  }
0x3ef: {  	_ =	shalt  }

</sc_bundles>
